<compile_context>
chip_gen: v7x
topology: tpu7x:2x2x1
jax: 0.10.2.dev20260603
libtpu: 0.0.44.dev20260713+nightly
codegen_flags: <defaults>
</compile_context>

<pallas_src>
import jax
import jax.numpy as jnp
from jax import lax
from jax.experimental import pallas as pl
from jax.experimental.pallas import tpu as pltpu
from jax.experimental.pallas import tpu_sc as plsc

N_NODES = 10000
D_IN = 128
D_HID = 64
E_EDGES = 320000

NC = 2
NS = 16
NW = NC * NS
N_PAD = 10240
ROWS_PT = N_PAD // NS
CHUNK = 128
KCH = 80
EPW = KCH * CHUNK
E_PAD = NW * EPW
NBUF = 4

NH = N_NODES // 2
NPH = N_PAD // 2

_MESH = plsc.VectorSubcoreMesh(
    core_axis_name="c", subcore_axis_name="s", num_cores=NC, num_subcores=NS)

_SC_PARAMS = pltpu.CompilerParams(use_tc_tiling_on_sc=False)


def _wid():
    return lax.axis_index("s") * NC + lax.axis_index("c")


def _fill(ref, value):
    rows, cols = ref.shape

    @pl.loop(0, rows)
    def _(i):
        for j in range(cols // 16):
            ref[i, pl.ds(j * 16, 16)] = jnp.full((16,), value, jnp.float32)


def _zero_acc(acc_sh, s, zbuf):
    _fill(zbuf, 0.0)
    reps = ROWS_PT // zbuf.shape[0]
    for r in range(reps):
        pltpu.sync_copy(
            zbuf, acc_sh.at[pl.ds(s * ROWS_PT + r * zbuf.shape[0],
                                  zbuf.shape[0])])


def _copy_out(acc_sh, c, s, out0_hbm, out1_hbm):
    @pl.when(c == 0)
    def _():
        pltpu.sync_copy(acc_sh.at[pl.ds(s * ROWS_PT, ROWS_PT)],
                        out0_hbm.at[pl.ds(s * ROWS_PT, ROWS_PT)])

    @pl.when(c == 1)
    def _():
        pltpu.sync_copy(acc_sh.at[pl.ds(s * ROWS_PT, ROWS_PT)],
                        out1_hbm.at[pl.ds(s * ROWS_PT, ROWS_PT)])


def _deg_body(edges_hbm, out0_hbm, out1_hbm, idx_v, ones_v, acc_sh, sem):
    c = lax.axis_index("c")
    s = lax.axis_index("s")
    _zero_acc(acc_sh, s, ones_v)
    _fill(ones_v, 1.0)
    pltpu.sync_copy(edges_hbm.at[1, _wid()], idx_v)
    plsc.subcore_barrier()

    @pl.loop(0, KCH)
    def _fire(g):
        pltpu.async_copy(ones_v, acc_sh.at[idx_v.at[g]], sem, add=True)

    @pl.loop(0, KCH)
    def _drain(g):
        pltpu.make_async_copy(ones_v, acc_sh.at[idx_v.at[g]], sem).wait()

    plsc.subcore_barrier()
    _copy_out(acc_sh, c, s, out0_hbm, out1_hbm)


_deg_kernel = pl.kernel(
    _deg_body,
    out_type=(jax.ShapeDtypeStruct((N_PAD, D_HID), jnp.float32),
              jax.ShapeDtypeStruct((N_PAD, D_HID), jnp.float32)),
    mesh=_MESH,
    scratch_types=[
        pltpu.VMEM((KCH, CHUNK), jnp.int32),
        pltpu.VMEM((CHUNK, D_HID), jnp.float32),
        pltpu.VMEM_SHARED((N_PAD, D_HID), jnp.float32),
        pltpu.SemaphoreType.DMA,
    ],
    compiler_params=_SC_PARAMS,
)


def _agg_body(h_hbm, edges_hbm, out0_hbm, out1_hbm,
              src_v, dst_v, b0, b1, b2, b3, acc_sh,
              g0, g1, g2, g3, s0, s1, s2, s3):
    c = lax.axis_index("c")
    s = lax.axis_index("s")
    bufs = (b0, b1, b2, b3)
    gsems = (g0, g1, g2, g3)
    ssems = (s0, s1, s2, s3)

    _zero_acc(acc_sh, s, b0)
    pltpu.sync_copy(edges_hbm.at[0, _wid()], src_v)
    pltpu.sync_copy(edges_hbm.at[1, _wid()], dst_v)
    plsc.subcore_barrier()

    for j in range(NBUF - 1):
        pltpu.async_copy(h_hbm.at[src_v.at[j]], bufs[j], gsems[j])

    @pl.loop(0, KCH, step=NBUF)
    def _ring(k0):
        for b in range(NBUF):
            k = k0 + b
            pltpu.make_async_copy(h_hbm.at[src_v.at[k]],
                                  bufs[b], gsems[b]).wait()
            pltpu.async_copy(bufs[b], acc_sh.at[dst_v.at[k]],
                             ssems[b], add=True)
            nb = (b + NBUF - 1) % NBUF
            nxt = k + NBUF - 1

            @pl.when(nxt < KCH)
            def _():
                @pl.when(k >= 1)
                def _():
                    pltpu.make_async_copy(bufs[nb], acc_sh.at[dst_v.at[0]],
                                          ssems[nb]).wait()

                pltpu.async_copy(h_hbm.at[src_v.at[nxt]], bufs[nb], gsems[nb])

    for b in range(NBUF):
        pltpu.make_async_copy(bufs[b], acc_sh.at[dst_v.at[0]],
                              ssems[b]).wait()

    plsc.subcore_barrier()
    _copy_out(acc_sh, c, s, out0_hbm, out1_hbm)


_agg_kernel = pl.kernel(
    _agg_body,
    out_type=(jax.ShapeDtypeStruct((N_PAD, D_HID), jnp.float32),
              jax.ShapeDtypeStruct((N_PAD, D_HID), jnp.float32)),
    mesh=_MESH,
    scratch_types=(
        [pltpu.VMEM((KCH, CHUNK), jnp.int32)] * 2
        + [pltpu.VMEM((CHUNK, D_HID), jnp.float32)] * NBUF
        + [pltpu.VMEM_SHARED((N_PAD, D_HID), jnp.float32)]
        + [pltpu.SemaphoreType.DMA] * (2 * NBUF)
    ),
    compiler_params=_SC_PARAMS,
)



def _pair_matmul(zp, w):
    k = w.shape[0]
    left = jnp.dot(zp[:, 0:k], w, preferred_element_type=jnp.float32)
    right = jnp.dot(zp[:, k:2 * k], w, preferred_element_type=jnp.float32)
    return jnp.concatenate([left, right], axis=1)


def _stage_a_body(xp_ref, w1_ref, s0_ref, s1_ref, h1p_ref, dinv_ref):
    dinv = lax.rsqrt(s0_ref[...] + s1_ref[...] + 1.0)
    dinv_ref[...] = dinv
    h = _pair_matmul(xp_ref[...], w1_ref[...])
    h1p_ref[pl.ds(0, NH), :] = dinv[0:NH, :] * h
    h1p_ref[pl.ds(NH, NPH - NH), :] = jnp.zeros((NPH - NH, 2 * D_HID),
                                                jnp.float32)


def _stage_b_body(agg0_ref, agg1_ref, h1p_ref, dinv_ref, b1_ref, w2_ref,
                  h2p_ref):
    dinv = dinv_ref[...]
    z = dinv * (agg0_ref[...] + agg1_ref[...] + h1p_ref[...]) + b1_ref[...]
    h2p_ref[...] = dinv * _pair_matmul(jax.nn.relu(z), w2_ref[...])


def _stage_c_body(agg0_ref, agg1_ref, h2p_ref, dinv_ref, b2_ref, out_ref):
    n = pl.ds(0, NH)
    z = (dinv_ref[n, :] * (agg0_ref[n, :] + agg1_ref[n, :] + h2p_ref[n, :])
         + b2_ref[...])
    for half in range(2):
        zh = z[:, half * D_HID:(half + 1) * D_HID]
        m = jnp.max(zh, axis=1, keepdims=True)
        e = jnp.exp(zh - m)
        out_ref[:, pl.ds(half * D_HID, D_HID)] = (
            (zh - m) - jnp.log(jnp.sum(e, axis=1, keepdims=True)))


@jax.jit
def kernel(x, edge_index, W1, b1, W2, b2):
    n_extra = E_PAD - E_EDGES
    pad_src = jnp.arange(n_extra, dtype=jnp.int32) % N_PAD
    pad_dst = N_NODES + jnp.arange(n_extra, dtype=jnp.int32) % (N_PAD - N_NODES)
    pads = jnp.stack([pad_src, pad_dst])
    edges = jnp.concatenate([edge_index, pads], axis=1).reshape(
        2, NW, KCH, CHUNK)

    xp = x.reshape(NH, 2 * D_IN)
    b1p = jnp.tile(b1, 2).reshape(1, 2 * D_HID)
    b2p = jnp.tile(b2, 2).reshape(1, 2 * D_HID)

    deg0, deg1 = _deg_kernel(edges)

    h1p, dinvp = pl.pallas_call(
        _stage_a_body,
        out_shape=[jax.ShapeDtypeStruct((NPH, 2 * D_HID), jnp.float32),
                   jax.ShapeDtypeStruct((NPH, 2 * D_HID), jnp.float32)],
    )(xp, W1, deg0.reshape(NPH, 2 * D_HID), deg1.reshape(NPH, 2 * D_HID))

    agg1_0, agg1_1 = _agg_kernel(h1p.reshape(N_PAD, D_HID), edges)

    (h2p,) = pl.pallas_call(
        _stage_b_body,
        out_shape=[jax.ShapeDtypeStruct((NPH, 2 * D_HID), jnp.float32)],
    )(agg1_0.reshape(NPH, 2 * D_HID), agg1_1.reshape(NPH, 2 * D_HID),
      h1p, dinvp, b1p, W2)

    agg2_0, agg2_1 = _agg_kernel(h2p.reshape(N_PAD, D_HID), edges)

    (outp,) = pl.pallas_call(
        _stage_c_body,
        out_shape=[jax.ShapeDtypeStruct((NH, 2 * D_HID), jnp.float32)],
    )(agg2_0.reshape(NPH, 2 * D_HID), agg2_1.reshape(NPH, 2 * D_HID),
      h2p, dinvp, b2p)

    return outp.reshape(N_NODES, D_HID)

# --- scband reference (transcript-rebuilt; emitter-appended) ---
"""Pipeline reference for scband-neural-network-75479755260510 (READ-ONLY COPY).

The authoritative reference and input builder live on the scoring server;
editing this copy changes nothing except your own understanding.
"""

import jax, jax.numpy as jnp
import numpy as np

N = 10000
E = 320000
D_IN = 128
D_HID = 64
D_OUT = 64


def gcn_conv(x, edge_index, W, b, num_nodes):
    # GCNConv: add self-loops, symmetric degree normalization, linear transform, scatter-add aggregate
    loop = jnp.arange(num_nodes, dtype=edge_index.dtype)
    src = jnp.concatenate([edge_index[0], loop])
    dst = jnp.concatenate([edge_index[1], loop])
    ones = jnp.ones(src.shape[0], dtype=x.dtype)
    deg = jnp.zeros((num_nodes,), dtype=x.dtype).at[dst].add(ones)
    dinv = jnp.where(deg > 0, deg ** -0.5, 0.0)
    norm = dinv[src] * dinv[dst]
    h = x @ W
    msg = h[src] * norm[:, None]
    out = jax.ops.segment_sum(msg, dst, num_segments=num_nodes)
    return out + b


def setup_inputs(seed: int = 0) -> dict:
    key = jax.random.key(seed)
    k1, k2, k3, k4 = jax.random.split(key, 4)
    x = jax.random.normal(k1, (N, D_IN), dtype=jnp.float32)
    edge_index = jax.random.randint(k2, (2, E), 0, N, dtype=jnp.int32)
    # glorot-style init for GCN layer weights
    W1 = jax.random.normal(k3, (D_IN, D_HID), dtype=jnp.float32) * (2.0 / (D_IN + D_HID)) ** 0.5
    b1 = jnp.zeros((D_HID,), dtype=jnp.float32)
    W2 = jax.random.normal(k4, (D_HID, D_OUT), dtype=jnp.float32) * (2.0 / (D_HID + D_OUT)) ** 0.5
    b2 = jnp.zeros((D_OUT,), dtype=jnp.float32)
    return {"x": x, "edge_index": edge_index, "W1": W1, "b1": b1, "W2": W2, "b2": b2}


def reference(x, edge_index, W1, b1, W2, b2):
    h = jax.nn.relu(gcn_conv(x, edge_index, W1, b1, N))
    # dropout is identity in eval mode
    h = gcn_conv(h, edge_index, W2, b2, N)
    return jax.nn.log_softmax(h, axis=1)

if __name__ == "__main__":
    import jax
    _d = setup_inputs()
    print(jax.jit(kernel)(*tuple(_d.values())))

</pallas_src>

<mosaic_0001>
#map = affine_map<(d0, d1) -> (0, 0, 0, 0)>
#map1 = affine_map<(d0, d1) -> (0, 0)>
module attributes {stable_mosaic.version = 14 : i64} {
  func.func @_deg_body(%arg0: i32, %arg1: i32, %arg2: memref<2x32x80x128xi32, #tpu.memory_space<hbm>>, %arg3: memref<10240x64xf32, #tpu.memory_space<hbm>>, %arg4: memref<10240x64xf32, #tpu.memory_space<hbm>>, %arg5: memref<80x128xi32, #tpu.memory_space<vmem>>, %arg6: memref<128x64xf32, #tpu.memory_space<vmem>>, %arg7: memref<10240x64xf32, #tpu.memory_space<vmem_shared>>, %arg8: memref<!tpu.dma_semaphore, #tpu.memory_space<semaphore_mem>>) attributes {dimension_semantics = [#tpu.dimension_semantics<core_parallel>, #tpu.dimension_semantics<subcore_parallel>], iteration_bounds = array<i64: 2, 16>, scalar_prefetch = 0 : i64, scratch_operands = 4 : i64, tpu.core_type = #tpu.core_type<sc_vector_subcore>, window_params = [{transform_indices = #map}, {transform_indices = #map1}, {transform_indices = #map1}]} {
    %scan3A = arith.constant 0 : i32
    %scan3A_0 = arith.constant 128 : i32
    %scan3A_1 = arith.addi %scan3A, %scan3A_0 : i32
    %scan3A_2 = arith.constant 1 : i32
    scf.for %scan3A_48 = %scan3A to %scan3A_1 step %scan3A_2  : i32 {
      %mul3A_49 = arith.constant 1 : i32
      %mul3A_50 = arith.muli %scan3A_48, %mul3A_49 : i32
      %add3A_51 = arith.constant 0 : i32
      %add3A_52 = arith.addi %add3A_51, %mul3A_50 : i32
      %broadcast_in_dim3A = arith.constant 0.000000e+00 : f32
      %broadcast_in_dim3A_53 = vector.broadcast %broadcast_in_dim3A : f32 to vector<16xf32>
      %swap3A = arith.index_cast %add3A_52 : i32 to index
      %swap3A_54 = arith.constant 0 : index
      %swap3A_55 = tpu.vector_load %arg6[%swap3A, %swap3A_54] {strides = array<i32>} : memref<128x64xf32, #tpu.memory_space<vmem>>, vector<1x16xf32>,
      %swap3A_56 = vector.shape_cast %swap3A_55 : vector<1x16xf32> to vector<16xf32>
      %swap3A_57 = vector.shape_cast %broadcast_in_dim3A_53 : vector<16xf32> to vector<1x16xf32>
      tpu.vector_store %arg6[%swap3A, %swap3A_54], %swap3A_57 {strides = array<i32>} : memref<128x64xf32, #tpu.memory_space<vmem>>, vector<1x16xf32>,
      %broadcast_in_dim3A_58 = arith.constant 0.000000e+00 : f32
      %broadcast_in_dim3A_59 = vector.broadcast %broadcast_in_dim3A_58 : f32 to vector<16xf32>
      %swap3A_60 = arith.index_cast %add3A_52 : i32 to index
      %swap3A_61 = arith.constant 16 : index
      %swap3A_62 = tpu.vector_load %arg6[%swap3A_60, %swap3A_61] {strides = array<i32>} : memref<128x64xf32, #tpu.memory_space<vmem>>, vector<1x16xf32>,
      %swap3A_63 = vector.shape_cast %swap3A_62 : vector<1x16xf32> to vector<16xf32>
      %swap3A_64 = vector.shape_cast %broadcast_in_dim3A_59 : vector<16xf32> to vector<1x16xf32>
      tpu.vector_store %arg6[%swap3A_60, %swap3A_61], %swap3A_64 {strides = array<i32>} : memref<128x64xf32, #tpu.memory_space<vmem>>, vector<1x16xf32>,
      %broadcast_in_dim3A_65 = arith.constant 0.000000e+00 : f32
      %broadcast_in_dim3A_66 = vector.broadcast %broadcast_in_dim3A_65 : f32 to vector<16xf32>
      %swap3A_67 = arith.index_cast %add3A_52 : i32 to index
      %swap3A_68 = arith.constant 32 : index
      %swap3A_69 = tpu.vector_load %arg6[%swap3A_67, %swap3A_68] {strides = array<i32>} : memref<128x64xf32, #tpu.memory_space<vmem>>, vector<1x16xf32>,
      %swap3A_70 = vector.shape_cast %swap3A_69 : vector<1x16xf32> to vector<16xf32>
      %swap3A_71 = vector.shape_cast %broadcast_in_dim3A_66 : vector<16xf32> to vector<1x16xf32>
      tpu.vector_store %arg6[%swap3A_67, %swap3A_68], %swap3A_71 {strides = array<i32>} : memref<128x64xf32, #tpu.memory_space<vmem>>, vector<1x16xf32>,
      %broadcast_in_dim3A_72 = arith.constant 0.000000e+00 : f32
      %broadcast_in_dim3A_73 = vector.broadcast %broadcast_in_dim3A_72 : f32 to vector<16xf32>
      %swap3A_74 = arith.index_cast %add3A_52 : i32 to index
      %swap3A_75 = arith.constant 48 : index
      %swap3A_76 = tpu.vector_load %arg6[%swap3A_74, %swap3A_75] {strides = array<i32>} : memref<128x64xf32, #tpu.memory_space<vmem>>, vector<1x16xf32>,
      %swap3A_77 = vector.shape_cast %swap3A_76 : vector<1x16xf32> to vector<16xf32>
      %swap3A_78 = vector.shape_cast %broadcast_in_dim3A_73 : vector<16xf32> to vector<1x16xf32>
      tpu.vector_store %arg6[%swap3A_74, %swap3A_75], %swap3A_78 {strides = array<i32>} : memref<128x64xf32, #tpu.memory_space<vmem>>, vector<1x16xf32>,
    }
    %scan3A_3 = arith.constant 128 : i32
    %mul3A = arith.constant 640 : i32
    %mul3A_4 = arith.muli %arg1, %mul3A : i32
    %add3A = arith.constant 0 : i32
    %add3A_5 = arith.addi %mul3A_4, %add3A : i32
    "tpu.region"() ({
      %run_scoped3A_48 = tpu.sem_alloc : memref<!tpu.dma_semaphore, #tpu.memory_space<semaphore_mem>>
      %dma_start3A = arith.constant 0 : i32
      %dma_start3A_49 = tpu.memref_slice %arg7[%add3A_5, %dma_start3A] : memref<10240x64xf32, #tpu.memory_space<vmem_shared>> -> memref<128x64xf32, #tpu.memory_space<vmem_shared>>
      %dma_start3A_50 = arith.constant 0 : i32
      %dma_start3A_51 = tpu.memref_slice %arg7[%add3A_5, %dma_start3A_50] : memref<10240x64xf32, #tpu.memory_space<vmem_shared>> -> memref<128x64xf32, #tpu.memory_space<vmem_shared>>
      tpu.enqueue_dma source(%arg6 : memref<128x64xf32, #tpu.memory_space<vmem>>) target(%dma_start3A_51 : memref<128x64xf32, #tpu.memory_space<vmem_shared>>) target_semaphore(%run_scoped3A_48 : memref<!tpu.dma_semaphore, #tpu.memory_space<semaphore_mem>>)
      %dma_wait3A = arith.constant 0 : i32
      %dma_wait3A_52 = tpu.memref_slice %arg7[%add3A_5, %dma_wait3A] : memref<10240x64xf32, #tpu.memory_space<vmem_shared>> -> memref<128x64xf32, #tpu.memory_space<vmem_shared>>
      %dma_wait3A_53 = arith.constant 0 : i32
      %dma_wait3A_54 = tpu.memref_slice %arg7[%add3A_5, %dma_wait3A_53] : memref<10240x64xf32, #tpu.memory_space<vmem_shared>> -> memref<128x64xf32, #tpu.memory_space<vmem_shared>>
      tpu.wait_dma2 semaphore(%run_scoped3A_48 : memref<!tpu.dma_semaphore, #tpu.memory_space<semaphore_mem>>) src(%arg6 : memref<128x64xf32, #tpu.memory_space<vmem>>) dst(%dma_wait3A_54 : memref<128x64xf32, #tpu.memory_space<vmem_shared>>)
      tpu.yield
    }) : () -> ()
    %mul3A_6 = arith.constant 640 : i32
    %mul3A_7 = arith.muli %arg1, %mul3A_6 : i32
    %add3A_8 = arith.constant 128 : i32
    %add3A_9 = arith.addi %mul3A_7, %add3A_8 : i32
    "tpu.region"() ({
      %run_scoped3A_48 = tpu.sem_alloc : memref<!tpu.dma_semaphore, #tpu.memory_space<semaphore_mem>>
      %dma_start3A = arith.constant 0 : i32
      %dma_start3A_49 = tpu.memref_slice %arg7[%add3A_9, %dma_start3A] : memref<10240x64xf32, #tpu.memory_space<vmem_shared>> -> memref<128x64xf32, #tpu.memory_space<vmem_shared>>
      %dma_start3A_50 = arith.constant 0 : i32
      %dma_start3A_51 = tpu.memref_slice %arg7[%add3A_9, %dma_start3A_50] : memref<10240x64xf32, #tpu.memory_space<vmem_shared>> -> memref<128x64xf32, #tpu.memory_space<vmem_shared>>
      tpu.enqueue_dma source(%arg6 : memref<128x64xf32, #tpu.memory_space<vmem>>) target(%dma_start3A_51 : memref<128x64xf32, #tpu.memory_space<vmem_shared>>) target_semaphore(%run_scoped3A_48 : memref<!tpu.dma_semaphore, #tpu.memory_space<semaphore_mem>>)
      %dma_wait3A = arith.constant 0 : i32
      %dma_wait3A_52 = tpu.memref_slice %arg7[%add3A_9, %dma_wait3A] : memref<10240x64xf32, #tpu.memory_space<vmem_shared>> -> memref<128x64xf32, #tpu.memory_space<vmem_shared>>
      %dma_wait3A_53 = arith.constant 0 : i32
      %dma_wait3A_54 = tpu.memref_slice %arg7[%add3A_9, %dma_wait3A_53] : memref<10240x64xf32, #tpu.memory_space<vmem_shared>> -> memref<128x64xf32, #tpu.memory_space<vmem_shared>>
      tpu.wait_dma2 semaphore(%run_scoped3A_48 : memref<!tpu.dma_semaphore, #tpu.memory_space<semaphore_mem>>) src(%arg6 : memref<128x64xf32, #tpu.memory_space<vmem>>) dst(%dma_wait3A_54 : memref<128x64xf32, #tpu.memory_space<vmem_shared>>)
      tpu.yield
    }) : () -> ()
    %mul3A_10 = arith.constant 640 : i32
    %mul3A_11 = arith.muli %arg1, %mul3A_10 : i32
    %add3A_12 = arith.constant 256 : i32
    %add3A_13 = arith.addi %mul3A_11, %add3A_12 : i32
    "tpu.region"() ({
      %run_scoped3A_48 = tpu.sem_alloc : memref<!tpu.dma_semaphore, #tpu.memory_space<semaphore_mem>>
      %dma_start3A = arith.constant 0 : i32
      %dma_start3A_49 = tpu.memref_slice %arg7[%add3A_13, %dma_start3A] : memref<10240x64xf32, #tpu.memory_space<vmem_shared>> -> memref<128x64xf32, #tpu.memory_space<vmem_shared>>
      %dma_start3A_50 = arith.constant 0 : i32
      %dma_start3A_51 = tpu.memref_slice %arg7[%add3A_13, %dma_start3A_50] : memref<10240x64xf32, #tpu.memory_space<vmem_shared>> -> memref<128x64xf32, #tpu.memory_space<vmem_shared>>
      tpu.enqueue_dma source(%arg6 : memref<128x64xf32, #tpu.memory_space<vmem>>) target(%dma_start3A_51 : memref<128x64xf32, #tpu.memory_space<vmem_shared>>) target_semaphore(%run_scoped3A_48 : memref<!tpu.dma_semaphore, #tpu.memory_space<semaphore_mem>>)
      %dma_wait3A = arith.constant 0 : i32
      %dma_wait3A_52 = tpu.memref_slice %arg7[%add3A_13, %dma_wait3A] : memref<10240x64xf32, #tpu.memory_space<vmem_shared>> -> memref<128x64xf32, #tpu.memory_space<vmem_shared>>
      %dma_wait3A_53 = arith.constant 0 : i32
      %dma_wait3A_54 = tpu.memref_slice %arg7[%add3A_13, %dma_wait3A_53] : memref<10240x64xf32, #tpu.memory_space<vmem_shared>> -> memref<128x64xf32, #tpu.memory_space<vmem_shared>>
      tpu.wait_dma2 semaphore(%run_scoped3A_48 : memref<!tpu.dma_semaphore, #tpu.memory_space<semaphore_mem>>) src(%arg6 : memref<128x64xf32, #tpu.memory_space<vmem>>) dst(%dma_wait3A_54 : memref<128x64xf32, #tpu.memory_space<vmem_shared>>)
      tpu.yield
    }) : () -> ()
    %mul3A_14 = arith.constant 640 : i32
    %mul3A_15 = arith.muli %arg1, %mul3A_14 : i32
    %add3A_16 = arith.constant 384 : i32
    %add3A_17 = arith.addi %mul3A_15, %add3A_16 : i32
    "tpu.region"() ({
      %run_scoped3A_48 = tpu.sem_alloc : memref<!tpu.dma_semaphore, #tpu.memory_space<semaphore_mem>>
      %dma_start3A = arith.constant 0 : i32
      %dma_start3A_49 = tpu.memref_slice %arg7[%add3A_17, %dma_start3A] : memref<10240x64xf32, #tpu.memory_space<vmem_shared>> -> memref<128x64xf32, #tpu.memory_space<vmem_shared>>
      %dma_start3A_50 = arith.constant 0 : i32
      %dma_start3A_51 = tpu.memref_slice %arg7[%add3A_17, %dma_start3A_50] : memref<10240x64xf32, #tpu.memory_space<vmem_shared>> -> memref<128x64xf32, #tpu.memory_space<vmem_shared>>
      tpu.enqueue_dma source(%arg6 : memref<128x64xf32, #tpu.memory_space<vmem>>) target(%dma_start3A_51 : memref<128x64xf32, #tpu.memory_space<vmem_shared>>) target_semaphore(%run_scoped3A_48 : memref<!tpu.dma_semaphore, #tpu.memory_space<semaphore_mem>>)
      %dma_wait3A = arith.constant 0 : i32
      %dma_wait3A_52 = tpu.memref_slice %arg7[%add3A_17, %dma_wait3A] : memref<10240x64xf32, #tpu.memory_space<vmem_shared>> -> memref<128x64xf32, #tpu.memory_space<vmem_shared>>
      %dma_wait3A_53 = arith.constant 0 : i32
      %dma_wait3A_54 = tpu.memref_slice %arg7[%add3A_17, %dma_wait3A_53] : memref<10240x64xf32, #tpu.memory_space<vmem_shared>> -> memref<128x64xf32, #tpu.memory_space<vmem_shared>>
      tpu.wait_dma2 semaphore(%run_scoped3A_48 : memref<!tpu.dma_semaphore, #tpu.memory_space<semaphore_mem>>) src(%arg6 : memref<128x64xf32, #tpu.memory_space<vmem>>) dst(%dma_wait3A_54 : memref<128x64xf32, #tpu.memory_space<vmem_shared>>)
      tpu.yield
    }) : () -> ()
    %mul3A_18 = arith.constant 640 : i32
    %mul3A_19 = arith.muli %arg1, %mul3A_18 : i32
    %add3A_20 = arith.constant 512 : i32
    %add3A_21 = arith.addi %mul3A_19, %add3A_20 : i32
    "tpu.region"() ({
      %run_scoped3A_48 = tpu.sem_alloc : memref<!tpu.dma_semaphore, #tpu.memory_space<semaphore_mem>>
      %dma_start3A = arith.constant 0 : i32
      %dma_start3A_49 = tpu.memref_slice %arg7[%add3A_21, %dma_start3A] : memref<10240x64xf32, #tpu.memory_space<vmem_shared>> -> memref<128x64xf32, #tpu.memory_space<vmem_shared>>
      %dma_start3A_50 = arith.constant 0 : i32
      %dma_start3A_51 = tpu.memref_slice %arg7[%add3A_21, %dma_start3A_50] : memref<10240x64xf32, #tpu.memory_space<vmem_shared>> -> memref<128x64xf32, #tpu.memory_space<vmem_shared>>
      tpu.enqueue_dma source(%arg6 : memref<128x64xf32, #tpu.memory_space<vmem>>) target(%dma_start3A_51 : memref<128x64xf32, #tpu.memory_space<vmem_shared>>) target_semaphore(%run_scoped3A_48 : memref<!tpu.dma_semaphore, #tpu.memory_space<semaphore_mem>>)
      %dma_wait3A = arith.constant 0 : i32
      %dma_wait3A_52 = tpu.memref_slice %arg7[%add3A_21, %dma_wait3A] : memref<10240x64xf32, #tpu.memory_space<vmem_shared>> -> memref<128x64xf32, #tpu.memory_space<vmem_shared>>
      %dma_wait3A_53 = arith.constant 0 : i32
      %dma_wait3A_54 = tpu.memref_slice %arg7[%add3A_21, %dma_wait3A_53] : memref<10240x64xf32, #tpu.memory_space<vmem_shared>> -> memref<128x64xf32, #tpu.memory_space<vmem_shared>>
      tpu.wait_dma2 semaphore(%run_scoped3A_48 : memref<!tpu.dma_semaphore, #tpu.memory_space<semaphore_mem>>) src(%arg6 : memref<128x64xf32, #tpu.memory_space<vmem>>) dst(%dma_wait3A_54 : memref<128x64xf32, #tpu.memory_space<vmem_shared>>)
      tpu.yield
    }) : () -> ()
    %scan3A_22 = arith.constant 0 : i32
    %scan3A_23 = arith.constant 128 : i32
    %scan3A_24 = arith.addi %scan3A_22, %scan3A_23 : i32
    %scan3A_25 = arith.constant 1 : i32
    scf.for %scan3A_48 = %scan3A_22 to %scan3A_24 step %scan3A_25  : i32 {
      %mul3A_49 = arith.constant 1 : i32
      %mul3A_50 = arith.muli %scan3A_48, %mul3A_49 : i32
      %add3A_51 = arith.constant 0 : i32
      %add3A_52 = arith.addi %add3A_51, %mul3A_50 : i32
      %broadcast_in_dim3A = arith.constant 1.000000e+00 : f32
      %broadcast_in_dim3A_53 = vector.broadcast %broadcast_in_dim3A : f32 to vector<16xf32>
      %swap3A = arith.index_cast %add3A_52 : i32 to index
      %swap3A_54 = arith.constant 0 : index
      %swap3A_55 = tpu.vector_load %arg6[%swap3A, %swap3A_54] {strides = array<i32>} : memref<128x64xf32, #tpu.memory_space<vmem>>, vector<1x16xf32>,
      %swap3A_56 = vector.shape_cast %swap3A_55 : vector<1x16xf32> to vector<16xf32>
      %swap3A_57 = vector.shape_cast %broadcast_in_dim3A_53 : vector<16xf32> to vector<1x16xf32>
      tpu.vector_store %arg6[%swap3A, %swap3A_54], %swap3A_57 {strides = array<i32>} : memref<128x64xf32, #tpu.memory_space<vmem>>, vector<1x16xf32>,
      %broadcast_in_dim3A_58 = arith.constant 1.000000e+00 : f32
      %broadcast_in_dim3A_59 = vector.broadcast %broadcast_in_dim3A_58 : f32 to vector<16xf32>
      %swap3A_60 = arith.index_cast %add3A_52 : i32 to index
      %swap3A_61 = arith.constant 16 : index
      %swap3A_62 = tpu.vector_load %arg6[%swap3A_60, %swap3A_61] {strides = array<i32>} : memref<128x64xf32, #tpu.memory_space<vmem>>, vector<1x16xf32>,
      %swap3A_63 = vector.shape_cast %swap3A_62 : vector<1x16xf32> to vector<16xf32>
      %swap3A_64 = vector.shape_cast %broadcast_in_dim3A_59 : vector<16xf32> to vector<1x16xf32>
      tpu.vector_store %arg6[%swap3A_60, %swap3A_61], %swap3A_64 {strides = array<i32>} : memref<128x64xf32, #tpu.memory_space<vmem>>, vector<1x16xf32>,
      %broadcast_in_dim3A_65 = arith.constant 1.000000e+00 : f32
      %broadcast_in_dim3A_66 = vector.broadcast %broadcast_in_dim3A_65 : f32 to vector<16xf32>
      %swap3A_67 = arith.index_cast %add3A_52 : i32 to index
      %swap3A_68 = arith.constant 32 : index
      %swap3A_69 = tpu.vector_load %arg6[%swap3A_67, %swap3A_68] {strides = array<i32>} : memref<128x64xf32, #tpu.memory_space<vmem>>, vector<1x16xf32>,
      %swap3A_70 = vector.shape_cast %swap3A_69 : vector<1x16xf32> to vector<16xf32>
      %swap3A_71 = vector.shape_cast %broadcast_in_dim3A_66 : vector<16xf32> to vector<1x16xf32>
      tpu.vector_store %arg6[%swap3A_67, %swap3A_68], %swap3A_71 {strides = array<i32>} : memref<128x64xf32, #tpu.memory_space<vmem>>, vector<1x16xf32>,
      %broadcast_in_dim3A_72 = arith.constant 1.000000e+00 : f32
      %broadcast_in_dim3A_73 = vector.broadcast %broadcast_in_dim3A_72 : f32 to vector<16xf32>
      %swap3A_74 = arith.index_cast %add3A_52 : i32 to index
      %swap3A_75 = arith.constant 48 : index
      %swap3A_76 = tpu.vector_load %arg6[%swap3A_74, %swap3A_75] {strides = array<i32>} : memref<128x64xf32, #tpu.memory_space<vmem>>, vector<1x16xf32>,
      %swap3A_77 = vector.shape_cast %swap3A_76 : vector<1x16xf32> to vector<16xf32>
      %swap3A_78 = vector.shape_cast %broadcast_in_dim3A_73 : vector<16xf32> to vector<1x16xf32>
      tpu.vector_store %arg6[%swap3A_74, %swap3A_75], %swap3A_78 {strides = array<i32>} : memref<128x64xf32, #tpu.memory_space<vmem>>, vector<1x16xf32>,
    }
    %scan3A_26 = arith.constant 128 : i32
    %mul3A_27 = arith.constant 2 : i32
    %mul3A_28 = arith.muli %arg1, %mul3A_27 : i32
    %add3A_29 = arith.addi %mul3A_28, %arg0 : i32
    %run_scoped3A = arith.constant 1 : i32
    "tpu.region"() ({
      %run_scoped3A_48 = tpu.sem_alloc : memref<!tpu.dma_semaphore, #tpu.memory_space<semaphore_mem>>
      %dma_start3A = arith.constant 0 : i32
      %dma_start3A_49 = arith.constant 0 : i32
      %dma_start3A_50 = tpu.memref_slice %arg2[%run_scoped3A, %add3A_29, %dma_start3A, %dma_start3A_49] : memref<2x32x80x128xi32, #tpu.memory_space<hbm>> -> memref<1x1x80x128xi32, #tpu.memory_space<hbm>>
      %dma_start3A_51 = tpu.memref_squeeze %dma_start3A_50 : memref<1x1x80x128xi32, #tpu.memory_space<hbm>> -> memref<80x128xi32, #tpu.memory_space<hbm>>
      %dma_start3A_52 = arith.constant 0 : i32
      %dma_start3A_53 = arith.constant 0 : i32
      %dma_start3A_54 = tpu.memref_slice %arg2[%run_scoped3A, %add3A_29, %dma_start3A_52, %dma_start3A_53] : memref<2x32x80x128xi32, #tpu.memory_space<hbm>> -> memref<1x1x80x128xi32, #tpu.memory_space<hbm>>
      %dma_start3A_55 = tpu.memref_squeeze %dma_start3A_54 : memref<1x1x80x128xi32, #tpu.memory_space<hbm>> -> memref<80x128xi32, #tpu.memory_space<hbm>>
      tpu.enqueue_dma source(%dma_start3A_55 : memref<80x128xi32, #tpu.memory_space<hbm>>) target(%arg5 : memref<80x128xi32, #tpu.memory_space<vmem>>) target_semaphore(%run_scoped3A_48 : memref<!tpu.dma_semaphore, #tpu.memory_space<semaphore_mem>>)
      %dma_wait3A = arith.constant 0 : i32
      %dma_wait3A_56 = arith.constant 0 : i32
      %dma_wait3A_57 = tpu.memref_slice %arg2[%run_scoped3A, %add3A_29, %dma_wait3A, %dma_wait3A_56] : memref<2x32x80x128xi32, #tpu.memory_space<hbm>> -> memref<1x1x80x128xi32, #tpu.memory_space<hbm>>
      %dma_wait3A_58 = tpu.memref_squeeze %dma_wait3A_57 : memref<1x1x80x128xi32, #tpu.memory_space<hbm>> -> memref<80x128xi32, #tpu.memory_space<hbm>>
      %dma_wait3A_59 = arith.constant 0 : i32
      %dma_wait3A_60 = arith.constant 0 : i32
      %dma_wait3A_61 = tpu.memref_slice %arg2[%run_scoped3A, %add3A_29, %dma_wait3A_59, %dma_wait3A_60] : memref<2x32x80x128xi32, #tpu.memory_space<hbm>> -> memref<1x1x80x128xi32, #tpu.memory_space<hbm>>
      %dma_wait3A_62 = tpu.memref_squeeze %dma_wait3A_61 : memref<1x1x80x128xi32, #tpu.memory_space<hbm>> -> memref<80x128xi32, #tpu.memory_space<hbm>>
      tpu.wait_dma2 semaphore(%run_scoped3A_48 : memref<!tpu.dma_semaphore, #tpu.memory_space<semaphore_mem>>) src(%dma_wait3A_62 : memref<80x128xi32, #tpu.memory_space<hbm>>) dst(%arg5 : memref<80x128xi32, #tpu.memory_space<vmem>>)
      tpu.yield
    }) : () -> ()
    %barrier3A = arith.constant 0 : index
    tpu.barrier barrier_id(%barrier3A)
    %scan3A_30 = arith.constant 0 : i32
    %scan3A_31 = arith.constant 80 : i32
    %scan3A_32 = arith.addi %scan3A_30, %scan3A_31 : i32
    %scan3A_33 = arith.constant 1 : i32
    scf.for %scan3A_48 = %scan3A_30 to %scan3A_32 step %scan3A_33  : i32 {
      %mul3A_49 = arith.constant 1 : i32
      %mul3A_50 = arith.muli %scan3A_48, %mul3A_49 : i32
      %add3A_51 = arith.constant 0 : i32
      %add3A_52 = arith.addi %add3A_51, %mul3A_50 : i32
      %dma_start3A = arith.constant 0 : i32
      %dma_start3A_53 = tpu.memref_slice %arg5[%add3A_52, %dma_start3A] : memref<80x128xi32, #tpu.memory_space<vmem>> -> memref<1x128xi32, #tpu.memory_space<vmem>>
      %dma_start3A_54 = tpu.memref_squeeze %dma_start3A_53 : memref<1x128xi32, #tpu.memory_space<vmem>> -> memref<128xi32, #tpu.memory_space<vmem>>
      %dma_start3A_55 = arith.constant 0 : i32
      %dma_start3A_56 = arith.constant 0 : i32
      %dma_start3A_57 = tpu.memref_slice %arg7[%dma_start3A_55, %dma_start3A_56] : memref<10240x64xf32, #tpu.memory_space<vmem_shared>> -> memref<10240x64xf32, #tpu.memory_space<vmem_shared>>
      tpu.enqueue_indirect_dma source(%arg6 : memref<128x64xf32, #tpu.memory_space<vmem>>) target(%dma_start3A_57 : memref<10240x64xf32, #tpu.memory_space<vmem_shared>>) offsets(%dma_start3A_54 : memref<128xi32, #tpu.memory_space<vmem>>) semaphore(%arg8 : memref<!tpu.dma_semaphore, #tpu.memory_space<semaphore_mem>>) {add = true}
    }
    %scan3A_34 = arith.constant 80 : i32
    %scan3A_35 = arith.constant 0 : i32
    %scan3A_36 = arith.constant 80 : i32
    %scan3A_37 = arith.addi %scan3A_35, %scan3A_36 : i32
    %scan3A_38 = arith.constant 1 : i32
    scf.for %scan3A_48 = %scan3A_35 to %scan3A_37 step %scan3A_38  : i32 {
      %mul3A_49 = arith.constant 1 : i32
      %mul3A_50 = arith.muli %scan3A_48, %mul3A_49 : i32
      %add3A_51 = arith.constant 0 : i32
      %add3A_52 = arith.addi %add3A_51, %mul3A_50 : i32
      %dma_wait3A = arith.constant 0 : i32
      %dma_wait3A_53 = tpu.memref_slice %arg5[%add3A_52, %dma_wait3A] : memref<80x128xi32, #tpu.memory_space<vmem>> -> memref<1x128xi32, #tpu.memory_space<vmem>>
      %dma_wait3A_54 = tpu.memref_squeeze %dma_wait3A_53 : memref<1x128xi32, #tpu.memory_space<vmem>> -> memref<128xi32, #tpu.memory_space<vmem>>
      %dma_wait3A_55 = arith.constant 0 : i32
      %dma_wait3A_56 = arith.constant 0 : i32
      %dma_wait3A_57 = tpu.memref_slice %arg7[%dma_wait3A_55, %dma_wait3A_56] : memref<10240x64xf32, #tpu.memory_space<vmem_shared>> -> memref<10240x64xf32, #tpu.memory_space<vmem_shared>>
      tpu.wait_indirect_dma semaphore(%arg8 : memref<!tpu.dma_semaphore, #tpu.memory_space<semaphore_mem>>) src(%arg6 : memref<128x64xf32, #tpu.memory_space<vmem>>) dst(%dma_wait3A_57 : memref<10240x64xf32, #tpu.memory_space<vmem_shared>>)
    }
    %scan3A_39 = arith.constant 80 : i32
    %barrier3A_40 = arith.constant 0 : index
    tpu.barrier barrier_id(%barrier3A_40)
    %eq3A = arith.constant 0 : i32
    %eq3A_41 = arith.cmpi eq, %arg0, %eq3A : i32
    %convert_element_type3A = arith.extui %eq3A_41 : i1 to i32
    %cond3A = arith.constant 0 : i32
    %cond3A_42 = arith.cmpi ne, %convert_element_type3A, %cond3A : i32
    scf.if %cond3A_42 {
      %mul3A_48 = arith.constant 640 : i32
      %mul3A_49 = arith.muli %arg1, %mul3A_48 : i32
      %mul3A_50 = arith.constant 640 : i32
      %mul3A_51 = arith.muli %arg1, %mul3A_50 : i32
      "tpu.region"() ({
        %run_scoped3A_52 = tpu.sem_alloc : memref<!tpu.dma_semaphore, #tpu.memory_space<semaphore_mem>>
        %dma_start3A = arith.constant 0 : i32
        %dma_start3A_53 = tpu.memref_slice %arg3[%mul3A_51, %dma_start3A] : memref<10240x64xf32, #tpu.memory_space<hbm>> -> memref<640x64xf32, #tpu.memory_space<hbm>>
        %dma_start3A_54 = arith.constant 0 : i32
        %dma_start3A_55 = tpu.memref_slice %arg7[%mul3A_49, %dma_start3A_54] : memref<10240x64xf32, #tpu.memory_space<vmem_shared>> -> memref<640x64xf32, #tpu.memory_space<vmem_shared>>
        tpu.enqueue_dma source(%dma_start3A_55 : memref<640x64xf32, #tpu.memory_space<vmem_shared>>) target(%dma_start3A_53 : memref<640x64xf32, #tpu.memory_space<hbm>>) target_semaphore(%run_scoped3A_52 : memref<!tpu.dma_semaphore, #tpu.memory_space<semaphore_mem>>)
        %dma_wait3A = arith.constant 0 : i32
        %dma_wait3A_56 = tpu.memref_slice %arg3[%mul3A_51, %dma_wait3A] : memref<10240x64xf32, #tpu.memory_space<hbm>> -> memref<640x64xf32, #tpu.memory_space<hbm>>
        %dma_wait3A_57 = arith.constant 0 : i32
        %dma_wait3A_58 = tpu.memref_slice %arg7[%mul3A_49, %dma_wait3A_57] : memref<10240x64xf32, #tpu.memory_space<vmem_shared>> -> memref<640x64xf32, #tpu.memory_space<vmem_shared>>
        tpu.wait_dma2 semaphore(%run_scoped3A_52 : memref<!tpu.dma_semaphore, #tpu.memory_space<semaphore_mem>>) src(%dma_wait3A_58 : memref<640x64xf32, #tpu.memory_space<vmem_shared>>) dst(%dma_wait3A_56 : memref<640x64xf32, #tpu.memory_space<hbm>>)
        tpu.yield
      }) : () -> ()
    } else {
    }
    %eq3A_43 = arith.constant 1 : i32
    %eq3A_44 = arith.cmpi eq, %arg0, %eq3A_43 : i32
    %convert_element_type3A_45 = arith.extui %eq3A_44 : i1 to i32
    %cond3A_46 = arith.constant 0 : i32
    %cond3A_47 = arith.cmpi ne, %convert_element_type3A_45, %cond3A_46 : i32
    scf.if %cond3A_47 {
      %mul3A_48 = arith.constant 640 : i32
      %mul3A_49 = arith.muli %arg1, %mul3A_48 : i32
      %mul3A_50 = arith.constant 640 : i32
      %mul3A_51 = arith.muli %arg1, %mul3A_50 : i32
      "tpu.region"() ({
        %run_scoped3A_52 = tpu.sem_alloc : memref<!tpu.dma_semaphore, #tpu.memory_space<semaphore_mem>>
        %dma_start3A = arith.constant 0 : i32
        %dma_start3A_53 = tpu.memref_slice %arg4[%mul3A_51, %dma_start3A] : memref<10240x64xf32, #tpu.memory_space<hbm>> -> memref<640x64xf32, #tpu.memory_space<hbm>>
        %dma_start3A_54 = arith.constant 0 : i32
        %dma_start3A_55 = tpu.memref_slice %arg7[%mul3A_49, %dma_start3A_54] : memref<10240x64xf32, #tpu.memory_space<vmem_shared>> -> memref<640x64xf32, #tpu.memory_space<vmem_shared>>
        tpu.enqueue_dma source(%dma_start3A_55 : memref<640x64xf32, #tpu.memory_space<vmem_shared>>) target(%dma_start3A_53 : memref<640x64xf32, #tpu.memory_space<hbm>>) target_semaphore(%run_scoped3A_52 : memref<!tpu.dma_semaphore, #tpu.memory_space<semaphore_mem>>)
        %dma_wait3A = arith.constant 0 : i32
        %dma_wait3A_56 = tpu.memref_slice %arg4[%mul3A_51, %dma_wait3A] : memref<10240x64xf32, #tpu.memory_space<hbm>> -> memref<640x64xf32, #tpu.memory_space<hbm>>
        %dma_wait3A_57 = arith.constant 0 : i32
        %dma_wait3A_58 = tpu.memref_slice %arg7[%mul3A_49, %dma_wait3A_57] : memref<10240x64xf32, #tpu.memory_space<vmem_shared>> -> memref<640x64xf32, #tpu.memory_space<vmem_shared>>
        tpu.wait_dma2 semaphore(%run_scoped3A_52 : memref<!tpu.dma_semaphore, #tpu.memory_space<semaphore_mem>>) src(%dma_wait3A_58 : memref<640x64xf32, #tpu.memory_space<vmem_shared>>) dst(%dma_wait3A_56 : memref<640x64xf32, #tpu.memory_space<hbm>>)
        tpu.yield
      }) : () -> ()
    } else {
    }
    return
  }
}

#map = affine_map<(d0, d1) -> (0, 0)>
#map1 = affine_map<(d0, d1) -> (0, 0, 0, 0)>
module attributes {stable_mosaic.version = 14 : i64} {
  func.func @_agg_body(%arg0: i32, %arg1: i32, %arg2: memref<10240x64xf32, #tpu.memory_space<hbm>>, %arg3: memref<2x32x80x128xi32, #tpu.memory_space<hbm>>, %arg4: memref<10240x64xf32, #tpu.memory_space<hbm>>, %arg5: memref<10240x64xf32, #tpu.memory_space<hbm>>, %arg6: memref<80x128xi32, #tpu.memory_space<vmem>>, %arg7: memref<80x128xi32, #tpu.memory_space<vmem>>, %arg8: memref<128x64xf32, #tpu.memory_space<vmem>>, %arg9: memref<128x64xf32, #tpu.memory_space<vmem>>, %arg10: memref<128x64xf32, #tpu.memory_space<vmem>>, %arg11: memref<128x64xf32, #tpu.memory_space<vmem>>, %arg12: memref<10240x64xf32, #tpu.memory_space<vmem_shared>>, %arg13: memref<!tpu.dma_semaphore, #tpu.memory_space<semaphore_mem>>, %arg14: memref<!tpu.dma_semaphore, #tpu.memory_space<semaphore_mem>>, %arg15: memref<!tpu.dma_semaphore, #tpu.memory_space<semaphore_mem>>, %arg16: memref<!tpu.dma_semaphore, #tpu.memory_space<semaphore_mem>>, %arg17: memref<!tpu.dma_semaphore, #tpu.memory_space<semaphore_mem>>, %arg18: memref<!tpu.dma_semaphore, #tpu.memory_space<semaphore_mem>>, %arg19: memref<!tpu.dma_semaphore, #tpu.memory_space<semaphore_mem>>, %arg20: memref<!tpu.dma_semaphore, #tpu.memory_space<semaphore_mem>>) attributes {dimension_semantics = [#tpu.dimension_semantics<core_parallel>, #tpu.dimension_semantics<subcore_parallel>], iteration_bounds = array<i64: 2, 16>, scalar_prefetch = 0 : i64, scratch_operands = 15 : i64, tpu.core_type = #tpu.core_type<sc_vector_subcore>, window_params = [{transform_indices = #map}, {transform_indices = #map1}, {transform_indices = #map}, {transform_indices = #map}]} {
    %scan3A = arith.constant 0 : i32
    %scan3A_0 = arith.constant 128 : i32
    %scan3A_1 = arith.addi %scan3A, %scan3A_0 : i32
    %scan3A_2 = arith.constant 1 : i32
    scf.for %scan3A_89 = %scan3A to %scan3A_1 step %scan3A_2  : i32 {
      %mul3A_90 = arith.constant 1 : i32
      %mul3A_91 = arith.muli %scan3A_89, %mul3A_90 : i32
      %add3A_92 = arith.constant 0 : i32
      %add3A_93 = arith.addi %add3A_92, %mul3A_91 : i32
      %broadcast_in_dim3A = arith.constant 0.000000e+00 : f32
      %broadcast_in_dim3A_94 = vector.broadcast %broadcast_in_dim3A : f32 to vector<16xf32>
      %swap3A = arith.index_cast %add3A_93 : i32 to index
      %swap3A_95 = arith.constant 0 : index
      %swap3A_96 = tpu.vector_load %arg8[%swap3A, %swap3A_95] {strides = array<i32>} : memref<128x64xf32, #tpu.memory_space<vmem>>, vector<1x16xf32>,
      %swap3A_97 = vector.shape_cast %swap3A_96 : vector<1x16xf32> to vector<16xf32>
      %swap3A_98 = vector.shape_cast %broadcast_in_dim3A_94 : vector<16xf32> to vector<1x16xf32>
      tpu.vector_store %arg8[%swap3A, %swap3A_95], %swap3A_98 {strides = array<i32>} : memref<128x64xf32, #tpu.memory_space<vmem>>, vector<1x16xf32>,
      %broadcast_in_dim3A_99 = arith.constant 0.000000e+00 : f32
      %broadcast_in_dim3A_100 = vector.broadcast %broadcast_in_dim3A_99 : f32 to vector<16xf32>
      %swap3A_101 = arith.index_cast %add3A_93 : i32 to index
      %swap3A_102 = arith.constant 16 : index
      %swap3A_103 = tpu.vector_load %arg8[%swap3A_101, %swap3A_102] {strides = array<i32>} : memref<128x64xf32, #tpu.memory_space<vmem>>, vector<1x16xf32>,
      %swap3A_104 = vector.shape_cast %swap3A_103 : vector<1x16xf32> to vector<16xf32>
      %swap3A_105 = vector.shape_cast %broadcast_in_dim3A_100 : vector<16xf32> to vector<1x16xf32>
      tpu.vector_store %arg8[%swap3A_101, %swap3A_102], %swap3A_105 {strides = array<i32>} : memref<128x64xf32, #tpu.memory_space<vmem>>, vector<1x16xf32>,
      %broadcast_in_dim3A_106 = arith.constant 0.000000e+00 : f32
      %broadcast_in_dim3A_107 = vector.broadcast %broadcast_in_dim3A_106 : f32 to vector<16xf32>
      %swap3A_108 = arith.index_cast %add3A_93 : i32 to index
      %swap3A_109 = arith.constant 32 : index
      %swap3A_110 = tpu.vector_load %arg8[%swap3A_108, %swap3A_109] {strides = array<i32>} : memref<128x64xf32, #tpu.memory_space<vmem>>, vector<1x16xf32>,
      %swap3A_111 = vector.shape_cast %swap3A_110 : vector<1x16xf32> to vector<16xf32>
      %swap3A_112 = vector.shape_cast %broadcast_in_dim3A_107 : vector<16xf32> to vector<1x16xf32>
      tpu.vector_store %arg8[%swap3A_108, %swap3A_109], %swap3A_112 {strides = array<i32>} : memref<128x64xf32, #tpu.memory_space<vmem>>, vector<1x16xf32>,
      %broadcast_in_dim3A_113 = arith.constant 0.000000e+00 : f32
      %broadcast_in_dim3A_114 = vector.broadcast %broadcast_in_dim3A_113 : f32 to vector<16xf32>
      %swap3A_115 = arith.index_cast %add3A_93 : i32 to index
      %swap3A_116 = arith.constant 48 : index
      %swap3A_117 = tpu.vector_load %arg8[%swap3A_115, %swap3A_116] {strides = array<i32>} : memref<128x64xf32, #tpu.memory_space<vmem>>, vector<1x16xf32>,
      %swap3A_118 = vector.shape_cast %swap3A_117 : vector<1x16xf32> to vector<16xf32>
      %swap3A_119 = vector.shape_cast %broadcast_in_dim3A_114 : vector<16xf32> to vector<1x16xf32>
      tpu.vector_store %arg8[%swap3A_115, %swap3A_116], %swap3A_119 {strides = array<i32>} : memref<128x64xf32, #tpu.memory_space<vmem>>, vector<1x16xf32>,
    }
    %scan3A_3 = arith.constant 128 : i32
    %mul3A = arith.constant 640 : i32
    %mul3A_4 = arith.muli %arg1, %mul3A : i32
    %add3A = arith.constant 0 : i32
    %add3A_5 = arith.addi %mul3A_4, %add3A : i32
    "tpu.region"() ({
      %run_scoped3A_89 = tpu.sem_alloc : memref<!tpu.dma_semaphore, #tpu.memory_space<semaphore_mem>>
      %dma_start3A_90 = arith.constant 0 : i32
      %dma_start3A_91 = tpu.memref_slice %arg12[%add3A_5, %dma_start3A_90] : memref<10240x64xf32, #tpu.memory_space<vmem_shared>> -> memref<128x64xf32, #tpu.memory_space<vmem_shared>>
      %dma_start3A_92 = arith.constant 0 : i32
      %dma_start3A_93 = tpu.memref_slice %arg12[%add3A_5, %dma_start3A_92] : memref<10240x64xf32, #tpu.memory_space<vmem_shared>> -> memref<128x64xf32, #tpu.memory_space<vmem_shared>>
      tpu.enqueue_dma source(%arg8 : memref<128x64xf32, #tpu.memory_space<vmem>>) target(%dma_start3A_93 : memref<128x64xf32, #tpu.memory_space<vmem_shared>>) target_semaphore(%run_scoped3A_89 : memref<!tpu.dma_semaphore, #tpu.memory_space<semaphore_mem>>)
      %dma_wait3A_94 = arith.constant 0 : i32
      %dma_wait3A_95 = tpu.memref_slice %arg12[%add3A_5, %dma_wait3A_94] : memref<10240x64xf32, #tpu.memory_space<vmem_shared>> -> memref<128x64xf32, #tpu.memory_space<vmem_shared>>
      %dma_wait3A_96 = arith.constant 0 : i32
      %dma_wait3A_97 = tpu.memref_slice %arg12[%add3A_5, %dma_wait3A_96] : memref<10240x64xf32, #tpu.memory_space<vmem_shared>> -> memref<128x64xf32, #tpu.memory_space<vmem_shared>>
      tpu.wait_dma2 semaphore(%run_scoped3A_89 : memref<!tpu.dma_semaphore, #tpu.memory_space<semaphore_mem>>) src(%arg8 : memref<128x64xf32, #tpu.memory_space<vmem>>) dst(%dma_wait3A_97 : memref<128x64xf32, #tpu.memory_space<vmem_shared>>)
      tpu.yield
    }) : () -> ()
    %mul3A_6 = arith.constant 640 : i32
    %mul3A_7 = arith.muli %arg1, %mul3A_6 : i32
    %add3A_8 = arith.constant 128 : i32
    %add3A_9 = arith.addi %mul3A_7, %add3A_8 : i32
    "tpu.region"() ({
      %run_scoped3A_89 = tpu.sem_alloc : memref<!tpu.dma_semaphore, #tpu.memory_space<semaphore_mem>>
      %dma_start3A_90 = arith.constant 0 : i32
      %dma_start3A_91 = tpu.memref_slice %arg12[%add3A_9, %dma_start3A_90] : memref<10240x64xf32, #tpu.memory_space<vmem_shared>> -> memref<128x64xf32, #tpu.memory_space<vmem_shared>>
      %dma_start3A_92 = arith.constant 0 : i32
      %dma_start3A_93 = tpu.memref_slice %arg12[%add3A_9, %dma_start3A_92] : memref<10240x64xf32, #tpu.memory_space<vmem_shared>> -> memref<128x64xf32, #tpu.memory_space<vmem_shared>>
      tpu.enqueue_dma source(%arg8 : memref<128x64xf32, #tpu.memory_space<vmem>>) target(%dma_start3A_93 : memref<128x64xf32, #tpu.memory_space<vmem_shared>>) target_semaphore(%run_scoped3A_89 : memref<!tpu.dma_semaphore, #tpu.memory_space<semaphore_mem>>)
      %dma_wait3A_94 = arith.constant 0 : i32
      %dma_wait3A_95 = tpu.memref_slice %arg12[%add3A_9, %dma_wait3A_94] : memref<10240x64xf32, #tpu.memory_space<vmem_shared>> -> memref<128x64xf32, #tpu.memory_space<vmem_shared>>
      %dma_wait3A_96 = arith.constant 0 : i32
      %dma_wait3A_97 = tpu.memref_slice %arg12[%add3A_9, %dma_wait3A_96] : memref<10240x64xf32, #tpu.memory_space<vmem_shared>> -> memref<128x64xf32, #tpu.memory_space<vmem_shared>>
      tpu.wait_dma2 semaphore(%run_scoped3A_89 : memref<!tpu.dma_semaphore, #tpu.memory_space<semaphore_mem>>) src(%arg8 : memref<128x64xf32, #tpu.memory_space<vmem>>) dst(%dma_wait3A_97 : memref<128x64xf32, #tpu.memory_space<vmem_shared>>)
      tpu.yield
    }) : () -> ()
    %mul3A_10 = arith.constant 640 : i32
    %mul3A_11 = arith.muli %arg1, %mul3A_10 : i32
    %add3A_12 = arith.constant 256 : i32
    %add3A_13 = arith.addi %mul3A_11, %add3A_12 : i32
    "tpu.region"() ({
      %run_scoped3A_89 = tpu.sem_alloc : memref<!tpu.dma_semaphore, #tpu.memory_space<semaphore_mem>>
      %dma_start3A_90 = arith.constant 0 : i32
      %dma_start3A_91 = tpu.memref_slice %arg12[%add3A_13, %dma_start3A_90] : memref<10240x64xf32, #tpu.memory_space<vmem_shared>> -> memref<128x64xf32, #tpu.memory_space<vmem_shared>>
      %dma_start3A_92 = arith.constant 0 : i32
      %dma_start3A_93 = tpu.memref_slice %arg12[%add3A_13, %dma_start3A_92] : memref<10240x64xf32, #tpu.memory_space<vmem_shared>> -> memref<128x64xf32, #tpu.memory_space<vmem_shared>>
      tpu.enqueue_dma source(%arg8 : memref<128x64xf32, #tpu.memory_space<vmem>>) target(%dma_start3A_93 : memref<128x64xf32, #tpu.memory_space<vmem_shared>>) target_semaphore(%run_scoped3A_89 : memref<!tpu.dma_semaphore, #tpu.memory_space<semaphore_mem>>)
      %dma_wait3A_94 = arith.constant 0 : i32
      %dma_wait3A_95 = tpu.memref_slice %arg12[%add3A_13, %dma_wait3A_94] : memref<10240x64xf32, #tpu.memory_space<vmem_shared>> -> memref<128x64xf32, #tpu.memory_space<vmem_shared>>
      %dma_wait3A_96 = arith.constant 0 : i32
      %dma_wait3A_97 = tpu.memref_slice %arg12[%add3A_13, %dma_wait3A_96] : memref<10240x64xf32, #tpu.memory_space<vmem_shared>> -> memref<128x64xf32, #tpu.memory_space<vmem_shared>>
      tpu.wait_dma2 semaphore(%run_scoped3A_89 : memref<!tpu.dma_semaphore, #tpu.memory_space<semaphore_mem>>) src(%arg8 : memref<128x64xf32, #tpu.memory_space<vmem>>) dst(%dma_wait3A_97 : memref<128x64xf32, #tpu.memory_space<vmem_shared>>)
      tpu.yield
    }) : () -> ()
    %mul3A_14 = arith.constant 640 : i32
    %mul3A_15 = arith.muli %arg1, %mul3A_14 : i32
    %add3A_16 = arith.constant 384 : i32
    %add3A_17 = arith.addi %mul3A_15, %add3A_16 : i32
    "tpu.region"() ({
      %run_scoped3A_89 = tpu.sem_alloc : memref<!tpu.dma_semaphore, #tpu.memory_space<semaphore_mem>>
      %dma_start3A_90 = arith.constant 0 : i32
      %dma_start3A_91 = tpu.memref_slice %arg12[%add3A_17, %dma_start3A_90] : memref<10240x64xf32, #tpu.memory_space<vmem_shared>> -> memref<128x64xf32, #tpu.memory_space<vmem_shared>>
      %dma_start3A_92 = arith.constant 0 : i32
      %dma_start3A_93 = tpu.memref_slice %arg12[%add3A_17, %dma_start3A_92] : memref<10240x64xf32, #tpu.memory_space<vmem_shared>> -> memref<128x64xf32, #tpu.memory_space<vmem_shared>>
      tpu.enqueue_dma source(%arg8 : memref<128x64xf32, #tpu.memory_space<vmem>>) target(%dma_start3A_93 : memref<128x64xf32, #tpu.memory_space<vmem_shared>>) target_semaphore(%run_scoped3A_89 : memref<!tpu.dma_semaphore, #tpu.memory_space<semaphore_mem>>)
      %dma_wait3A_94 = arith.constant 0 : i32
      %dma_wait3A_95 = tpu.memref_slice %arg12[%add3A_17, %dma_wait3A_94] : memref<10240x64xf32, #tpu.memory_space<vmem_shared>> -> memref<128x64xf32, #tpu.memory_space<vmem_shared>>
      %dma_wait3A_96 = arith.constant 0 : i32
      %dma_wait3A_97 = tpu.memref_slice %arg12[%add3A_17, %dma_wait3A_96] : memref<10240x64xf32, #tpu.memory_space<vmem_shared>> -> memref<128x64xf32, #tpu.memory_space<vmem_shared>>
      tpu.wait_dma2 semaphore(%run_scoped3A_89 : memref<!tpu.dma_semaphore, #tpu.memory_space<semaphore_mem>>) src(%arg8 : memref<128x64xf32, #tpu.memory_space<vmem>>) dst(%dma_wait3A_97 : memref<128x64xf32, #tpu.memory_space<vmem_shared>>)
      tpu.yield
    }) : () -> ()
    %mul3A_18 = arith.constant 640 : i32
    %mul3A_19 = arith.muli %arg1, %mul3A_18 : i32
    %add3A_20 = arith.constant 512 : i32
    %add3A_21 = arith.addi %mul3A_19, %add3A_20 : i32
    "tpu.region"() ({
      %run_scoped3A_89 = tpu.sem_alloc : memref<!tpu.dma_semaphore, #tpu.memory_space<semaphore_mem>>
      %dma_start3A_90 = arith.constant 0 : i32
      %dma_start3A_91 = tpu.memref_slice %arg12[%add3A_21, %dma_start3A_90] : memref<10240x64xf32, #tpu.memory_space<vmem_shared>> -> memref<128x64xf32, #tpu.memory_space<vmem_shared>>
      %dma_start3A_92 = arith.constant 0 : i32
      %dma_start3A_93 = tpu.memref_slice %arg12[%add3A_21, %dma_start3A_92] : memref<10240x64xf32, #tpu.memory_space<vmem_shared>> -> memref<128x64xf32, #tpu.memory_space<vmem_shared>>
      tpu.enqueue_dma source(%arg8 : memref<128x64xf32, #tpu.memory_space<vmem>>) target(%dma_start3A_93 : memref<128x64xf32, #tpu.memory_space<vmem_shared>>) target_semaphore(%run_scoped3A_89 : memref<!tpu.dma_semaphore, #tpu.memory_space<semaphore_mem>>)
      %dma_wait3A_94 = arith.constant 0 : i32
      %dma_wait3A_95 = tpu.memref_slice %arg12[%add3A_21, %dma_wait3A_94] : memref<10240x64xf32, #tpu.memory_space<vmem_shared>> -> memref<128x64xf32, #tpu.memory_space<vmem_shared>>
      %dma_wait3A_96 = arith.constant 0 : i32
      %dma_wait3A_97 = tpu.memref_slice %arg12[%add3A_21, %dma_wait3A_96] : memref<10240x64xf32, #tpu.memory_space<vmem_shared>> -> memref<128x64xf32, #tpu.memory_space<vmem_shared>>
      tpu.wait_dma2 semaphore(%run_scoped3A_89 : memref<!tpu.dma_semaphore, #tpu.memory_space<semaphore_mem>>) src(%arg8 : memref<128x64xf32, #tpu.memory_space<vmem>>) dst(%dma_wait3A_97 : memref<128x64xf32, #tpu.memory_space<vmem_shared>>)
      tpu.yield
    }) : () -> ()
    %mul3A_22 = arith.constant 2 : i32
    %mul3A_23 = arith.muli %arg1, %mul3A_22 : i32
    %add3A_24 = arith.addi %mul3A_23, %arg0 : i32
    %run_scoped3A = arith.constant 0 : i32
    "tpu.region"() ({
      %run_scoped3A_89 = tpu.sem_alloc : memref<!tpu.dma_semaphore, #tpu.memory_space<semaphore_mem>>
      %dma_start3A_90 = arith.constant 0 : i32
      %dma_start3A_91 = arith.constant 0 : i32
      %dma_start3A_92 = tpu.memref_slice %arg3[%run_scoped3A, %add3A_24, %dma_start3A_90, %dma_start3A_91] : memref<2x32x80x128xi32, #tpu.memory_space<hbm>> -> memref<1x1x80x128xi32, #tpu.memory_space<hbm>>
      %dma_start3A_93 = tpu.memref_squeeze %dma_start3A_92 : memref<1x1x80x128xi32, #tpu.memory_space<hbm>> -> memref<80x128xi32, #tpu.memory_space<hbm>>
      %dma_start3A_94 = arith.constant 0 : i32
      %dma_start3A_95 = arith.constant 0 : i32
      %dma_start3A_96 = tpu.memref_slice %arg3[%run_scoped3A, %add3A_24, %dma_start3A_94, %dma_start3A_95] : memref<2x32x80x128xi32, #tpu.memory_space<hbm>> -> memref<1x1x80x128xi32, #tpu.memory_space<hbm>>
      %dma_start3A_97 = tpu.memref_squeeze %dma_start3A_96 : memref<1x1x80x128xi32, #tpu.memory_space<hbm>> -> memref<80x128xi32, #tpu.memory_space<hbm>>
      tpu.enqueue_dma source(%dma_start3A_97 : memref<80x128xi32, #tpu.memory_space<hbm>>) target(%arg6 : memref<80x128xi32, #tpu.memory_space<vmem>>) target_semaphore(%run_scoped3A_89 : memref<!tpu.dma_semaphore, #tpu.memory_space<semaphore_mem>>)
      %dma_wait3A_98 = arith.constant 0 : i32
      %dma_wait3A_99 = arith.constant 0 : i32
      %dma_wait3A_100 = tpu.memref_slice %arg3[%run_scoped3A, %add3A_24, %dma_wait3A_98, %dma_wait3A_99] : memref<2x32x80x128xi32, #tpu.memory_space<hbm>> -> memref<1x1x80x128xi32, #tpu.memory_space<hbm>>
      %dma_wait3A_101 = tpu.memref_squeeze %dma_wait3A_100 : memref<1x1x80x128xi32, #tpu.memory_space<hbm>> -> memref<80x128xi32, #tpu.memory_space<hbm>>
      %dma_wait3A_102 = arith.constant 0 : i32
      %dma_wait3A_103 = arith.constant 0 : i32
      %dma_wait3A_104 = tpu.memref_slice %arg3[%run_scoped3A, %add3A_24, %dma_wait3A_102, %dma_wait3A_103] : memref<2x32x80x128xi32, #tpu.memory_space<hbm>> -> memref<1x1x80x128xi32, #tpu.memory_space<hbm>>
      %dma_wait3A_105 = tpu.memref_squeeze %dma_wait3A_104 : memref<1x1x80x128xi32, #tpu.memory_space<hbm>> -> memref<80x128xi32, #tpu.memory_space<hbm>>
      tpu.wait_dma2 semaphore(%run_scoped3A_89 : memref<!tpu.dma_semaphore, #tpu.memory_space<semaphore_mem>>) src(%dma_wait3A_105 : memref<80x128xi32, #tpu.memory_space<hbm>>) dst(%arg6 : memref<80x128xi32, #tpu.memory_space<vmem>>)
      tpu.yield
    }) : () -> ()
    %mul3A_25 = arith.constant 2 : i32
    %mul3A_26 = arith.muli %arg1, %mul3A_25 : i32
    %add3A_27 = arith.addi %mul3A_26, %arg0 : i32
    %run_scoped3A_28 = arith.constant 1 : i32
    "tpu.region"() ({
      %run_scoped3A_89 = tpu.sem_alloc : memref<!tpu.dma_semaphore, #tpu.memory_space<semaphore_mem>>
      %dma_start3A_90 = arith.constant 0 : i32
      %dma_start3A_91 = arith.constant 0 : i32
      %dma_start3A_92 = tpu.memref_slice %arg3[%run_scoped3A_28, %add3A_27, %dma_start3A_90, %dma_start3A_91] : memref<2x32x80x128xi32, #tpu.memory_space<hbm>> -> memref<1x1x80x128xi32, #tpu.memory_space<hbm>>
      %dma_start3A_93 = tpu.memref_squeeze %dma_start3A_92 : memref<1x1x80x128xi32, #tpu.memory_space<hbm>> -> memref<80x128xi32, #tpu.memory_space<hbm>>
      %dma_start3A_94 = arith.constant 0 : i32
      %dma_start3A_95 = arith.constant 0 : i32
      %dma_start3A_96 = tpu.memref_slice %arg3[%run_scoped3A_28, %add3A_27, %dma_start3A_94, %dma_start3A_95] : memref<2x32x80x128xi32, #tpu.memory_space<hbm>> -> memref<1x1x80x128xi32, #tpu.memory_space<hbm>>
      %dma_start3A_97 = tpu.memref_squeeze %dma_start3A_96 : memref<1x1x80x128xi32, #tpu.memory_space<hbm>> -> memref<80x128xi32, #tpu.memory_space<hbm>>
      tpu.enqueue_dma source(%dma_start3A_97 : memref<80x128xi32, #tpu.memory_space<hbm>>) target(%arg7 : memref<80x128xi32, #tpu.memory_space<vmem>>) target_semaphore(%run_scoped3A_89 : memref<!tpu.dma_semaphore, #tpu.memory_space<semaphore_mem>>)
      %dma_wait3A_98 = arith.constant 0 : i32
      %dma_wait3A_99 = arith.constant 0 : i32
      %dma_wait3A_100 = tpu.memref_slice %arg3[%run_scoped3A_28, %add3A_27, %dma_wait3A_98, %dma_wait3A_99] : memref<2x32x80x128xi32, #tpu.memory_space<hbm>> -> memref<1x1x80x128xi32, #tpu.memory_space<hbm>>
      %dma_wait3A_101 = tpu.memref_squeeze %dma_wait3A_100 : memref<1x1x80x128xi32, #tpu.memory_space<hbm>> -> memref<80x128xi32, #tpu.memory_space<hbm>>
      %dma_wait3A_102 = arith.constant 0 : i32
      %dma_wait3A_103 = arith.constant 0 : i32
      %dma_wait3A_104 = tpu.memref_slice %arg3[%run_scoped3A_28, %add3A_27, %dma_wait3A_102, %dma_wait3A_103] : memref<2x32x80x128xi32, #tpu.memory_space<hbm>> -> memref<1x1x80x128xi32, #tpu.memory_space<hbm>>
      %dma_wait3A_105 = tpu.memref_squeeze %dma_wait3A_104 : memref<1x1x80x128xi32, #tpu.memory_space<hbm>> -> memref<80x128xi32, #tpu.memory_space<hbm>>
      tpu.wait_dma2 semaphore(%run_scoped3A_89 : memref<!tpu.dma_semaphore, #tpu.memory_space<semaphore_mem>>) src(%dma_wait3A_105 : memref<80x128xi32, #tpu.memory_space<hbm>>) dst(%arg7 : memref<80x128xi32, #tpu.memory_space<vmem>>)
      tpu.yield
    }) : () -> ()
    %barrier3A = arith.constant 0 : index
    tpu.barrier barrier_id(%barrier3A)
    %dma_start3A = arith.constant 0 : i32
    %dma_start3A_29 = arith.constant 0 : i32
    %dma_start3A_30 = tpu.memref_slice %arg6[%dma_start3A, %dma_start3A_29] : memref<80x128xi32, #tpu.memory_space<vmem>> -> memref<1x128xi32, #tpu.memory_space<vmem>>
    %dma_start3A_31 = tpu.memref_squeeze %dma_start3A_30 : memref<1x128xi32, #tpu.memory_space<vmem>> -> memref<128xi32, #tpu.memory_space<vmem>>
    %dma_start3A_32 = arith.constant 0 : i32
    %dma_start3A_33 = arith.constant 0 : i32
    %dma_start3A_34 = tpu.memref_slice %arg2[%dma_start3A_32, %dma_start3A_33] : memref<10240x64xf32, #tpu.memory_space<hbm>> -> memref<10240x64xf32, #tpu.memory_space<hbm>>
    tpu.enqueue_indirect_dma source(%dma_start3A_34 : memref<10240x64xf32, #tpu.memory_space<hbm>>) target(%arg8 : memref<128x64xf32, #tpu.memory_space<vmem>>) offsets(%dma_start3A_31 : memref<128xi32, #tpu.memory_space<vmem>>) semaphore(%arg13 : memref<!tpu.dma_semaphore, #tpu.memory_space<semaphore_mem>>)
    %dma_start3A_35 = arith.constant 1 : i32
    %dma_start3A_36 = arith.constant 0 : i32
    %dma_start3A_37 = tpu.memref_slice %arg6[%dma_start3A_35, %dma_start3A_36] : memref<80x128xi32, #tpu.memory_space<vmem>> -> memref<1x128xi32, #tpu.memory_space<vmem>>
    %dma_start3A_38 = tpu.memref_squeeze %dma_start3A_37 : memref<1x128xi32, #tpu.memory_space<vmem>> -> memref<128xi32, #tpu.memory_space<vmem>>
    %dma_start3A_39 = arith.constant 0 : i32
    %dma_start3A_40 = arith.constant 0 : i32
    %dma_start3A_41 = tpu.memref_slice %arg2[%dma_start3A_39, %dma_start3A_40] : memref<10240x64xf32, #tpu.memory_space<hbm>> -> memref<10240x64xf32, #tpu.memory_space<hbm>>
    tpu.enqueue_indirect_dma source(%dma_start3A_41 : memref<10240x64xf32, #tpu.memory_space<hbm>>) target(%arg9 : memref<128x64xf32, #tpu.memory_space<vmem>>) offsets(%dma_start3A_38 : memref<128xi32, #tpu.memory_space<vmem>>) semaphore(%arg14 : memref<!tpu.dma_semaphore, #tpu.memory_space<semaphore_mem>>)
    %dma_start3A_42 = arith.constant 2 : i32
    %dma_start3A_43 = arith.constant 0 : i32
    %dma_start3A_44 = tpu.memref_slice %arg6[%dma_start3A_42, %dma_start3A_43] : memref<80x128xi32, #tpu.memory_space<vmem>> -> memref<1x128xi32, #tpu.memory_space<vmem>>
    %dma_start3A_45 = tpu.memref_squeeze %dma_start3A_44 : memref<1x128xi32, #tpu.memory_space<vmem>> -> memref<128xi32, #tpu.memory_space<vmem>>
    %dma_start3A_46 = arith.constant 0 : i32
    %dma_start3A_47 = arith.constant 0 : i32
    %dma_start3A_48 = tpu.memref_slice %arg2[%dma_start3A_46, %dma_start3A_47] : memref<10240x64xf32, #tpu.memory_space<hbm>> -> memref<10240x64xf32, #tpu.memory_space<hbm>>
    tpu.enqueue_indirect_dma source(%dma_start3A_48 : memref<10240x64xf32, #tpu.memory_space<hbm>>) target(%arg10 : memref<128x64xf32, #tpu.memory_space<vmem>>) offsets(%dma_start3A_45 : memref<128xi32, #tpu.memory_space<vmem>>) semaphore(%arg15 : memref<!tpu.dma_semaphore, #tpu.memory_space<semaphore_mem>>)
    %scan3A_49 = arith.constant 0 : i32
    %scan3A_50 = arith.constant 20 : i32
    %scan3A_51 = arith.addi %scan3A_49, %scan3A_50 : i32
    %scan3A_52 = arith.constant 1 : i32
    scf.for %scan3A_89 = %scan3A_49 to %scan3A_51 step %scan3A_52  : i32 {
      %mul3A_90 = arith.constant 4 : i32
      %mul3A_91 = arith.muli %scan3A_89, %mul3A_90 : i32
      %add3A_92 = arith.constant 0 : i32
      %add3A_93 = arith.addi %add3A_92, %mul3A_91 : i32
      %add3A_94 = arith.constant 0 : i32
      %add3A_95 = arith.addi %add3A_93, %add3A_94 : i32
      %dma_wait3A_96 = arith.constant 0 : i32
      %dma_wait3A_97 = tpu.memref_slice %arg6[%add3A_95, %dma_wait3A_96] : memref<80x128xi32, #tpu.memory_space<vmem>> -> memref<1x128xi32, #tpu.memory_space<vmem>>
      %dma_wait3A_98 = tpu.memref_squeeze %dma_wait3A_97 : memref<1x128xi32, #tpu.memory_space<vmem>> -> memref<128xi32, #tpu.memory_space<vmem>>
      %dma_wait3A_99 = arith.constant 0 : i32
      %dma_wait3A_100 = arith.constant 0 : i32
      %dma_wait3A_101 = tpu.memref_slice %arg2[%dma_wait3A_99, %dma_wait3A_100] : memref<10240x64xf32, #tpu.memory_space<hbm>> -> memref<10240x64xf32, #tpu.memory_space<hbm>>
      tpu.wait_indirect_dma semaphore(%arg13 : memref<!tpu.dma_semaphore, #tpu.memory_space<semaphore_mem>>) src(%dma_wait3A_101 : memref<10240x64xf32, #tpu.memory_space<hbm>>) dst(%arg8 : memref<128x64xf32, #tpu.memory_space<vmem>>)
      %dma_start3A_102 = arith.constant 0 : i32
      %dma_start3A_103 = tpu.memref_slice %arg7[%add3A_95, %dma_start3A_102] : memref<80x128xi32, #tpu.memory_space<vmem>> -> memref<1x128xi32, #tpu.memory_space<vmem>>
      %dma_start3A_104 = tpu.memref_squeeze %dma_start3A_103 : memref<1x128xi32, #tpu.memory_space<vmem>> -> memref<128xi32, #tpu.memory_space<vmem>>
      %dma_start3A_105 = arith.constant 0 : i32
      %dma_start3A_106 = arith.constant 0 : i32
      %dma_start3A_107 = tpu.memref_slice %arg12[%dma_start3A_105, %dma_start3A_106] : memref<10240x64xf32, #tpu.memory_space<vmem_shared>> -> memref<10240x64xf32, #tpu.memory_space<vmem_shared>>
      tpu.enqueue_indirect_dma source(%arg8 : memref<128x64xf32, #tpu.memory_space<vmem>>) target(%dma_start3A_107 : memref<10240x64xf32, #tpu.memory_space<vmem_shared>>) offsets(%dma_start3A_104 : memref<128xi32, #tpu.memory_space<vmem>>) semaphore(%arg17 : memref<!tpu.dma_semaphore, #tpu.memory_space<semaphore_mem>>) {add = true}
      %add3A_108 = arith.constant 4 : i32
      %add3A_109 = arith.addi %add3A_95, %add3A_108 : i32
      %sub3A = arith.constant 1 : i32
      %sub3A_110 = arith.subi %add3A_109, %sub3A : i32
      %lt3A = arith.constant 80 : i32
      %lt3A_111 = arith.cmpi slt, %sub3A_110, %lt3A : i32
      %convert_element_type3A_112 = arith.extui %lt3A_111 : i1 to i32
      %cond3A_113 = arith.constant 0 : i32
      %cond3A_114 = arith.cmpi ne, %convert_element_type3A_112, %cond3A_113 : i32
      scf.if %cond3A_114 {
        %ge3A = arith.constant 1 : i32
        %ge3A_184 = arith.cmpi sge, %add3A_95, %ge3A : i32
        %convert_element_type3A_185 = arith.extui %ge3A_184 : i1 to i32
        %cond3A_186 = arith.constant 0 : i32
        %cond3A_187 = arith.cmpi ne, %convert_element_type3A_185, %cond3A_186 : i32
        scf.if %cond3A_187 {
          %dma_wait3A_194 = arith.constant 0 : i32
          %dma_wait3A_195 = arith.constant 0 : i32
          %dma_wait3A_196 = tpu.memref_slice %arg7[%dma_wait3A_194, %dma_wait3A_195] : memref<80x128xi32, #tpu.memory_space<vmem>> -> memref<1x128xi32, #tpu.memory_space<vmem>>
          %dma_wait3A_197 = tpu.memref_squeeze %dma_wait3A_196 : memref<1x128xi32, #tpu.memory_space<vmem>> -> memref<128xi32, #tpu.memory_space<vmem>>
          %dma_wait3A_198 = arith.constant 0 : i32
          %dma_wait3A_199 = arith.constant 0 : i32
          %dma_wait3A_200 = tpu.memref_slice %arg12[%dma_wait3A_198, %dma_wait3A_199] : memref<10240x64xf32, #tpu.memory_space<vmem_shared>> -> memref<10240x64xf32, #tpu.memory_space<vmem_shared>>
          tpu.wait_indirect_dma semaphore(%arg20 : memref<!tpu.dma_semaphore, #tpu.memory_space<semaphore_mem>>) src(%arg11 : memref<128x64xf32, #tpu.memory_space<vmem>>) dst(%dma_wait3A_200 : memref<10240x64xf32, #tpu.memory_space<vmem_shared>>)
        } else {
        }
        %dma_start3A_188 = arith.constant 0 : i32
        %dma_start3A_189 = tpu.memref_slice %arg6[%sub3A_110, %dma_start3A_188] : memref<80x128xi32, #tpu.memory_space<vmem>> -> memref<1x128xi32, #tpu.memory_space<vmem>>
        %dma_start3A_190 = tpu.memref_squeeze %dma_start3A_189 : memref<1x128xi32, #tpu.memory_space<vmem>> -> memref<128xi32, #tpu.memory_space<vmem>>
        %dma_start3A_191 = arith.constant 0 : i32
        %dma_start3A_192 = arith.constant 0 : i32
        %dma_start3A_193 = tpu.memref_slice %arg2[%dma_start3A_191, %dma_start3A_192] : memref<10240x64xf32, #tpu.memory_space<hbm>> -> memref<10240x64xf32, #tpu.memory_space<hbm>>
        tpu.enqueue_indirect_dma source(%dma_start3A_193 : memref<10240x64xf32, #tpu.memory_space<hbm>>) target(%arg11 : memref<128x64xf32, #tpu.memory_space<vmem>>) offsets(%dma_start3A_190 : memref<128xi32, #tpu.memory_space<vmem>>) semaphore(%arg16 : memref<!tpu.dma_semaphore, #tpu.memory_space<semaphore_mem>>)
      } else {
      }
      %add3A_115 = arith.constant 1 : i32
      %add3A_116 = arith.addi %add3A_93, %add3A_115 : i32
      %dma_wait3A_117 = arith.constant 0 : i32
      %dma_wait3A_118 = tpu.memref_slice %arg6[%add3A_116, %dma_wait3A_117] : memref<80x128xi32, #tpu.memory_space<vmem>> -> memref<1x128xi32, #tpu.memory_space<vmem>>
      %dma_wait3A_119 = tpu.memref_squeeze %dma_wait3A_118 : memref<1x128xi32, #tpu.memory_space<vmem>> -> memref<128xi32, #tpu.memory_space<vmem>>
      %dma_wait3A_120 = arith.constant 0 : i32
      %dma_wait3A_121 = arith.constant 0 : i32
      %dma_wait3A_122 = tpu.memref_slice %arg2[%dma_wait3A_120, %dma_wait3A_121] : memref<10240x64xf32, #tpu.memory_space<hbm>> -> memref<10240x64xf32, #tpu.memory_space<hbm>>
      tpu.wait_indirect_dma semaphore(%arg14 : memref<!tpu.dma_semaphore, #tpu.memory_space<semaphore_mem>>) src(%dma_wait3A_122 : memref<10240x64xf32, #tpu.memory_space<hbm>>) dst(%arg9 : memref<128x64xf32, #tpu.memory_space<vmem>>)
      %dma_start3A_123 = arith.constant 0 : i32
      %dma_start3A_124 = tpu.memref_slice %arg7[%add3A_116, %dma_start3A_123] : memref<80x128xi32, #tpu.memory_space<vmem>> -> memref<1x128xi32, #tpu.memory_space<vmem>>
      %dma_start3A_125 = tpu.memref_squeeze %dma_start3A_124 : memref<1x128xi32, #tpu.memory_space<vmem>> -> memref<128xi32, #tpu.memory_space<vmem>>
      %dma_start3A_126 = arith.constant 0 : i32
      %dma_start3A_127 = arith.constant 0 : i32
      %dma_start3A_128 = tpu.memref_slice %arg12[%dma_start3A_126, %dma_start3A_127] : memref<10240x64xf32, #tpu.memory_space<vmem_shared>> -> memref<10240x64xf32, #tpu.memory_space<vmem_shared>>
      tpu.enqueue_indirect_dma source(%arg9 : memref<128x64xf32, #tpu.memory_space<vmem>>) target(%dma_start3A_128 : memref<10240x64xf32, #tpu.memory_space<vmem_shared>>) offsets(%dma_start3A_125 : memref<128xi32, #tpu.memory_space<vmem>>) semaphore(%arg18 : memref<!tpu.dma_semaphore, #tpu.memory_space<semaphore_mem>>) {add = true}
      %add3A_129 = arith.constant 4 : i32
      %add3A_130 = arith.addi %add3A_116, %add3A_129 : i32
      %sub3A_131 = arith.constant 1 : i32
      %sub3A_132 = arith.subi %add3A_130, %sub3A_131 : i32
      %lt3A_133 = arith.constant 80 : i32
      %lt3A_134 = arith.cmpi slt, %sub3A_132, %lt3A_133 : i32
      %convert_element_type3A_135 = arith.extui %lt3A_134 : i1 to i32
      %cond3A_136 = arith.constant 0 : i32
      %cond3A_137 = arith.cmpi ne, %convert_element_type3A_135, %cond3A_136 : i32
      scf.if %cond3A_137 {
        %ge3A = arith.constant 1 : i32
        %ge3A_184 = arith.cmpi sge, %add3A_116, %ge3A : i32
        %convert_element_type3A_185 = arith.extui %ge3A_184 : i1 to i32
        %cond3A_186 = arith.constant 0 : i32
        %cond3A_187 = arith.cmpi ne, %convert_element_type3A_185, %cond3A_186 : i32
        scf.if %cond3A_187 {
          %dma_wait3A_194 = arith.constant 0 : i32
          %dma_wait3A_195 = arith.constant 0 : i32
          %dma_wait3A_196 = tpu.memref_slice %arg7[%dma_wait3A_194, %dma_wait3A_195] : memref<80x128xi32, #tpu.memory_space<vmem>> -> memref<1x128xi32, #tpu.memory_space<vmem>>
          %dma_wait3A_197 = tpu.memref_squeeze %dma_wait3A_196 : memref<1x128xi32, #tpu.memory_space<vmem>> -> memref<128xi32, #tpu.memory_space<vmem>>
          %dma_wait3A_198 = arith.constant 0 : i32
          %dma_wait3A_199 = arith.constant 0 : i32
          %dma_wait3A_200 = tpu.memref_slice %arg12[%dma_wait3A_198, %dma_wait3A_199] : memref<10240x64xf32, #tpu.memory_space<vmem_shared>> -> memref<10240x64xf32, #tpu.memory_space<vmem_shared>>
          tpu.wait_indirect_dma semaphore(%arg17 : memref<!tpu.dma_semaphore, #tpu.memory_space<semaphore_mem>>) src(%arg8 : memref<128x64xf32, #tpu.memory_space<vmem>>) dst(%dma_wait3A_200 : memref<10240x64xf32, #tpu.memory_space<vmem_shared>>)
        } else {
        }
        %dma_start3A_188 = arith.constant 0 : i32
        %dma_start3A_189 = tpu.memref_slice %arg6[%sub3A_132, %dma_start3A_188] : memref<80x128xi32, #tpu.memory_space<vmem>> -> memref<1x128xi32, #tpu.memory_space<vmem>>
        %dma_start3A_190 = tpu.memref_squeeze %dma_start3A_189 : memref<1x128xi32, #tpu.memory_space<vmem>> -> memref<128xi32, #tpu.memory_space<vmem>>
        %dma_start3A_191 = arith.constant 0 : i32
        %dma_start3A_192 = arith.constant 0 : i32
        %dma_start3A_193 = tpu.memref_slice %arg2[%dma_start3A_191, %dma_start3A_192] : memref<10240x64xf32, #tpu.memory_space<hbm>> -> memref<10240x64xf32, #tpu.memory_space<hbm>>
        tpu.enqueue_indirect_dma source(%dma_start3A_193 : memref<10240x64xf32, #tpu.memory_space<hbm>>) target(%arg8 : memref<128x64xf32, #tpu.memory_space<vmem>>) offsets(%dma_start3A_190 : memref<128xi32, #tpu.memory_space<vmem>>) semaphore(%arg13 : memref<!tpu.dma_semaphore, #tpu.memory_space<semaphore_mem>>)
      } else {
      }
      %add3A_138 = arith.constant 2 : i32
      %add3A_139 = arith.addi %add3A_93, %add3A_138 : i32
      %dma_wait3A_140 = arith.constant 0 : i32
      %dma_wait3A_141 = tpu.memref_slice %arg6[%add3A_139, %dma_wait3A_140] : memref<80x128xi32, #tpu.memory_space<vmem>> -> memref<1x128xi32, #tpu.memory_space<vmem>>
      %dma_wait3A_142 = tpu.memref_squeeze %dma_wait3A_141 : memref<1x128xi32, #tpu.memory_space<vmem>> -> memref<128xi32, #tpu.memory_space<vmem>>
      %dma_wait3A_143 = arith.constant 0 : i32
      %dma_wait3A_144 = arith.constant 0 : i32
      %dma_wait3A_145 = tpu.memref_slice %arg2[%dma_wait3A_143, %dma_wait3A_144] : memref<10240x64xf32, #tpu.memory_space<hbm>> -> memref<10240x64xf32, #tpu.memory_space<hbm>>
      tpu.wait_indirect_dma semaphore(%arg15 : memref<!tpu.dma_semaphore, #tpu.memory_space<semaphore_mem>>) src(%dma_wait3A_145 : memref<10240x64xf32, #tpu.memory_space<hbm>>) dst(%arg10 : memref<128x64xf32, #tpu.memory_space<vmem>>)
      %dma_start3A_146 = arith.constant 0 : i32
      %dma_start3A_147 = tpu.memref_slice %arg7[%add3A_139, %dma_start3A_146] : memref<80x128xi32, #tpu.memory_space<vmem>> -> memref<1x128xi32, #tpu.memory_space<vmem>>
      %dma_start3A_148 = tpu.memref_squeeze %dma_start3A_147 : memref<1x128xi32, #tpu.memory_space<vmem>> -> memref<128xi32, #tpu.memory_space<vmem>>
      %dma_start3A_149 = arith.constant 0 : i32
      %dma_start3A_150 = arith.constant 0 : i32
      %dma_start3A_151 = tpu.memref_slice %arg12[%dma_start3A_149, %dma_start3A_150] : memref<10240x64xf32, #tpu.memory_space<vmem_shared>> -> memref<10240x64xf32, #tpu.memory_space<vmem_shared>>
      tpu.enqueue_indirect_dma source(%arg10 : memref<128x64xf32, #tpu.memory_space<vmem>>) target(%dma_start3A_151 : memref<10240x64xf32, #tpu.memory_space<vmem_shared>>) offsets(%dma_start3A_148 : memref<128xi32, #tpu.memory_space<vmem>>) semaphore(%arg19 : memref<!tpu.dma_semaphore, #tpu.memory_space<semaphore_mem>>) {add = true}
      %add3A_152 = arith.constant 4 : i32
      %add3A_153 = arith.addi %add3A_139, %add3A_152 : i32
      %sub3A_154 = arith.constant 1 : i32
      %sub3A_155 = arith.subi %add3A_153, %sub3A_154 : i32
      %lt3A_156 = arith.constant 80 : i32
      %lt3A_157 = arith.cmpi slt, %sub3A_155, %lt3A_156 : i32
      %convert_element_type3A_158 = arith.extui %lt3A_157 : i1 to i32
      %cond3A_159 = arith.constant 0 : i32
      %cond3A_160 = arith.cmpi ne, %convert_element_type3A_158, %cond3A_159 : i32
      scf.if %cond3A_160 {
        %ge3A = arith.constant 1 : i32
        %ge3A_184 = arith.cmpi sge, %add3A_139, %ge3A : i32
        %convert_element_type3A_185 = arith.extui %ge3A_184 : i1 to i32
        %cond3A_186 = arith.constant 0 : i32
        %cond3A_187 = arith.cmpi ne, %convert_element_type3A_185, %cond3A_186 : i32
        scf.if %cond3A_187 {
          %dma_wait3A_194 = arith.constant 0 : i32
          %dma_wait3A_195 = arith.constant 0 : i32
          %dma_wait3A_196 = tpu.memref_slice %arg7[%dma_wait3A_194, %dma_wait3A_195] : memref<80x128xi32, #tpu.memory_space<vmem>> -> memref<1x128xi32, #tpu.memory_space<vmem>>
          %dma_wait3A_197 = tpu.memref_squeeze %dma_wait3A_196 : memref<1x128xi32, #tpu.memory_space<vmem>> -> memref<128xi32, #tpu.memory_space<vmem>>
          %dma_wait3A_198 = arith.constant 0 : i32
          %dma_wait3A_199 = arith.constant 0 : i32
          %dma_wait3A_200 = tpu.memref_slice %arg12[%dma_wait3A_198, %dma_wait3A_199] : memref<10240x64xf32, #tpu.memory_space<vmem_shared>> -> memref<10240x64xf32, #tpu.memory_space<vmem_shared>>
          tpu.wait_indirect_dma semaphore(%arg18 : memref<!tpu.dma_semaphore, #tpu.memory_space<semaphore_mem>>) src(%arg9 : memref<128x64xf32, #tpu.memory_space<vmem>>) dst(%dma_wait3A_200 : memref<10240x64xf32, #tpu.memory_space<vmem_shared>>)
        } else {
        }
        %dma_start3A_188 = arith.constant 0 : i32
        %dma_start3A_189 = tpu.memref_slice %arg6[%sub3A_155, %dma_start3A_188] : memref<80x128xi32, #tpu.memory_space<vmem>> -> memref<1x128xi32, #tpu.memory_space<vmem>>
        %dma_start3A_190 = tpu.memref_squeeze %dma_start3A_189 : memref<1x128xi32, #tpu.memory_space<vmem>> -> memref<128xi32, #tpu.memory_space<vmem>>
        %dma_start3A_191 = arith.constant 0 : i32
        %dma_start3A_192 = arith.constant 0 : i32
        %dma_start3A_193 = tpu.memref_slice %arg2[%dma_start3A_191, %dma_start3A_192] : memref<10240x64xf32, #tpu.memory_space<hbm>> -> memref<10240x64xf32, #tpu.memory_space<hbm>>
        tpu.enqueue_indirect_dma source(%dma_start3A_193 : memref<10240x64xf32, #tpu.memory_space<hbm>>) target(%arg9 : memref<128x64xf32, #tpu.memory_space<vmem>>) offsets(%dma_start3A_190 : memref<128xi32, #tpu.memory_space<vmem>>) semaphore(%arg14 : memref<!tpu.dma_semaphore, #tpu.memory_space<semaphore_mem>>)
      } else {
      }
      %add3A_161 = arith.constant 3 : i32
      %add3A_162 = arith.addi %add3A_93, %add3A_161 : i32
      %dma_wait3A_163 = arith.constant 0 : i32
      %dma_wait3A_164 = tpu.memref_slice %arg6[%add3A_162, %dma_wait3A_163] : memref<80x128xi32, #tpu.memory_space<vmem>> -> memref<1x128xi32, #tpu.memory_space<vmem>>
      %dma_wait3A_165 = tpu.memref_squeeze %dma_wait3A_164 : memref<1x128xi32, #tpu.memory_space<vmem>> -> memref<128xi32, #tpu.memory_space<vmem>>
      %dma_wait3A_166 = arith.constant 0 : i32
      %dma_wait3A_167 = arith.constant 0 : i32
      %dma_wait3A_168 = tpu.memref_slice %arg2[%dma_wait3A_166, %dma_wait3A_167] : memref<10240x64xf32, #tpu.memory_space<hbm>> -> memref<10240x64xf32, #tpu.memory_space<hbm>>
      tpu.wait_indirect_dma semaphore(%arg16 : memref<!tpu.dma_semaphore, #tpu.memory_space<semaphore_mem>>) src(%dma_wait3A_168 : memref<10240x64xf32, #tpu.memory_space<hbm>>) dst(%arg11 : memref<128x64xf32, #tpu.memory_space<vmem>>)
      %dma_start3A_169 = arith.constant 0 : i32
      %dma_start3A_170 = tpu.memref_slice %arg7[%add3A_162, %dma_start3A_169] : memref<80x128xi32, #tpu.memory_space<vmem>> -> memref<1x128xi32, #tpu.memory_space<vmem>>
      %dma_start3A_171 = tpu.memref_squeeze %dma_start3A_170 : memref<1x128xi32, #tpu.memory_space<vmem>> -> memref<128xi32, #tpu.memory_space<vmem>>
      %dma_start3A_172 = arith.constant 0 : i32
      %dma_start3A_173 = arith.constant 0 : i32
      %dma_start3A_174 = tpu.memref_slice %arg12[%dma_start3A_172, %dma_start3A_173] : memref<10240x64xf32, #tpu.memory_space<vmem_shared>> -> memref<10240x64xf32, #tpu.memory_space<vmem_shared>>
      tpu.enqueue_indirect_dma source(%arg11 : memref<128x64xf32, #tpu.memory_space<vmem>>) target(%dma_start3A_174 : memref<10240x64xf32, #tpu.memory_space<vmem_shared>>) offsets(%dma_start3A_171 : memref<128xi32, #tpu.memory_space<vmem>>) semaphore(%arg20 : memref<!tpu.dma_semaphore, #tpu.memory_space<semaphore_mem>>) {add = true}
      %add3A_175 = arith.constant 4 : i32
      %add3A_176 = arith.addi %add3A_162, %add3A_175 : i32
      %sub3A_177 = arith.constant 1 : i32
      %sub3A_178 = arith.subi %add3A_176, %sub3A_177 : i32
      %lt3A_179 = arith.constant 80 : i32
      %lt3A_180 = arith.cmpi slt, %sub3A_178, %lt3A_179 : i32
      %convert_element_type3A_181 = arith.extui %lt3A_180 : i1 to i32
      %cond3A_182 = arith.constant 0 : i32
      %cond3A_183 = arith.cmpi ne, %convert_element_type3A_181, %cond3A_182 : i32
      scf.if %cond3A_183 {
        %ge3A = arith.constant 1 : i32
        %ge3A_184 = arith.cmpi sge, %add3A_162, %ge3A : i32
        %convert_element_type3A_185 = arith.extui %ge3A_184 : i1 to i32
        %cond3A_186 = arith.constant 0 : i32
        %cond3A_187 = arith.cmpi ne, %convert_element_type3A_185, %cond3A_186 : i32
        scf.if %cond3A_187 {
          %dma_wait3A_194 = arith.constant 0 : i32
          %dma_wait3A_195 = arith.constant 0 : i32
          %dma_wait3A_196 = tpu.memref_slice %arg7[%dma_wait3A_194, %dma_wait3A_195] : memref<80x128xi32, #tpu.memory_space<vmem>> -> memref<1x128xi32, #tpu.memory_space<vmem>>
          %dma_wait3A_197 = tpu.memref_squeeze %dma_wait3A_196 : memref<1x128xi32, #tpu.memory_space<vmem>> -> memref<128xi32, #tpu.memory_space<vmem>>
          %dma_wait3A_198 = arith.constant 0 : i32
          %dma_wait3A_199 = arith.constant 0 : i32
          %dma_wait3A_200 = tpu.memref_slice %arg12[%dma_wait3A_198, %dma_wait3A_199] : memref<10240x64xf32, #tpu.memory_space<vmem_shared>> -> memref<10240x64xf32, #tpu.memory_space<vmem_shared>>
          tpu.wait_indirect_dma semaphore(%arg19 : memref<!tpu.dma_semaphore, #tpu.memory_space<semaphore_mem>>) src(%arg10 : memref<128x64xf32, #tpu.memory_space<vmem>>) dst(%dma_wait3A_200 : memref<10240x64xf32, #tpu.memory_space<vmem_shared>>)
        } else {
        }
        %dma_start3A_188 = arith.constant 0 : i32
        %dma_start3A_189 = tpu.memref_slice %arg6[%sub3A_178, %dma_start3A_188] : memref<80x128xi32, #tpu.memory_space<vmem>> -> memref<1x128xi32, #tpu.memory_space<vmem>>
        %dma_start3A_190 = tpu.memref_squeeze %dma_start3A_189 : memref<1x128xi32, #tpu.memory_space<vmem>> -> memref<128xi32, #tpu.memory_space<vmem>>
        %dma_start3A_191 = arith.constant 0 : i32
        %dma_start3A_192 = arith.constant 0 : i32
        %dma_start3A_193 = tpu.memref_slice %arg2[%dma_start3A_191, %dma_start3A_192] : memref<10240x64xf32, #tpu.memory_space<hbm>> -> memref<10240x64xf32, #tpu.memory_space<hbm>>
        tpu.enqueue_indirect_dma source(%dma_start3A_193 : memref<10240x64xf32, #tpu.memory_space<hbm>>) target(%arg10 : memref<128x64xf32, #tpu.memory_space<vmem>>) offsets(%dma_start3A_190 : memref<128xi32, #tpu.memory_space<vmem>>) semaphore(%arg15 : memref<!tpu.dma_semaphore, #tpu.memory_space<semaphore_mem>>)
      } else {
      }
    }
    %scan3A_53 = arith.constant 20 : i32
    %dma_wait3A = arith.constant 0 : i32
    %dma_wait3A_54 = arith.constant 0 : i32
    %dma_wait3A_55 = tpu.memref_slice %arg7[%dma_wait3A, %dma_wait3A_54] : memref<80x128xi32, #tpu.memory_space<vmem>> -> memref<1x128xi32, #tpu.memory_space<vmem>>
    %dma_wait3A_56 = tpu.memref_squeeze %dma_wait3A_55 : memref<1x128xi32, #tpu.memory_space<vmem>> -> memref<128xi32, #tpu.memory_space<vmem>>
    %dma_wait3A_57 = arith.constant 0 : i32
    %dma_wait3A_58 = arith.constant 0 : i32
    %dma_wait3A_59 = tpu.memref_slice %arg12[%dma_wait3A_57, %dma_wait3A_58] : memref<10240x64xf32, #tpu.memory_space<vmem_shared>> -> memref<10240x64xf32, #tpu.memory_space<vmem_shared>>
    tpu.wait_indirect_dma semaphore(%arg17 : memref<!tpu.dma_semaphore, #tpu.memory_space<semaphore_mem>>) src(%arg8 : memref<128x64xf32, #tpu.memory_space<vmem>>) dst(%dma_wait3A_59 : memref<10240x64xf32, #tpu.memory_space<vmem_shared>>)
    %dma_wait3A_60 = arith.constant 0 : i32
    %dma_wait3A_61 = arith.constant 0 : i32
    %dma_wait3A_62 = tpu.memref_slice %arg7[%dma_wait3A_60, %dma_wait3A_61] : memref<80x128xi32, #tpu.memory_space<vmem>> -> memref<1x128xi32, #tpu.memory_space<vmem>>
    %dma_wait3A_63 = tpu.memref_squeeze %dma_wait3A_62 : memref<1x128xi32, #tpu.memory_space<vmem>> -> memref<128xi32, #tpu.memory_space<vmem>>
    %dma_wait3A_64 = arith.constant 0 : i32
    %dma_wait3A_65 = arith.constant 0 : i32
    %dma_wait3A_66 = tpu.memref_slice %arg12[%dma_wait3A_64, %dma_wait3A_65] : memref<10240x64xf32, #tpu.memory_space<vmem_shared>> -> memref<10240x64xf32, #tpu.memory_space<vmem_shared>>
    tpu.wait_indirect_dma semaphore(%arg18 : memref<!tpu.dma_semaphore, #tpu.memory_space<semaphore_mem>>) src(%arg9 : memref<128x64xf32, #tpu.memory_space<vmem>>) dst(%dma_wait3A_66 : memref<10240x64xf32, #tpu.memory_space<vmem_shared>>)
    %dma_wait3A_67 = arith.constant 0 : i32
    %dma_wait3A_68 = arith.constant 0 : i32
    %dma_wait3A_69 = tpu.memref_slice %arg7[%dma_wait3A_67, %dma_wait3A_68] : memref<80x128xi32, #tpu.memory_space<vmem>> -> memref<1x128xi32, #tpu.memory_space<vmem>>
    %dma_wait3A_70 = tpu.memref_squeeze %dma_wait3A_69 : memref<1x128xi32, #tpu.memory_space<vmem>> -> memref<128xi32, #tpu.memory_space<vmem>>
    %dma_wait3A_71 = arith.constant 0 : i32
    %dma_wait3A_72 = arith.constant 0 : i32
    %dma_wait3A_73 = tpu.memref_slice %arg12[%dma_wait3A_71, %dma_wait3A_72] : memref<10240x64xf32, #tpu.memory_space<vmem_shared>> -> memref<10240x64xf32, #tpu.memory_space<vmem_shared>>
    tpu.wait_indirect_dma semaphore(%arg19 : memref<!tpu.dma_semaphore, #tpu.memory_space<semaphore_mem>>) src(%arg10 : memref<128x64xf32, #tpu.memory_space<vmem>>) dst(%dma_wait3A_73 : memref<10240x64xf32, #tpu.memory_space<vmem_shared>>)
    %dma_wait3A_74 = arith.constant 0 : i32
    %dma_wait3A_75 = arith.constant 0 : i32
    %dma_wait3A_76 = tpu.memref_slice %arg7[%dma_wait3A_74, %dma_wait3A_75] : memref<80x128xi32, #tpu.memory_space<vmem>> -> memref<1x128xi32, #tpu.memory_space<vmem>>
    %dma_wait3A_77 = tpu.memref_squeeze %dma_wait3A_76 : memref<1x128xi32, #tpu.memory_space<vmem>> -> memref<128xi32, #tpu.memory_space<vmem>>
    %dma_wait3A_78 = arith.constant 0 : i32
    %dma_wait3A_79 = arith.constant 0 : i32
    %dma_wait3A_80 = tpu.memref_slice %arg12[%dma_wait3A_78, %dma_wait3A_79] : memref<10240x64xf32, #tpu.memory_space<vmem_shared>> -> memref<10240x64xf32, #tpu.memory_space<vmem_shared>>
    tpu.wait_indirect_dma semaphore(%arg20 : memref<!tpu.dma_semaphore, #tpu.memory_space<semaphore_mem>>) src(%arg11 : memref<128x64xf32, #tpu.memory_space<vmem>>) dst(%dma_wait3A_80 : memref<10240x64xf32, #tpu.memory_space<vmem_shared>>)
    %barrier3A_81 = arith.constant 0 : index
    tpu.barrier barrier_id(%barrier3A_81)
    %eq3A = arith.constant 0 : i32
    %eq3A_82 = arith.cmpi eq, %arg0, %eq3A : i32
    %convert_element_type3A = arith.extui %eq3A_82 : i1 to i32
    %cond3A = arith.constant 0 : i32
    %cond3A_83 = arith.cmpi ne, %convert_element_type3A, %cond3A : i32
    scf.if %cond3A_83 {
      %mul3A_89 = arith.constant 640 : i32
      %mul3A_90 = arith.muli %arg1, %mul3A_89 : i32
      %mul3A_91 = arith.constant 640 : i32
      %mul3A_92 = arith.muli %arg1, %mul3A_91 : i32
      "tpu.region"() ({
        %run_scoped3A_93 = tpu.sem_alloc : memref<!tpu.dma_semaphore, #tpu.memory_space<semaphore_mem>>
        %dma_start3A_94 = arith.constant 0 : i32
        %dma_start3A_95 = tpu.memref_slice %arg4[%mul3A_92, %dma_start3A_94] : memref<10240x64xf32, #tpu.memory_space<hbm>> -> memref<640x64xf32, #tpu.memory_space<hbm>>
        %dma_start3A_96 = arith.constant 0 : i32
        %dma_start3A_97 = tpu.memref_slice %arg12[%mul3A_90, %dma_start3A_96] : memref<10240x64xf32, #tpu.memory_space<vmem_shared>> -> memref<640x64xf32, #tpu.memory_space<vmem_shared>>
        tpu.enqueue_dma source(%dma_start3A_97 : memref<640x64xf32, #tpu.memory_space<vmem_shared>>) target(%dma_start3A_95 : memref<640x64xf32, #tpu.memory_space<hbm>>) target_semaphore(%run_scoped3A_93 : memref<!tpu.dma_semaphore, #tpu.memory_space<semaphore_mem>>)
        %dma_wait3A_98 = arith.constant 0 : i32
        %dma_wait3A_99 = tpu.memref_slice %arg4[%mul3A_92, %dma_wait3A_98] : memref<10240x64xf32, #tpu.memory_space<hbm>> -> memref<640x64xf32, #tpu.memory_space<hbm>>
        %dma_wait3A_100 = arith.constant 0 : i32
        %dma_wait3A_101 = tpu.memref_slice %arg12[%mul3A_90, %dma_wait3A_100] : memref<10240x64xf32, #tpu.memory_space<vmem_shared>> -> memref<640x64xf32, #tpu.memory_space<vmem_shared>>
        tpu.wait_dma2 semaphore(%run_scoped3A_93 : memref<!tpu.dma_semaphore, #tpu.memory_space<semaphore_mem>>) src(%dma_wait3A_101 : memref<640x64xf32, #tpu.memory_space<vmem_shared>>) dst(%dma_wait3A_99 : memref<640x64xf32, #tpu.memory_space<hbm>>)
        tpu.yield
      }) : () -> ()
    } else {
    }
    %eq3A_84 = arith.constant 1 : i32
    %eq3A_85 = arith.cmpi eq, %arg0, %eq3A_84 : i32
    %convert_element_type3A_86 = arith.extui %eq3A_85 : i1 to i32
    %cond3A_87 = arith.constant 0 : i32
    %cond3A_88 = arith.cmpi ne, %convert_element_type3A_86, %cond3A_87 : i32
    scf.if %cond3A_88 {
      %mul3A_89 = arith.constant 640 : i32
      %mul3A_90 = arith.muli %arg1, %mul3A_89 : i32
      %mul3A_91 = arith.constant 640 : i32
      %mul3A_92 = arith.muli %arg1, %mul3A_91 : i32
      "tpu.region"() ({
        %run_scoped3A_93 = tpu.sem_alloc : memref<!tpu.dma_semaphore, #tpu.memory_space<semaphore_mem>>
        %dma_start3A_94 = arith.constant 0 : i32
        %dma_start3A_95 = tpu.memref_slice %arg5[%mul3A_92, %dma_start3A_94] : memref<10240x64xf32, #tpu.memory_space<hbm>> -> memref<640x64xf32, #tpu.memory_space<hbm>>
        %dma_start3A_96 = arith.constant 0 : i32
        %dma_start3A_97 = tpu.memref_slice %arg12[%mul3A_90, %dma_start3A_96] : memref<10240x64xf32, #tpu.memory_space<vmem_shared>> -> memref<640x64xf32, #tpu.memory_space<vmem_shared>>
        tpu.enqueue_dma source(%dma_start3A_97 : memref<640x64xf32, #tpu.memory_space<vmem_shared>>) target(%dma_start3A_95 : memref<640x64xf32, #tpu.memory_space<hbm>>) target_semaphore(%run_scoped3A_93 : memref<!tpu.dma_semaphore, #tpu.memory_space<semaphore_mem>>)
        %dma_wait3A_98 = arith.constant 0 : i32
        %dma_wait3A_99 = tpu.memref_slice %arg5[%mul3A_92, %dma_wait3A_98] : memref<10240x64xf32, #tpu.memory_space<hbm>> -> memref<640x64xf32, #tpu.memory_space<hbm>>
        %dma_wait3A_100 = arith.constant 0 : i32
        %dma_wait3A_101 = tpu.memref_slice %arg12[%mul3A_90, %dma_wait3A_100] : memref<10240x64xf32, #tpu.memory_space<vmem_shared>> -> memref<640x64xf32, #tpu.memory_space<vmem_shared>>
        tpu.wait_dma2 semaphore(%run_scoped3A_93 : memref<!tpu.dma_semaphore, #tpu.memory_space<semaphore_mem>>) src(%dma_wait3A_101 : memref<640x64xf32, #tpu.memory_space<vmem_shared>>) dst(%dma_wait3A_99 : memref<640x64xf32, #tpu.memory_space<hbm>>)
        tpu.yield
      }) : () -> ()
    } else {
    }
    return
  }
}

#map = affine_map<(d0, d1) -> (0, 0)>
#map1 = affine_map<(d0, d1) -> (0, 0, 0, 0)>
module attributes {stable_mosaic.version = 14 : i64} {
  func.func @_agg_body(%arg0: i32, %arg1: i32, %arg2: memref<10240x64xf32, #tpu.memory_space<hbm>>, %arg3: memref<2x32x80x128xi32, #tpu.memory_space<hbm>>, %arg4: memref<10240x64xf32, #tpu.memory_space<hbm>>, %arg5: memref<10240x64xf32, #tpu.memory_space<hbm>>, %arg6: memref<80x128xi32, #tpu.memory_space<vmem>>, %arg7: memref<80x128xi32, #tpu.memory_space<vmem>>, %arg8: memref<128x64xf32, #tpu.memory_space<vmem>>, %arg9: memref<128x64xf32, #tpu.memory_space<vmem>>, %arg10: memref<128x64xf32, #tpu.memory_space<vmem>>, %arg11: memref<128x64xf32, #tpu.memory_space<vmem>>, %arg12: memref<10240x64xf32, #tpu.memory_space<vmem_shared>>, %arg13: memref<!tpu.dma_semaphore, #tpu.memory_space<semaphore_mem>>, %arg14: memref<!tpu.dma_semaphore, #tpu.memory_space<semaphore_mem>>, %arg15: memref<!tpu.dma_semaphore, #tpu.memory_space<semaphore_mem>>, %arg16: memref<!tpu.dma_semaphore, #tpu.memory_space<semaphore_mem>>, %arg17: memref<!tpu.dma_semaphore, #tpu.memory_space<semaphore_mem>>, %arg18: memref<!tpu.dma_semaphore, #tpu.memory_space<semaphore_mem>>, %arg19: memref<!tpu.dma_semaphore, #tpu.memory_space<semaphore_mem>>, %arg20: memref<!tpu.dma_semaphore, #tpu.memory_space<semaphore_mem>>) attributes {dimension_semantics = [#tpu.dimension_semantics<core_parallel>, #tpu.dimension_semantics<subcore_parallel>], iteration_bounds = array<i64: 2, 16>, scalar_prefetch = 0 : i64, scratch_operands = 15 : i64, tpu.core_type = #tpu.core_type<sc_vector_subcore>, window_params = [{transform_indices = #map}, {transform_indices = #map1}, {transform_indices = #map}, {transform_indices = #map}]} {
    %scan3A = arith.constant 0 : i32
    %scan3A_0 = arith.constant 128 : i32
    %scan3A_1 = arith.addi %scan3A, %scan3A_0 : i32
    %scan3A_2 = arith.constant 1 : i32
    scf.for %scan3A_89 = %scan3A to %scan3A_1 step %scan3A_2  : i32 {
      %mul3A_90 = arith.constant 1 : i32
      %mul3A_91 = arith.muli %scan3A_89, %mul3A_90 : i32
      %add3A_92 = arith.constant 0 : i32
      %add3A_93 = arith.addi %add3A_92, %mul3A_91 : i32
      %broadcast_in_dim3A = arith.constant 0.000000e+00 : f32
      %broadcast_in_dim3A_94 = vector.broadcast %broadcast_in_dim3A : f32 to vector<16xf32>
      %swap3A = arith.index_cast %add3A_93 : i32 to index
      %swap3A_95 = arith.constant 0 : index
      %swap3A_96 = tpu.vector_load %arg8[%swap3A, %swap3A_95] {strides = array<i32>} : memref<128x64xf32, #tpu.memory_space<vmem>>, vector<1x16xf32>,
      %swap3A_97 = vector.shape_cast %swap3A_96 : vector<1x16xf32> to vector<16xf32>
      %swap3A_98 = vector.shape_cast %broadcast_in_dim3A_94 : vector<16xf32> to vector<1x16xf32>
      tpu.vector_store %arg8[%swap3A, %swap3A_95], %swap3A_98 {strides = array<i32>} : memref<128x64xf32, #tpu.memory_space<vmem>>, vector<1x16xf32>,
      %broadcast_in_dim3A_99 = arith.constant 0.000000e+00 : f32
      %broadcast_in_dim3A_100 = vector.broadcast %broadcast_in_dim3A_99 : f32 to vector<16xf32>
      %swap3A_101 = arith.index_cast %add3A_93 : i32 to index
      %swap3A_102 = arith.constant 16 : index
      %swap3A_103 = tpu.vector_load %arg8[%swap3A_101, %swap3A_102] {strides = array<i32>} : memref<128x64xf32, #tpu.memory_space<vmem>>, vector<1x16xf32>,
      %swap3A_104 = vector.shape_cast %swap3A_103 : vector<1x16xf32> to vector<16xf32>
      %swap3A_105 = vector.shape_cast %broadcast_in_dim3A_100 : vector<16xf32> to vector<1x16xf32>
      tpu.vector_store %arg8[%swap3A_101, %swap3A_102], %swap3A_105 {strides = array<i32>} : memref<128x64xf32, #tpu.memory_space<vmem>>, vector<1x16xf32>,
      %broadcast_in_dim3A_106 = arith.constant 0.000000e+00 : f32
      %broadcast_in_dim3A_107 = vector.broadcast %broadcast_in_dim3A_106 : f32 to vector<16xf32>
      %swap3A_108 = arith.index_cast %add3A_93 : i32 to index
      %swap3A_109 = arith.constant 32 : index
      %swap3A_110 = tpu.vector_load %arg8[%swap3A_108, %swap3A_109] {strides = array<i32>} : memref<128x64xf32, #tpu.memory_space<vmem>>, vector<1x16xf32>,
      %swap3A_111 = vector.shape_cast %swap3A_110 : vector<1x16xf32> to vector<16xf32>
      %swap3A_112 = vector.shape_cast %broadcast_in_dim3A_107 : vector<16xf32> to vector<1x16xf32>
      tpu.vector_store %arg8[%swap3A_108, %swap3A_109], %swap3A_112 {strides = array<i32>} : memref<128x64xf32, #tpu.memory_space<vmem>>, vector<1x16xf32>,
      %broadcast_in_dim3A_113 = arith.constant 0.000000e+00 : f32
      %broadcast_in_dim3A_114 = vector.broadcast %broadcast_in_dim3A_113 : f32 to vector<16xf32>
      %swap3A_115 = arith.index_cast %add3A_93 : i32 to index
      %swap3A_116 = arith.constant 48 : index
      %swap3A_117 = tpu.vector_load %arg8[%swap3A_115, %swap3A_116] {strides = array<i32>} : memref<128x64xf32, #tpu.memory_space<vmem>>, vector<1x16xf32>,
      %swap3A_118 = vector.shape_cast %swap3A_117 : vector<1x16xf32> to vector<16xf32>
      %swap3A_119 = vector.shape_cast %broadcast_in_dim3A_114 : vector<16xf32> to vector<1x16xf32>
      tpu.vector_store %arg8[%swap3A_115, %swap3A_116], %swap3A_119 {strides = array<i32>} : memref<128x64xf32, #tpu.memory_space<vmem>>, vector<1x16xf32>,
    }
    %scan3A_3 = arith.constant 128 : i32
    %mul3A = arith.constant 640 : i32
    %mul3A_4 = arith.muli %arg1, %mul3A : i32
    %add3A = arith.constant 0 : i32
    %add3A_5 = arith.addi %mul3A_4, %add3A : i32
    "tpu.region"() ({
      %run_scoped3A_89 = tpu.sem_alloc : memref<!tpu.dma_semaphore, #tpu.memory_space<semaphore_mem>>
      %dma_start3A_90 = arith.constant 0 : i32
      %dma_start3A_91 = tpu.memref_slice %arg12[%add3A_5, %dma_start3A_90] : memref<10240x64xf32, #tpu.memory_space<vmem_shared>> -> memref<128x64xf32, #tpu.memory_space<vmem_shared>>
      %dma_start3A_92 = arith.constant 0 : i32
      %dma_start3A_93 = tpu.memref_slice %arg12[%add3A_5, %dma_start3A_92] : memref<10240x64xf32, #tpu.memory_space<vmem_shared>> -> memref<128x64xf32, #tpu.memory_space<vmem_shared>>
      tpu.enqueue_dma source(%arg8 : memref<128x64xf32, #tpu.memory_space<vmem>>) target(%dma_start3A_93 : memref<128x64xf32, #tpu.memory_space<vmem_shared>>) target_semaphore(%run_scoped3A_89 : memref<!tpu.dma_semaphore, #tpu.memory_space<semaphore_mem>>)
      %dma_wait3A_94 = arith.constant 0 : i32
      %dma_wait3A_95 = tpu.memref_slice %arg12[%add3A_5, %dma_wait3A_94] : memref<10240x64xf32, #tpu.memory_space<vmem_shared>> -> memref<128x64xf32, #tpu.memory_space<vmem_shared>>
      %dma_wait3A_96 = arith.constant 0 : i32
      %dma_wait3A_97 = tpu.memref_slice %arg12[%add3A_5, %dma_wait3A_96] : memref<10240x64xf32, #tpu.memory_space<vmem_shared>> -> memref<128x64xf32, #tpu.memory_space<vmem_shared>>
      tpu.wait_dma2 semaphore(%run_scoped3A_89 : memref<!tpu.dma_semaphore, #tpu.memory_space<semaphore_mem>>) src(%arg8 : memref<128x64xf32, #tpu.memory_space<vmem>>) dst(%dma_wait3A_97 : memref<128x64xf32, #tpu.memory_space<vmem_shared>>)
      tpu.yield
    }) : () -> ()
    %mul3A_6 = arith.constant 640 : i32
    %mul3A_7 = arith.muli %arg1, %mul3A_6 : i32
    %add3A_8 = arith.constant 128 : i32
    %add3A_9 = arith.addi %mul3A_7, %add3A_8 : i32
    "tpu.region"() ({
      %run_scoped3A_89 = tpu.sem_alloc : memref<!tpu.dma_semaphore, #tpu.memory_space<semaphore_mem>>
      %dma_start3A_90 = arith.constant 0 : i32
      %dma_start3A_91 = tpu.memref_slice %arg12[%add3A_9, %dma_start3A_90] : memref<10240x64xf32, #tpu.memory_space<vmem_shared>> -> memref<128x64xf32, #tpu.memory_space<vmem_shared>>
      %dma_start3A_92 = arith.constant 0 : i32
      %dma_start3A_93 = tpu.memref_slice %arg12[%add3A_9, %dma_start3A_92] : memref<10240x64xf32, #tpu.memory_space<vmem_shared>> -> memref<128x64xf32, #tpu.memory_space<vmem_shared>>
      tpu.enqueue_dma source(%arg8 : memref<128x64xf32, #tpu.memory_space<vmem>>) target(%dma_start3A_93 : memref<128x64xf32, #tpu.memory_space<vmem_shared>>) target_semaphore(%run_scoped3A_89 : memref<!tpu.dma_semaphore, #tpu.memory_space<semaphore_mem>>)
      %dma_wait3A_94 = arith.constant 0 : i32
      %dma_wait3A_95 = tpu.memref_slice %arg12[%add3A_9, %dma_wait3A_94] : memref<10240x64xf32, #tpu.memory_space<vmem_shared>> -> memref<128x64xf32, #tpu.memory_space<vmem_shared>>
      %dma_wait3A_96 = arith.constant 0 : i32
      %dma_wait3A_97 = tpu.memref_slice %arg12[%add3A_9, %dma_wait3A_96] : memref<10240x64xf32, #tpu.memory_space<vmem_shared>> -> memref<128x64xf32, #tpu.memory_space<vmem_shared>>
      tpu.wait_dma2 semaphore(%run_scoped3A_89 : memref<!tpu.dma_semaphore, #tpu.memory_space<semaphore_mem>>) src(%arg8 : memref<128x64xf32, #tpu.memory_space<vmem>>) dst(%dma_wait3A_97 : memref<128x64xf32, #tpu.memory_space<vmem_shared>>)
      tpu.yield
    }) : () -> ()
    %mul3A_10 = arith.constant 640 : i32
    %mul3A_11 = arith.muli %arg1, %mul3A_10 : i32
    %add3A_12 = arith.constant 256 : i32
    %add3A_13 = arith.addi %mul3A_11, %add3A_12 : i32
    "tpu.region"() ({
      %run_scoped3A_89 = tpu.sem_alloc : memref<!tpu.dma_semaphore, #tpu.memory_space<semaphore_mem>>
      %dma_start3A_90 = arith.constant 0 : i32
      %dma_start3A_91 = tpu.memref_slice %arg12[%add3A_13, %dma_start3A_90] : memref<10240x64xf32, #tpu.memory_space<vmem_shared>> -> memref<128x64xf32, #tpu.memory_space<vmem_shared>>
      %dma_start3A_92 = arith.constant 0 : i32
      %dma_start3A_93 = tpu.memref_slice %arg12[%add3A_13, %dma_start3A_92] : memref<10240x64xf32, #tpu.memory_space<vmem_shared>> -> memref<128x64xf32, #tpu.memory_space<vmem_shared>>
      tpu.enqueue_dma source(%arg8 : memref<128x64xf32, #tpu.memory_space<vmem>>) target(%dma_start3A_93 : memref<128x64xf32, #tpu.memory_space<vmem_shared>>) target_semaphore(%run_scoped3A_89 : memref<!tpu.dma_semaphore, #tpu.memory_space<semaphore_mem>>)
      %dma_wait3A_94 = arith.constant 0 : i32
      %dma_wait3A_95 = tpu.memref_slice %arg12[%add3A_13, %dma_wait3A_94] : memref<10240x64xf32, #tpu.memory_space<vmem_shared>> -> memref<128x64xf32, #tpu.memory_space<vmem_shared>>
      %dma_wait3A_96 = arith.constant 0 : i32
      %dma_wait3A_97 = tpu.memref_slice %arg12[%add3A_13, %dma_wait3A_96] : memref<10240x64xf32, #tpu.memory_space<vmem_shared>> -> memref<128x64xf32, #tpu.memory_space<vmem_shared>>
      tpu.wait_dma2 semaphore(%run_scoped3A_89 : memref<!tpu.dma_semaphore, #tpu.memory_space<semaphore_mem>>) src(%arg8 : memref<128x64xf32, #tpu.memory_space<vmem>>) dst(%dma_wait3A_97 : memref<128x64xf32, #tpu.memory_space<vmem_shared>>)
      tpu.yield
    }) : () -> ()
    %mul3A_14 = arith.constant 640 : i32
    %mul3A_15 = arith.muli %arg1, %mul3A_14 : i32
    %add3A_16 = arith.constant 384 : i32
    %add3A_17 = arith.addi %mul3A_15, %add3A_16 : i32
    "tpu.region"() ({
      %run_scoped3A_89 = tpu.sem_alloc : memref<!tpu.dma_semaphore, #tpu.memory_space<semaphore_mem>>
      %dma_start3A_90 = arith.constant 0 : i32
      %dma_start3A_91 = tpu.memref_slice %arg12[%add3A_17, %dma_start3A_90] : memref<10240x64xf32, #tpu.memory_space<vmem_shared>> -> memref<128x64xf32, #tpu.memory_space<vmem_shared>>
      %dma_start3A_92 = arith.constant 0 : i32
      %dma_start3A_93 = tpu.memref_slice %arg12[%add3A_17, %dma_start3A_92] : memref<10240x64xf32, #tpu.memory_space<vmem_shared>> -> memref<128x64xf32, #tpu.memory_space<vmem_shared>>
      tpu.enqueue_dma source(%arg8 : memref<128x64xf32, #tpu.memory_space<vmem>>) target(%dma_start3A_93 : memref<128x64xf32, #tpu.memory_space<vmem_shared>>) target_semaphore(%run_scoped3A_89 : memref<!tpu.dma_semaphore, #tpu.memory_space<semaphore_mem>>)
      %dma_wait3A_94 = arith.constant 0 : i32
      %dma_wait3A_95 = tpu.memref_slice %arg12[%add3A_17, %dma_wait3A_94] : memref<10240x64xf32, #tpu.memory_space<vmem_shared>> -> memref<128x64xf32, #tpu.memory_space<vmem_shared>>
      %dma_wait3A_96 = arith.constant 0 : i32
      %dma_wait3A_97 = tpu.memref_slice %arg12[%add3A_17, %dma_wait3A_96] : memref<10240x64xf32, #tpu.memory_space<vmem_shared>> -> memref<128x64xf32, #tpu.memory_space<vmem_shared>>
      tpu.wait_dma2 semaphore(%run_scoped3A_89 : memref<!tpu.dma_semaphore, #tpu.memory_space<semaphore_mem>>) src(%arg8 : memref<128x64xf32, #tpu.memory_space<vmem>>) dst(%dma_wait3A_97 : memref<128x64xf32, #tpu.memory_space<vmem_shared>>)
      tpu.yield
    }) : () -> ()
    %mul3A_18 = arith.constant 640 : i32
    %mul3A_19 = arith.muli %arg1, %mul3A_18 : i32
    %add3A_20 = arith.constant 512 : i32
    %add3A_21 = arith.addi %mul3A_19, %add3A_20 : i32
    "tpu.region"() ({
      %run_scoped3A_89 = tpu.sem_alloc : memref<!tpu.dma_semaphore, #tpu.memory_space<semaphore_mem>>
      %dma_start3A_90 = arith.constant 0 : i32
      %dma_start3A_91 = tpu.memref_slice %arg12[%add3A_21, %dma_start3A_90] : memref<10240x64xf32, #tpu.memory_space<vmem_shared>> -> memref<128x64xf32, #tpu.memory_space<vmem_shared>>
      %dma_start3A_92 = arith.constant 0 : i32
      %dma_start3A_93 = tpu.memref_slice %arg12[%add3A_21, %dma_start3A_92] : memref<10240x64xf32, #tpu.memory_space<vmem_shared>> -> memref<128x64xf32, #tpu.memory_space<vmem_shared>>
      tpu.enqueue_dma source(%arg8 : memref<128x64xf32, #tpu.memory_space<vmem>>) target(%dma_start3A_93 : memref<128x64xf32, #tpu.memory_space<vmem_shared>>) target_semaphore(%run_scoped3A_89 : memref<!tpu.dma_semaphore, #tpu.memory_space<semaphore_mem>>)
      %dma_wait3A_94 = arith.constant 0 : i32
      %dma_wait3A_95 = tpu.memref_slice %arg12[%add3A_21, %dma_wait3A_94] : memref<10240x64xf32, #tpu.memory_space<vmem_shared>> -> memref<128x64xf32, #tpu.memory_space<vmem_shared>>
      %dma_wait3A_96 = arith.constant 0 : i32
      %dma_wait3A_97 = tpu.memref_slice %arg12[%add3A_21, %dma_wait3A_96] : memref<10240x64xf32, #tpu.memory_space<vmem_shared>> -> memref<128x64xf32, #tpu.memory_space<vmem_shared>>
      tpu.wait_dma2 semaphore(%run_scoped3A_89 : memref<!tpu.dma_semaphore, #tpu.memory_space<semaphore_mem>>) src(%arg8 : memref<128x64xf32, #tpu.memory_space<vmem>>) dst(%dma_wait3A_97 : memref<128x64xf32, #tpu.memory_space<vmem_shared>>)
      tpu.yield
    }) : () -> ()
    %mul3A_22 = arith.constant 2 : i32
    %mul3A_23 = arith.muli %arg1, %mul3A_22 : i32
    %add3A_24 = arith.addi %mul3A_23, %arg0 : i32
    %run_scoped3A = arith.constant 0 : i32
    "tpu.region"() ({
      %run_scoped3A_89 = tpu.sem_alloc : memref<!tpu.dma_semaphore, #tpu.memory_space<semaphore_mem>>
      %dma_start3A_90 = arith.constant 0 : i32
      %dma_start3A_91 = arith.constant 0 : i32
      %dma_start3A_92 = tpu.memref_slice %arg3[%run_scoped3A, %add3A_24, %dma_start3A_90, %dma_start3A_91] : memref<2x32x80x128xi32, #tpu.memory_space<hbm>> -> memref<1x1x80x128xi32, #tpu.memory_space<hbm>>
      %dma_start3A_93 = tpu.memref_squeeze %dma_start3A_92 : memref<1x1x80x128xi32, #tpu.memory_space<hbm>> -> memref<80x128xi32, #tpu.memory_space<hbm>>
      %dma_start3A_94 = arith.constant 0 : i32
      %dma_start3A_95 = arith.constant 0 : i32
      %dma_start3A_96 = tpu.memref_slice %arg3[%run_scoped3A, %add3A_24, %dma_start3A_94, %dma_start3A_95] : memref<2x32x80x128xi32, #tpu.memory_space<hbm>> -> memref<1x1x80x128xi32, #tpu.memory_space<hbm>>
      %dma_start3A_97 = tpu.memref_squeeze %dma_start3A_96 : memref<1x1x80x128xi32, #tpu.memory_space<hbm>> -> memref<80x128xi32, #tpu.memory_space<hbm>>
      tpu.enqueue_dma source(%dma_start3A_97 : memref<80x128xi32, #tpu.memory_space<hbm>>) target(%arg6 : memref<80x128xi32, #tpu.memory_space<vmem>>) target_semaphore(%run_scoped3A_89 : memref<!tpu.dma_semaphore, #tpu.memory_space<semaphore_mem>>)
      %dma_wait3A_98 = arith.constant 0 : i32
      %dma_wait3A_99 = arith.constant 0 : i32
      %dma_wait3A_100 = tpu.memref_slice %arg3[%run_scoped3A, %add3A_24, %dma_wait3A_98, %dma_wait3A_99] : memref<2x32x80x128xi32, #tpu.memory_space<hbm>> -> memref<1x1x80x128xi32, #tpu.memory_space<hbm>>
      %dma_wait3A_101 = tpu.memref_squeeze %dma_wait3A_100 : memref<1x1x80x128xi32, #tpu.memory_space<hbm>> -> memref<80x128xi32, #tpu.memory_space<hbm>>
      %dma_wait3A_102 = arith.constant 0 : i32
      %dma_wait3A_103 = arith.constant 0 : i32
      %dma_wait3A_104 = tpu.memref_slice %arg3[%run_scoped3A, %add3A_24, %dma_wait3A_102, %dma_wait3A_103] : memref<2x32x80x128xi32, #tpu.memory_space<hbm>> -> memref<1x1x80x128xi32, #tpu.memory_space<hbm>>
      %dma_wait3A_105 = tpu.memref_squeeze %dma_wait3A_104 : memref<1x1x80x128xi32, #tpu.memory_space<hbm>> -> memref<80x128xi32, #tpu.memory_space<hbm>>
      tpu.wait_dma2 semaphore(%run_scoped3A_89 : memref<!tpu.dma_semaphore, #tpu.memory_space<semaphore_mem>>) src(%dma_wait3A_105 : memref<80x128xi32, #tpu.memory_space<hbm>>) dst(%arg6 : memref<80x128xi32, #tpu.memory_space<vmem>>)
      tpu.yield
    }) : () -> ()
    %mul3A_25 = arith.constant 2 : i32
    %mul3A_26 = arith.muli %arg1, %mul3A_25 : i32
    %add3A_27 = arith.addi %mul3A_26, %arg0 : i32
    %run_scoped3A_28 = arith.constant 1 : i32
    "tpu.region"() ({
      %run_scoped3A_89 = tpu.sem_alloc : memref<!tpu.dma_semaphore, #tpu.memory_space<semaphore_mem>>
      %dma_start3A_90 = arith.constant 0 : i32
      %dma_start3A_91 = arith.constant 0 : i32
      %dma_start3A_92 = tpu.memref_slice %arg3[%run_scoped3A_28, %add3A_27, %dma_start3A_90, %dma_start3A_91] : memref<2x32x80x128xi32, #tpu.memory_space<hbm>> -> memref<1x1x80x128xi32, #tpu.memory_space<hbm>>
      %dma_start3A_93 = tpu.memref_squeeze %dma_start3A_92 : memref<1x1x80x128xi32, #tpu.memory_space<hbm>> -> memref<80x128xi32, #tpu.memory_space<hbm>>
      %dma_start3A_94 = arith.constant 0 : i32
      %dma_start3A_95 = arith.constant 0 : i32
      %dma_start3A_96 = tpu.memref_slice %arg3[%run_scoped3A_28, %add3A_27, %dma_start3A_94, %dma_start3A_95] : memref<2x32x80x128xi32, #tpu.memory_space<hbm>> -> memref<1x1x80x128xi32, #tpu.memory_space<hbm>>
      %dma_start3A_97 = tpu.memref_squeeze %dma_start3A_96 : memref<1x1x80x128xi32, #tpu.memory_space<hbm>> -> memref<80x128xi32, #tpu.memory_space<hbm>>
      tpu.enqueue_dma source(%dma_start3A_97 : memref<80x128xi32, #tpu.memory_space<hbm>>) target(%arg7 : memref<80x128xi32, #tpu.memory_space<vmem>>) target_semaphore(%run_scoped3A_89 : memref<!tpu.dma_semaphore, #tpu.memory_space<semaphore_mem>>)
      %dma_wait3A_98 = arith.constant 0 : i32
      %dma_wait3A_99 = arith.constant 0 : i32
      %dma_wait3A_100 = tpu.memref_slice %arg3[%run_scoped3A_28, %add3A_27, %dma_wait3A_98, %dma_wait3A_99] : memref<2x32x80x128xi32, #tpu.memory_space<hbm>> -> memref<1x1x80x128xi32, #tpu.memory_space<hbm>>
      %dma_wait3A_101 = tpu.memref_squeeze %dma_wait3A_100 : memref<1x1x80x128xi32, #tpu.memory_space<hbm>> -> memref<80x128xi32, #tpu.memory_space<hbm>>
      %dma_wait3A_102 = arith.constant 0 : i32
      %dma_wait3A_103 = arith.constant 0 : i32
      %dma_wait3A_104 = tpu.memref_slice %arg3[%run_scoped3A_28, %add3A_27, %dma_wait3A_102, %dma_wait3A_103] : memref<2x32x80x128xi32, #tpu.memory_space<hbm>> -> memref<1x1x80x128xi32, #tpu.memory_space<hbm>>
      %dma_wait3A_105 = tpu.memref_squeeze %dma_wait3A_104 : memref<1x1x80x128xi32, #tpu.memory_space<hbm>> -> memref<80x128xi32, #tpu.memory_space<hbm>>
      tpu.wait_dma2 semaphore(%run_scoped3A_89 : memref<!tpu.dma_semaphore, #tpu.memory_space<semaphore_mem>>) src(%dma_wait3A_105 : memref<80x128xi32, #tpu.memory_space<hbm>>) dst(%arg7 : memref<80x128xi32, #tpu.memory_space<vmem>>)
      tpu.yield
    }) : () -> ()
    %barrier3A = arith.constant 0 : index
    tpu.barrier barrier_id(%barrier3A)
    %dma_start3A = arith.constant 0 : i32
    %dma_start3A_29 = arith.constant 0 : i32
    %dma_start3A_30 = tpu.memref_slice %arg6[%dma_start3A, %dma_start3A_29] : memref<80x128xi32, #tpu.memory_space<vmem>> -> memref<1x128xi32, #tpu.memory_space<vmem>>
    %dma_start3A_31 = tpu.memref_squeeze %dma_start3A_30 : memref<1x128xi32, #tpu.memory_space<vmem>> -> memref<128xi32, #tpu.memory_space<vmem>>
    %dma_start3A_32 = arith.constant 0 : i32
    %dma_start3A_33 = arith.constant 0 : i32
    %dma_start3A_34 = tpu.memref_slice %arg2[%dma_start3A_32, %dma_start3A_33] : memref<10240x64xf32, #tpu.memory_space<hbm>> -> memref<10240x64xf32, #tpu.memory_space<hbm>>
    tpu.enqueue_indirect_dma source(%dma_start3A_34 : memref<10240x64xf32, #tpu.memory_space<hbm>>) target(%arg8 : memref<128x64xf32, #tpu.memory_space<vmem>>) offsets(%dma_start3A_31 : memref<128xi32, #tpu.memory_space<vmem>>) semaphore(%arg13 : memref<!tpu.dma_semaphore, #tpu.memory_space<semaphore_mem>>)
    %dma_start3A_35 = arith.constant 1 : i32
    %dma_start3A_36 = arith.constant 0 : i32
    %dma_start3A_37 = tpu.memref_slice %arg6[%dma_start3A_35, %dma_start3A_36] : memref<80x128xi32, #tpu.memory_space<vmem>> -> memref<1x128xi32, #tpu.memory_space<vmem>>
    %dma_start3A_38 = tpu.memref_squeeze %dma_start3A_37 : memref<1x128xi32, #tpu.memory_space<vmem>> -> memref<128xi32, #tpu.memory_space<vmem>>
    %dma_start3A_39 = arith.constant 0 : i32
    %dma_start3A_40 = arith.constant 0 : i32
    %dma_start3A_41 = tpu.memref_slice %arg2[%dma_start3A_39, %dma_start3A_40] : memref<10240x64xf32, #tpu.memory_space<hbm>> -> memref<10240x64xf32, #tpu.memory_space<hbm>>
    tpu.enqueue_indirect_dma source(%dma_start3A_41 : memref<10240x64xf32, #tpu.memory_space<hbm>>) target(%arg9 : memref<128x64xf32, #tpu.memory_space<vmem>>) offsets(%dma_start3A_38 : memref<128xi32, #tpu.memory_space<vmem>>) semaphore(%arg14 : memref<!tpu.dma_semaphore, #tpu.memory_space<semaphore_mem>>)
    %dma_start3A_42 = arith.constant 2 : i32
    %dma_start3A_43 = arith.constant 0 : i32
    %dma_start3A_44 = tpu.memref_slice %arg6[%dma_start3A_42, %dma_start3A_43] : memref<80x128xi32, #tpu.memory_space<vmem>> -> memref<1x128xi32, #tpu.memory_space<vmem>>
    %dma_start3A_45 = tpu.memref_squeeze %dma_start3A_44 : memref<1x128xi32, #tpu.memory_space<vmem>> -> memref<128xi32, #tpu.memory_space<vmem>>
    %dma_start3A_46 = arith.constant 0 : i32
    %dma_start3A_47 = arith.constant 0 : i32
    %dma_start3A_48 = tpu.memref_slice %arg2[%dma_start3A_46, %dma_start3A_47] : memref<10240x64xf32, #tpu.memory_space<hbm>> -> memref<10240x64xf32, #tpu.memory_space<hbm>>
    tpu.enqueue_indirect_dma source(%dma_start3A_48 : memref<10240x64xf32, #tpu.memory_space<hbm>>) target(%arg10 : memref<128x64xf32, #tpu.memory_space<vmem>>) offsets(%dma_start3A_45 : memref<128xi32, #tpu.memory_space<vmem>>) semaphore(%arg15 : memref<!tpu.dma_semaphore, #tpu.memory_space<semaphore_mem>>)
    %scan3A_49 = arith.constant 0 : i32
    %scan3A_50 = arith.constant 20 : i32
    %scan3A_51 = arith.addi %scan3A_49, %scan3A_50 : i32
    %scan3A_52 = arith.constant 1 : i32
    scf.for %scan3A_89 = %scan3A_49 to %scan3A_51 step %scan3A_52  : i32 {
      %mul3A_90 = arith.constant 4 : i32
      %mul3A_91 = arith.muli %scan3A_89, %mul3A_90 : i32
      %add3A_92 = arith.constant 0 : i32
      %add3A_93 = arith.addi %add3A_92, %mul3A_91 : i32
      %add3A_94 = arith.constant 0 : i32
      %add3A_95 = arith.addi %add3A_93, %add3A_94 : i32
      %dma_wait3A_96 = arith.constant 0 : i32
      %dma_wait3A_97 = tpu.memref_slice %arg6[%add3A_95, %dma_wait3A_96] : memref<80x128xi32, #tpu.memory_space<vmem>> -> memref<1x128xi32, #tpu.memory_space<vmem>>
      %dma_wait3A_98 = tpu.memref_squeeze %dma_wait3A_97 : memref<1x128xi32, #tpu.memory_space<vmem>> -> memref<128xi32, #tpu.memory_space<vmem>>
      %dma_wait3A_99 = arith.constant 0 : i32
      %dma_wait3A_100 = arith.constant 0 : i32
      %dma_wait3A_101 = tpu.memref_slice %arg2[%dma_wait3A_99, %dma_wait3A_100] : memref<10240x64xf32, #tpu.memory_space<hbm>> -> memref<10240x64xf32, #tpu.memory_space<hbm>>
      tpu.wait_indirect_dma semaphore(%arg13 : memref<!tpu.dma_semaphore, #tpu.memory_space<semaphore_mem>>) src(%dma_wait3A_101 : memref<10240x64xf32, #tpu.memory_space<hbm>>) dst(%arg8 : memref<128x64xf32, #tpu.memory_space<vmem>>)
      %dma_start3A_102 = arith.constant 0 : i32
      %dma_start3A_103 = tpu.memref_slice %arg7[%add3A_95, %dma_start3A_102] : memref<80x128xi32, #tpu.memory_space<vmem>> -> memref<1x128xi32, #tpu.memory_space<vmem>>
      %dma_start3A_104 = tpu.memref_squeeze %dma_start3A_103 : memref<1x128xi32, #tpu.memory_space<vmem>> -> memref<128xi32, #tpu.memory_space<vmem>>
      %dma_start3A_105 = arith.constant 0 : i32
      %dma_start3A_106 = arith.constant 0 : i32
      %dma_start3A_107 = tpu.memref_slice %arg12[%dma_start3A_105, %dma_start3A_106] : memref<10240x64xf32, #tpu.memory_space<vmem_shared>> -> memref<10240x64xf32, #tpu.memory_space<vmem_shared>>
      tpu.enqueue_indirect_dma source(%arg8 : memref<128x64xf32, #tpu.memory_space<vmem>>) target(%dma_start3A_107 : memref<10240x64xf32, #tpu.memory_space<vmem_shared>>) offsets(%dma_start3A_104 : memref<128xi32, #tpu.memory_space<vmem>>) semaphore(%arg17 : memref<!tpu.dma_semaphore, #tpu.memory_space<semaphore_mem>>) {add = true}
      %add3A_108 = arith.constant 4 : i32
      %add3A_109 = arith.addi %add3A_95, %add3A_108 : i32
      %sub3A = arith.constant 1 : i32
      %sub3A_110 = arith.subi %add3A_109, %sub3A : i32
      %lt3A = arith.constant 80 : i32
      %lt3A_111 = arith.cmpi slt, %sub3A_110, %lt3A : i32
      %convert_element_type3A_112 = arith.extui %lt3A_111 : i1 to i32
      %cond3A_113 = arith.constant 0 : i32
      %cond3A_114 = arith.cmpi ne, %convert_element_type3A_112, %cond3A_113 : i32
      scf.if %cond3A_114 {
        %ge3A = arith.constant 1 : i32
        %ge3A_184 = arith.cmpi sge, %add3A_95, %ge3A : i32
        %convert_element_type3A_185 = arith.extui %ge3A_184 : i1 to i32
        %cond3A_186 = arith.constant 0 : i32
        %cond3A_187 = arith.cmpi ne, %convert_element_type3A_185, %cond3A_186 : i32
        scf.if %cond3A_187 {
          %dma_wait3A_194 = arith.constant 0 : i32
          %dma_wait3A_195 = arith.constant 0 : i32
          %dma_wait3A_196 = tpu.memref_slice %arg7[%dma_wait3A_194, %dma_wait3A_195] : memref<80x128xi32, #tpu.memory_space<vmem>> -> memref<1x128xi32, #tpu.memory_space<vmem>>
          %dma_wait3A_197 = tpu.memref_squeeze %dma_wait3A_196 : memref<1x128xi32, #tpu.memory_space<vmem>> -> memref<128xi32, #tpu.memory_space<vmem>>
          %dma_wait3A_198 = arith.constant 0 : i32
          %dma_wait3A_199 = arith.constant 0 : i32
          %dma_wait3A_200 = tpu.memref_slice %arg12[%dma_wait3A_198, %dma_wait3A_199] : memref<10240x64xf32, #tpu.memory_space<vmem_shared>> -> memref<10240x64xf32, #tpu.memory_space<vmem_shared>>
          tpu.wait_indirect_dma semaphore(%arg20 : memref<!tpu.dma_semaphore, #tpu.memory_space<semaphore_mem>>) src(%arg11 : memref<128x64xf32, #tpu.memory_space<vmem>>) dst(%dma_wait3A_200 : memref<10240x64xf32, #tpu.memory_space<vmem_shared>>)
        } else {
        }
        %dma_start3A_188 = arith.constant 0 : i32
        %dma_start3A_189 = tpu.memref_slice %arg6[%sub3A_110, %dma_start3A_188] : memref<80x128xi32, #tpu.memory_space<vmem>> -> memref<1x128xi32, #tpu.memory_space<vmem>>
        %dma_start3A_190 = tpu.memref_squeeze %dma_start3A_189 : memref<1x128xi32, #tpu.memory_space<vmem>> -> memref<128xi32, #tpu.memory_space<vmem>>
        %dma_start3A_191 = arith.constant 0 : i32
        %dma_start3A_192 = arith.constant 0 : i32
        %dma_start3A_193 = tpu.memref_slice %arg2[%dma_start3A_191, %dma_start3A_192] : memref<10240x64xf32, #tpu.memory_space<hbm>> -> memref<10240x64xf32, #tpu.memory_space<hbm>>
        tpu.enqueue_indirect_dma source(%dma_start3A_193 : memref<10240x64xf32, #tpu.memory_space<hbm>>) target(%arg11 : memref<128x64xf32, #tpu.memory_space<vmem>>) offsets(%dma_start3A_190 : memref<128xi32, #tpu.memory_space<vmem>>) semaphore(%arg16 : memref<!tpu.dma_semaphore, #tpu.memory_space<semaphore_mem>>)
      } else {
      }
      %add3A_115 = arith.constant 1 : i32
      %add3A_116 = arith.addi %add3A_93, %add3A_115 : i32
      %dma_wait3A_117 = arith.constant 0 : i32
      %dma_wait3A_118 = tpu.memref_slice %arg6[%add3A_116, %dma_wait3A_117] : memref<80x128xi32, #tpu.memory_space<vmem>> -> memref<1x128xi32, #tpu.memory_space<vmem>>
      %dma_wait3A_119 = tpu.memref_squeeze %dma_wait3A_118 : memref<1x128xi32, #tpu.memory_space<vmem>> -> memref<128xi32, #tpu.memory_space<vmem>>
      %dma_wait3A_120 = arith.constant 0 : i32
      %dma_wait3A_121 = arith.constant 0 : i32
      %dma_wait3A_122 = tpu.memref_slice %arg2[%dma_wait3A_120, %dma_wait3A_121] : memref<10240x64xf32, #tpu.memory_space<hbm>> -> memref<10240x64xf32, #tpu.memory_space<hbm>>
      tpu.wait_indirect_dma semaphore(%arg14 : memref<!tpu.dma_semaphore, #tpu.memory_space<semaphore_mem>>) src(%dma_wait3A_122 : memref<10240x64xf32, #tpu.memory_space<hbm>>) dst(%arg9 : memref<128x64xf32, #tpu.memory_space<vmem>>)
      %dma_start3A_123 = arith.constant 0 : i32
      %dma_start3A_124 = tpu.memref_slice %arg7[%add3A_116, %dma_start3A_123] : memref<80x128xi32, #tpu.memory_space<vmem>> -> memref<1x128xi32, #tpu.memory_space<vmem>>
      %dma_start3A_125 = tpu.memref_squeeze %dma_start3A_124 : memref<1x128xi32, #tpu.memory_space<vmem>> -> memref<128xi32, #tpu.memory_space<vmem>>
      %dma_start3A_126 = arith.constant 0 : i32
      %dma_start3A_127 = arith.constant 0 : i32
      %dma_start3A_128 = tpu.memref_slice %arg12[%dma_start3A_126, %dma_start3A_127] : memref<10240x64xf32, #tpu.memory_space<vmem_shared>> -> memref<10240x64xf32, #tpu.memory_space<vmem_shared>>
      tpu.enqueue_indirect_dma source(%arg9 : memref<128x64xf32, #tpu.memory_space<vmem>>) target(%dma_start3A_128 : memref<10240x64xf32, #tpu.memory_space<vmem_shared>>) offsets(%dma_start3A_125 : memref<128xi32, #tpu.memory_space<vmem>>) semaphore(%arg18 : memref<!tpu.dma_semaphore, #tpu.memory_space<semaphore_mem>>) {add = true}
      %add3A_129 = arith.constant 4 : i32
      %add3A_130 = arith.addi %add3A_116, %add3A_129 : i32
      %sub3A_131 = arith.constant 1 : i32
      %sub3A_132 = arith.subi %add3A_130, %sub3A_131 : i32
      %lt3A_133 = arith.constant 80 : i32
      %lt3A_134 = arith.cmpi slt, %sub3A_132, %lt3A_133 : i32
      %convert_element_type3A_135 = arith.extui %lt3A_134 : i1 to i32
      %cond3A_136 = arith.constant 0 : i32
      %cond3A_137 = arith.cmpi ne, %convert_element_type3A_135, %cond3A_136 : i32
      scf.if %cond3A_137 {
        %ge3A = arith.constant 1 : i32
        %ge3A_184 = arith.cmpi sge, %add3A_116, %ge3A : i32
        %convert_element_type3A_185 = arith.extui %ge3A_184 : i1 to i32
        %cond3A_186 = arith.constant 0 : i32
        %cond3A_187 = arith.cmpi ne, %convert_element_type3A_185, %cond3A_186 : i32
        scf.if %cond3A_187 {
          %dma_wait3A_194 = arith.constant 0 : i32
          %dma_wait3A_195 = arith.constant 0 : i32
          %dma_wait3A_196 = tpu.memref_slice %arg7[%dma_wait3A_194, %dma_wait3A_195] : memref<80x128xi32, #tpu.memory_space<vmem>> -> memref<1x128xi32, #tpu.memory_space<vmem>>
          %dma_wait3A_197 = tpu.memref_squeeze %dma_wait3A_196 : memref<1x128xi32, #tpu.memory_space<vmem>> -> memref<128xi32, #tpu.memory_space<vmem>>
          %dma_wait3A_198 = arith.constant 0 : i32
          %dma_wait3A_199 = arith.constant 0 : i32
          %dma_wait3A_200 = tpu.memref_slice %arg12[%dma_wait3A_198, %dma_wait3A_199] : memref<10240x64xf32, #tpu.memory_space<vmem_shared>> -> memref<10240x64xf32, #tpu.memory_space<vmem_shared>>
          tpu.wait_indirect_dma semaphore(%arg17 : memref<!tpu.dma_semaphore, #tpu.memory_space<semaphore_mem>>) src(%arg8 : memref<128x64xf32, #tpu.memory_space<vmem>>) dst(%dma_wait3A_200 : memref<10240x64xf32, #tpu.memory_space<vmem_shared>>)
        } else {
        }
        %dma_start3A_188 = arith.constant 0 : i32
        %dma_start3A_189 = tpu.memref_slice %arg6[%sub3A_132, %dma_start3A_188] : memref<80x128xi32, #tpu.memory_space<vmem>> -> memref<1x128xi32, #tpu.memory_space<vmem>>
        %dma_start3A_190 = tpu.memref_squeeze %dma_start3A_189 : memref<1x128xi32, #tpu.memory_space<vmem>> -> memref<128xi32, #tpu.memory_space<vmem>>
        %dma_start3A_191 = arith.constant 0 : i32
        %dma_start3A_192 = arith.constant 0 : i32
        %dma_start3A_193 = tpu.memref_slice %arg2[%dma_start3A_191, %dma_start3A_192] : memref<10240x64xf32, #tpu.memory_space<hbm>> -> memref<10240x64xf32, #tpu.memory_space<hbm>>
        tpu.enqueue_indirect_dma source(%dma_start3A_193 : memref<10240x64xf32, #tpu.memory_space<hbm>>) target(%arg8 : memref<128x64xf32, #tpu.memory_space<vmem>>) offsets(%dma_start3A_190 : memref<128xi32, #tpu.memory_space<vmem>>) semaphore(%arg13 : memref<!tpu.dma_semaphore, #tpu.memory_space<semaphore_mem>>)
      } else {
      }
      %add3A_138 = arith.constant 2 : i32
      %add3A_139 = arith.addi %add3A_93, %add3A_138 : i32
      %dma_wait3A_140 = arith.constant 0 : i32
      %dma_wait3A_141 = tpu.memref_slice %arg6[%add3A_139, %dma_wait3A_140] : memref<80x128xi32, #tpu.memory_space<vmem>> -> memref<1x128xi32, #tpu.memory_space<vmem>>
      %dma_wait3A_142 = tpu.memref_squeeze %dma_wait3A_141 : memref<1x128xi32, #tpu.memory_space<vmem>> -> memref<128xi32, #tpu.memory_space<vmem>>
      %dma_wait3A_143 = arith.constant 0 : i32
      %dma_wait3A_144 = arith.constant 0 : i32
      %dma_wait3A_145 = tpu.memref_slice %arg2[%dma_wait3A_143, %dma_wait3A_144] : memref<10240x64xf32, #tpu.memory_space<hbm>> -> memref<10240x64xf32, #tpu.memory_space<hbm>>
      tpu.wait_indirect_dma semaphore(%arg15 : memref<!tpu.dma_semaphore, #tpu.memory_space<semaphore_mem>>) src(%dma_wait3A_145 : memref<10240x64xf32, #tpu.memory_space<hbm>>) dst(%arg10 : memref<128x64xf32, #tpu.memory_space<vmem>>)
      %dma_start3A_146 = arith.constant 0 : i32
      %dma_start3A_147 = tpu.memref_slice %arg7[%add3A_139, %dma_start3A_146] : memref<80x128xi32, #tpu.memory_space<vmem>> -> memref<1x128xi32, #tpu.memory_space<vmem>>
      %dma_start3A_148 = tpu.memref_squeeze %dma_start3A_147 : memref<1x128xi32, #tpu.memory_space<vmem>> -> memref<128xi32, #tpu.memory_space<vmem>>
      %dma_start3A_149 = arith.constant 0 : i32
      %dma_start3A_150 = arith.constant 0 : i32
      %dma_start3A_151 = tpu.memref_slice %arg12[%dma_start3A_149, %dma_start3A_150] : memref<10240x64xf32, #tpu.memory_space<vmem_shared>> -> memref<10240x64xf32, #tpu.memory_space<vmem_shared>>
      tpu.enqueue_indirect_dma source(%arg10 : memref<128x64xf32, #tpu.memory_space<vmem>>) target(%dma_start3A_151 : memref<10240x64xf32, #tpu.memory_space<vmem_shared>>) offsets(%dma_start3A_148 : memref<128xi32, #tpu.memory_space<vmem>>) semaphore(%arg19 : memref<!tpu.dma_semaphore, #tpu.memory_space<semaphore_mem>>) {add = true}
      %add3A_152 = arith.constant 4 : i32
      %add3A_153 = arith.addi %add3A_139, %add3A_152 : i32
      %sub3A_154 = arith.constant 1 : i32
      %sub3A_155 = arith.subi %add3A_153, %sub3A_154 : i32
      %lt3A_156 = arith.constant 80 : i32
      %lt3A_157 = arith.cmpi slt, %sub3A_155, %lt3A_156 : i32
      %convert_element_type3A_158 = arith.extui %lt3A_157 : i1 to i32
      %cond3A_159 = arith.constant 0 : i32
      %cond3A_160 = arith.cmpi ne, %convert_element_type3A_158, %cond3A_159 : i32
      scf.if %cond3A_160 {
        %ge3A = arith.constant 1 : i32
        %ge3A_184 = arith.cmpi sge, %add3A_139, %ge3A : i32
        %convert_element_type3A_185 = arith.extui %ge3A_184 : i1 to i32
        %cond3A_186 = arith.constant 0 : i32
        %cond3A_187 = arith.cmpi ne, %convert_element_type3A_185, %cond3A_186 : i32
        scf.if %cond3A_187 {
          %dma_wait3A_194 = arith.constant 0 : i32
          %dma_wait3A_195 = arith.constant 0 : i32
          %dma_wait3A_196 = tpu.memref_slice %arg7[%dma_wait3A_194, %dma_wait3A_195] : memref<80x128xi32, #tpu.memory_space<vmem>> -> memref<1x128xi32, #tpu.memory_space<vmem>>
          %dma_wait3A_197 = tpu.memref_squeeze %dma_wait3A_196 : memref<1x128xi32, #tpu.memory_space<vmem>> -> memref<128xi32, #tpu.memory_space<vmem>>
          %dma_wait3A_198 = arith.constant 0 : i32
          %dma_wait3A_199 = arith.constant 0 : i32
          %dma_wait3A_200 = tpu.memref_slice %arg12[%dma_wait3A_198, %dma_wait3A_199] : memref<10240x64xf32, #tpu.memory_space<vmem_shared>> -> memref<10240x64xf32, #tpu.memory_space<vmem_shared>>
          tpu.wait_indirect_dma semaphore(%arg18 : memref<!tpu.dma_semaphore, #tpu.memory_space<semaphore_mem>>) src(%arg9 : memref<128x64xf32, #tpu.memory_space<vmem>>) dst(%dma_wait3A_200 : memref<10240x64xf32, #tpu.memory_space<vmem_shared>>)
        } else {
        }
        %dma_start3A_188 = arith.constant 0 : i32
        %dma_start3A_189 = tpu.memref_slice %arg6[%sub3A_155, %dma_start3A_188] : memref<80x128xi32, #tpu.memory_space<vmem>> -> memref<1x128xi32, #tpu.memory_space<vmem>>
        %dma_start3A_190 = tpu.memref_squeeze %dma_start3A_189 : memref<1x128xi32, #tpu.memory_space<vmem>> -> memref<128xi32, #tpu.memory_space<vmem>>
        %dma_start3A_191 = arith.constant 0 : i32
        %dma_start3A_192 = arith.constant 0 : i32
        %dma_start3A_193 = tpu.memref_slice %arg2[%dma_start3A_191, %dma_start3A_192] : memref<10240x64xf32, #tpu.memory_space<hbm>> -> memref<10240x64xf32, #tpu.memory_space<hbm>>
        tpu.enqueue_indirect_dma source(%dma_start3A_193 : memref<10240x64xf32, #tpu.memory_space<hbm>>) target(%arg9 : memref<128x64xf32, #tpu.memory_space<vmem>>) offsets(%dma_start3A_190 : memref<128xi32, #tpu.memory_space<vmem>>) semaphore(%arg14 : memref<!tpu.dma_semaphore, #tpu.memory_space<semaphore_mem>>)
      } else {
      }
      %add3A_161 = arith.constant 3 : i32
      %add3A_162 = arith.addi %add3A_93, %add3A_161 : i32
      %dma_wait3A_163 = arith.constant 0 : i32
      %dma_wait3A_164 = tpu.memref_slice %arg6[%add3A_162, %dma_wait3A_163] : memref<80x128xi32, #tpu.memory_space<vmem>> -> memref<1x128xi32, #tpu.memory_space<vmem>>
      %dma_wait3A_165 = tpu.memref_squeeze %dma_wait3A_164 : memref<1x128xi32, #tpu.memory_space<vmem>> -> memref<128xi32, #tpu.memory_space<vmem>>
      %dma_wait3A_166 = arith.constant 0 : i32
      %dma_wait3A_167 = arith.constant 0 : i32
      %dma_wait3A_168 = tpu.memref_slice %arg2[%dma_wait3A_166, %dma_wait3A_167] : memref<10240x64xf32, #tpu.memory_space<hbm>> -> memref<10240x64xf32, #tpu.memory_space<hbm>>
      tpu.wait_indirect_dma semaphore(%arg16 : memref<!tpu.dma_semaphore, #tpu.memory_space<semaphore_mem>>) src(%dma_wait3A_168 : memref<10240x64xf32, #tpu.memory_space<hbm>>) dst(%arg11 : memref<128x64xf32, #tpu.memory_space<vmem>>)
      %dma_start3A_169 = arith.constant 0 : i32
      %dma_start3A_170 = tpu.memref_slice %arg7[%add3A_162, %dma_start3A_169] : memref<80x128xi32, #tpu.memory_space<vmem>> -> memref<1x128xi32, #tpu.memory_space<vmem>>
      %dma_start3A_171 = tpu.memref_squeeze %dma_start3A_170 : memref<1x128xi32, #tpu.memory_space<vmem>> -> memref<128xi32, #tpu.memory_space<vmem>>
      %dma_start3A_172 = arith.constant 0 : i32
      %dma_start3A_173 = arith.constant 0 : i32
      %dma_start3A_174 = tpu.memref_slice %arg12[%dma_start3A_172, %dma_start3A_173] : memref<10240x64xf32, #tpu.memory_space<vmem_shared>> -> memref<10240x64xf32, #tpu.memory_space<vmem_shared>>
      tpu.enqueue_indirect_dma source(%arg11 : memref<128x64xf32, #tpu.memory_space<vmem>>) target(%dma_start3A_174 : memref<10240x64xf32, #tpu.memory_space<vmem_shared>>) offsets(%dma_start3A_171 : memref<128xi32, #tpu.memory_space<vmem>>) semaphore(%arg20 : memref<!tpu.dma_semaphore, #tpu.memory_space<semaphore_mem>>) {add = true}
      %add3A_175 = arith.constant 4 : i32
      %add3A_176 = arith.addi %add3A_162, %add3A_175 : i32
      %sub3A_177 = arith.constant 1 : i32
      %sub3A_178 = arith.subi %add3A_176, %sub3A_177 : i32
      %lt3A_179 = arith.constant 80 : i32
      %lt3A_180 = arith.cmpi slt, %sub3A_178, %lt3A_179 : i32
      %convert_element_type3A_181 = arith.extui %lt3A_180 : i1 to i32
      %cond3A_182 = arith.constant 0 : i32
      %cond3A_183 = arith.cmpi ne, %convert_element_type3A_181, %cond3A_182 : i32
      scf.if %cond3A_183 {
        %ge3A = arith.constant 1 : i32
        %ge3A_184 = arith.cmpi sge, %add3A_162, %ge3A : i32
        %convert_element_type3A_185 = arith.extui %ge3A_184 : i1 to i32
        %cond3A_186 = arith.constant 0 : i32
        %cond3A_187 = arith.cmpi ne, %convert_element_type3A_185, %cond3A_186 : i32
        scf.if %cond3A_187 {
          %dma_wait3A_194 = arith.constant 0 : i32
          %dma_wait3A_195 = arith.constant 0 : i32
          %dma_wait3A_196 = tpu.memref_slice %arg7[%dma_wait3A_194, %dma_wait3A_195] : memref<80x128xi32, #tpu.memory_space<vmem>> -> memref<1x128xi32, #tpu.memory_space<vmem>>
          %dma_wait3A_197 = tpu.memref_squeeze %dma_wait3A_196 : memref<1x128xi32, #tpu.memory_space<vmem>> -> memref<128xi32, #tpu.memory_space<vmem>>
          %dma_wait3A_198 = arith.constant 0 : i32
          %dma_wait3A_199 = arith.constant 0 : i32
          %dma_wait3A_200 = tpu.memref_slice %arg12[%dma_wait3A_198, %dma_wait3A_199] : memref<10240x64xf32, #tpu.memory_space<vmem_shared>> -> memref<10240x64xf32, #tpu.memory_space<vmem_shared>>
          tpu.wait_indirect_dma semaphore(%arg19 : memref<!tpu.dma_semaphore, #tpu.memory_space<semaphore_mem>>) src(%arg10 : memref<128x64xf32, #tpu.memory_space<vmem>>) dst(%dma_wait3A_200 : memref<10240x64xf32, #tpu.memory_space<vmem_shared>>)
        } else {
        }
        %dma_start3A_188 = arith.constant 0 : i32
        %dma_start3A_189 = tpu.memref_slice %arg6[%sub3A_178, %dma_start3A_188] : memref<80x128xi32, #tpu.memory_space<vmem>> -> memref<1x128xi32, #tpu.memory_space<vmem>>
        %dma_start3A_190 = tpu.memref_squeeze %dma_start3A_189 : memref<1x128xi32, #tpu.memory_space<vmem>> -> memref<128xi32, #tpu.memory_space<vmem>>
        %dma_start3A_191 = arith.constant 0 : i32
        %dma_start3A_192 = arith.constant 0 : i32
        %dma_start3A_193 = tpu.memref_slice %arg2[%dma_start3A_191, %dma_start3A_192] : memref<10240x64xf32, #tpu.memory_space<hbm>> -> memref<10240x64xf32, #tpu.memory_space<hbm>>
        tpu.enqueue_indirect_dma source(%dma_start3A_193 : memref<10240x64xf32, #tpu.memory_space<hbm>>) target(%arg10 : memref<128x64xf32, #tpu.memory_space<vmem>>) offsets(%dma_start3A_190 : memref<128xi32, #tpu.memory_space<vmem>>) semaphore(%arg15 : memref<!tpu.dma_semaphore, #tpu.memory_space<semaphore_mem>>)
      } else {
      }
    }
    %scan3A_53 = arith.constant 20 : i32
    %dma_wait3A = arith.constant 0 : i32
    %dma_wait3A_54 = arith.constant 0 : i32
    %dma_wait3A_55 = tpu.memref_slice %arg7[%dma_wait3A, %dma_wait3A_54] : memref<80x128xi32, #tpu.memory_space<vmem>> -> memref<1x128xi32, #tpu.memory_space<vmem>>
    %dma_wait3A_56 = tpu.memref_squeeze %dma_wait3A_55 : memref<1x128xi32, #tpu.memory_space<vmem>> -> memref<128xi32, #tpu.memory_space<vmem>>
    %dma_wait3A_57 = arith.constant 0 : i32
    %dma_wait3A_58 = arith.constant 0 : i32
    %dma_wait3A_59 = tpu.memref_slice %arg12[%dma_wait3A_57, %dma_wait3A_58] : memref<10240x64xf32, #tpu.memory_space<vmem_shared>> -> memref<10240x64xf32, #tpu.memory_space<vmem_shared>>
    tpu.wait_indirect_dma semaphore(%arg17 : memref<!tpu.dma_semaphore, #tpu.memory_space<semaphore_mem>>) src(%arg8 : memref<128x64xf32, #tpu.memory_space<vmem>>) dst(%dma_wait3A_59 : memref<10240x64xf32, #tpu.memory_space<vmem_shared>>)
    %dma_wait3A_60 = arith.constant 0 : i32
    %dma_wait3A_61 = arith.constant 0 : i32
    %dma_wait3A_62 = tpu.memref_slice %arg7[%dma_wait3A_60, %dma_wait3A_61] : memref<80x128xi32, #tpu.memory_space<vmem>> -> memref<1x128xi32, #tpu.memory_space<vmem>>
    %dma_wait3A_63 = tpu.memref_squeeze %dma_wait3A_62 : memref<1x128xi32, #tpu.memory_space<vmem>> -> memref<128xi32, #tpu.memory_space<vmem>>
    %dma_wait3A_64 = arith.constant 0 : i32
    %dma_wait3A_65 = arith.constant 0 : i32
    %dma_wait3A_66 = tpu.memref_slice %arg12[%dma_wait3A_64, %dma_wait3A_65] : memref<10240x64xf32, #tpu.memory_space<vmem_shared>> -> memref<10240x64xf32, #tpu.memory_space<vmem_shared>>
    tpu.wait_indirect_dma semaphore(%arg18 : memref<!tpu.dma_semaphore, #tpu.memory_space<semaphore_mem>>) src(%arg9 : memref<128x64xf32, #tpu.memory_space<vmem>>) dst(%dma_wait3A_66 : memref<10240x64xf32, #tpu.memory_space<vmem_shared>>)
    %dma_wait3A_67 = arith.constant 0 : i32
    %dma_wait3A_68 = arith.constant 0 : i32
    %dma_wait3A_69 = tpu.memref_slice %arg7[%dma_wait3A_67, %dma_wait3A_68] : memref<80x128xi32, #tpu.memory_space<vmem>> -> memref<1x128xi32, #tpu.memory_space<vmem>>
    %dma_wait3A_70 = tpu.memref_squeeze %dma_wait3A_69 : memref<1x128xi32, #tpu.memory_space<vmem>> -> memref<128xi32, #tpu.memory_space<vmem>>
    %dma_wait3A_71 = arith.constant 0 : i32
    %dma_wait3A_72 = arith.constant 0 : i32
    %dma_wait3A_73 = tpu.memref_slice %arg12[%dma_wait3A_71, %dma_wait3A_72] : memref<10240x64xf32, #tpu.memory_space<vmem_shared>> -> memref<10240x64xf32, #tpu.memory_space<vmem_shared>>
    tpu.wait_indirect_dma semaphore(%arg19 : memref<!tpu.dma_semaphore, #tpu.memory_space<semaphore_mem>>) src(%arg10 : memref<128x64xf32, #tpu.memory_space<vmem>>) dst(%dma_wait3A_73 : memref<10240x64xf32, #tpu.memory_space<vmem_shared>>)
    %dma_wait3A_74 = arith.constant 0 : i32
    %dma_wait3A_75 = arith.constant 0 : i32
    %dma_wait3A_76 = tpu.memref_slice %arg7[%dma_wait3A_74, %dma_wait3A_75] : memref<80x128xi32, #tpu.memory_space<vmem>> -> memref<1x128xi32, #tpu.memory_space<vmem>>
    %dma_wait3A_77 = tpu.memref_squeeze %dma_wait3A_76 : memref<1x128xi32, #tpu.memory_space<vmem>> -> memref<128xi32, #tpu.memory_space<vmem>>
    %dma_wait3A_78 = arith.constant 0 : i32
    %dma_wait3A_79 = arith.constant 0 : i32
    %dma_wait3A_80 = tpu.memref_slice %arg12[%dma_wait3A_78, %dma_wait3A_79] : memref<10240x64xf32, #tpu.memory_space<vmem_shared>> -> memref<10240x64xf32, #tpu.memory_space<vmem_shared>>
    tpu.wait_indirect_dma semaphore(%arg20 : memref<!tpu.dma_semaphore, #tpu.memory_space<semaphore_mem>>) src(%arg11 : memref<128x64xf32, #tpu.memory_space<vmem>>) dst(%dma_wait3A_80 : memref<10240x64xf32, #tpu.memory_space<vmem_shared>>)
    %barrier3A_81 = arith.constant 0 : index
    tpu.barrier barrier_id(%barrier3A_81)
    %eq3A = arith.constant 0 : i32
    %eq3A_82 = arith.cmpi eq, %arg0, %eq3A : i32
    %convert_element_type3A = arith.extui %eq3A_82 : i1 to i32
    %cond3A = arith.constant 0 : i32
    %cond3A_83 = arith.cmpi ne, %convert_element_type3A, %cond3A : i32
    scf.if %cond3A_83 {
      %mul3A_89 = arith.constant 640 : i32
      %mul3A_90 = arith.muli %arg1, %mul3A_89 : i32
      %mul3A_91 = arith.constant 640 : i32
      %mul3A_92 = arith.muli %arg1, %mul3A_91 : i32
      "tpu.region"() ({
        %run_scoped3A_93 = tpu.sem_alloc : memref<!tpu.dma_semaphore, #tpu.memory_space<semaphore_mem>>
        %dma_start3A_94 = arith.constant 0 : i32
        %dma_start3A_95 = tpu.memref_slice %arg4[%mul3A_92, %dma_start3A_94] : memref<10240x64xf32, #tpu.memory_space<hbm>> -> memref<640x64xf32, #tpu.memory_space<hbm>>
        %dma_start3A_96 = arith.constant 0 : i32
        %dma_start3A_97 = tpu.memref_slice %arg12[%mul3A_90, %dma_start3A_96] : memref<10240x64xf32, #tpu.memory_space<vmem_shared>> -> memref<640x64xf32, #tpu.memory_space<vmem_shared>>
        tpu.enqueue_dma source(%dma_start3A_97 : memref<640x64xf32, #tpu.memory_space<vmem_shared>>) target(%dma_start3A_95 : memref<640x64xf32, #tpu.memory_space<hbm>>) target_semaphore(%run_scoped3A_93 : memref<!tpu.dma_semaphore, #tpu.memory_space<semaphore_mem>>)
        %dma_wait3A_98 = arith.constant 0 : i32
        %dma_wait3A_99 = tpu.memref_slice %arg4[%mul3A_92, %dma_wait3A_98] : memref<10240x64xf32, #tpu.memory_space<hbm>> -> memref<640x64xf32, #tpu.memory_space<hbm>>
        %dma_wait3A_100 = arith.constant 0 : i32
        %dma_wait3A_101 = tpu.memref_slice %arg12[%mul3A_90, %dma_wait3A_100] : memref<10240x64xf32, #tpu.memory_space<vmem_shared>> -> memref<640x64xf32, #tpu.memory_space<vmem_shared>>
        tpu.wait_dma2 semaphore(%run_scoped3A_93 : memref<!tpu.dma_semaphore, #tpu.memory_space<semaphore_mem>>) src(%dma_wait3A_101 : memref<640x64xf32, #tpu.memory_space<vmem_shared>>) dst(%dma_wait3A_99 : memref<640x64xf32, #tpu.memory_space<hbm>>)
        tpu.yield
      }) : () -> ()
    } else {
    }
    %eq3A_84 = arith.constant 1 : i32
    %eq3A_85 = arith.cmpi eq, %arg0, %eq3A_84 : i32
    %convert_element_type3A_86 = arith.extui %eq3A_85 : i1 to i32
    %cond3A_87 = arith.constant 0 : i32
    %cond3A_88 = arith.cmpi ne, %convert_element_type3A_86, %cond3A_87 : i32
    scf.if %cond3A_88 {
      %mul3A_89 = arith.constant 640 : i32
      %mul3A_90 = arith.muli %arg1, %mul3A_89 : i32
      %mul3A_91 = arith.constant 640 : i32
      %mul3A_92 = arith.muli %arg1, %mul3A_91 : i32
      "tpu.region"() ({
        %run_scoped3A_93 = tpu.sem_alloc : memref<!tpu.dma_semaphore, #tpu.memory_space<semaphore_mem>>
        %dma_start3A_94 = arith.constant 0 : i32
        %dma_start3A_95 = tpu.memref_slice %arg5[%mul3A_92, %dma_start3A_94] : memref<10240x64xf32, #tpu.memory_space<hbm>> -> memref<640x64xf32, #tpu.memory_space<hbm>>
        %dma_start3A_96 = arith.constant 0 : i32
        %dma_start3A_97 = tpu.memref_slice %arg12[%mul3A_90, %dma_start3A_96] : memref<10240x64xf32, #tpu.memory_space<vmem_shared>> -> memref<640x64xf32, #tpu.memory_space<vmem_shared>>
        tpu.enqueue_dma source(%dma_start3A_97 : memref<640x64xf32, #tpu.memory_space<vmem_shared>>) target(%dma_start3A_95 : memref<640x64xf32, #tpu.memory_space<hbm>>) target_semaphore(%run_scoped3A_93 : memref<!tpu.dma_semaphore, #tpu.memory_space<semaphore_mem>>)
        %dma_wait3A_98 = arith.constant 0 : i32
        %dma_wait3A_99 = tpu.memref_slice %arg5[%mul3A_92, %dma_wait3A_98] : memref<10240x64xf32, #tpu.memory_space<hbm>> -> memref<640x64xf32, #tpu.memory_space<hbm>>
        %dma_wait3A_100 = arith.constant 0 : i32
        %dma_wait3A_101 = tpu.memref_slice %arg12[%mul3A_90, %dma_wait3A_100] : memref<10240x64xf32, #tpu.memory_space<vmem_shared>> -> memref<640x64xf32, #tpu.memory_space<vmem_shared>>
        tpu.wait_dma2 semaphore(%run_scoped3A_93 : memref<!tpu.dma_semaphore, #tpu.memory_space<semaphore_mem>>) src(%dma_wait3A_101 : memref<640x64xf32, #tpu.memory_space<vmem_shared>>) dst(%dma_wait3A_99 : memref<640x64xf32, #tpu.memory_space<hbm>>)
        tpu.yield
      }) : () -> ()
    } else {
    }
    return
  }
}

module attributes {stable_mosaic.version = 14 : i64} {
  func.func @_stage_a_body(%arg0: memref<5000x256xf32, #tpu.memory_space<vmem>>, %arg1: memref<128x64xf32, #tpu.memory_space<vmem>>, %arg2: memref<5120x128xf32, #tpu.memory_space<vmem>>, %arg3: memref<5120x128xf32, #tpu.memory_space<vmem>>, %arg4: memref<5120x128xf32, #tpu.memory_space<vmem>>, %arg5: memref<5120x128xf32, #tpu.memory_space<vmem>>) attributes {dimension_semantics = [], scalar_prefetch = 0 : i64, scratch_operands = 0 : i64, tpu.core_type = #tpu.core_type<tc>} {
    %get3A = arith.constant 0 : index
    %get3A_0 = arith.constant 0 : index
    %get3A_1 = vector.load %arg2[%get3A, %get3A_0] : memref<5120x128xf32, #tpu.memory_space<vmem>>, vector<5120x128xf32>
    %get3A_2 = arith.constant 0 : index
    %get3A_3 = arith.constant 0 : index
    %get3A_4 = vector.load %arg3[%get3A_2, %get3A_3] : memref<5120x128xf32, #tpu.memory_space<vmem>>, vector<5120x128xf32>
    %add3A = arith.addf %get3A_1, %get3A_4 : vector<5120x128xf32>
    %add3A_5 = arith.constant 1.000000e+00 : f32
    %add3A_6 = vector.broadcast %add3A_5 : f32 to vector<5120x128xf32>
    %add3A_7 = arith.addf %add3A, %add3A_6 : vector<5120x128xf32>
    %rsqrt3A = math.rsqrt %add3A_7 : vector<5120x128xf32>
    %swap3A = arith.constant 0 : index
    %swap3A_8 = arith.constant 0 : index
    %swap3A_9 = vector.load %arg5[%swap3A, %swap3A_8] : memref<5120x128xf32, #tpu.memory_space<vmem>>, vector<5120x128xf32>
    tpu.vector_store %arg5[%swap3A, %swap3A_8], %rsqrt3A {strides = array<i32>} : memref<5120x128xf32, #tpu.memory_space<vmem>>, vector<5120x128xf32>,
    %get3A_10 = arith.constant 0 : index
    %get3A_11 = arith.constant 0 : index
    %get3A_12 = vector.load %arg0[%get3A_10, %get3A_11] : memref<5000x256xf32, #tpu.memory_space<vmem>>, vector<5000x256xf32>
    %get3A_13 = arith.constant 0 : index
    %get3A_14 = arith.constant 0 : index
    %get3A_15 = vector.load %arg1[%get3A_13, %get3A_14] : memref<128x64xf32, #tpu.memory_space<vmem>>, vector<128x64xf32>
    %slice3A = vector.extract_strided_slice %get3A_12 {offsets = [0, 0], sizes = [5000, 128], strides = [1, 1]} : vector<5000x256xf32> to vector<5000x128xf32>
    %dot_general3A = arith.constant dense<0.000000e+00> : vector<5000x64xf32>
    %dot_general3A_16 = tpu.matmul %slice3A, %get3A_15, %dot_general3A {dimension_numbers = #tpu.dot_dimension_numbers<[1], [0], [0], [1], [0, 0, 1, 1], [], []>, transpose_lhs_hint = false} : vector<5000x128xf32>, vector<128x64xf32>, vector<5000x64xf32> -> vector<5000x64xf32>
    %slice3A_17 = vector.extract_strided_slice %get3A_12 {offsets = [0, 128], sizes = [5000, 128], strides = [1, 1]} : vector<5000x256xf32> to vector<5000x128xf32>
    %dot_general3A_18 = arith.constant dense<0.000000e+00> : vector<5000x64xf32>
    %dot_general3A_19 = tpu.matmul %slice3A_17, %get3A_15, %dot_general3A_18 {dimension_numbers = #tpu.dot_dimension_numbers<[1], [0], [0], [1], [0, 0, 1, 1], [], []>, transpose_lhs_hint = false} : vector<5000x128xf32>, vector<128x64xf32>, vector<5000x64xf32> -> vector<5000x64xf32>
    %concatenate3A = tpu.concatenate %dot_general3A_16, %dot_general3A_19 in 1 : vector<5000x64xf32>, vector<5000x64xf32> -> vector<5000x128xf32>
    %slice3A_20 = vector.extract_strided_slice %rsqrt3A {offsets = [0, 0], sizes = [5000, 128], strides = [1, 1]} : vector<5120x128xf32> to vector<5000x128xf32>
    %mul3A = arith.mulf %slice3A_20, %concatenate3A : vector<5000x128xf32>
    %swap3A_21 = arith.constant 0 : index
    %swap3A_22 = arith.constant 0 : index
    %swap3A_23 = vector.load %arg4[%swap3A_21, %swap3A_22] : memref<5120x128xf32, #tpu.memory_space<vmem>>, vector<5000x128xf32>
    tpu.vector_store %arg4[%swap3A_21, %swap3A_22], %mul3A {strides = array<i32>} : memref<5120x128xf32, #tpu.memory_space<vmem>>, vector<5000x128xf32>,
    %broadcast_in_dim3A = arith.constant 0.000000e+00 : f32
    %broadcast_in_dim3A_24 = vector.broadcast %broadcast_in_dim3A : f32 to vector<120x128xf32>
    %swap3A_25 = arith.constant 5000 : index
    %swap3A_26 = arith.constant 0 : index
    %swap3A_27 = vector.load %arg4[%swap3A_25, %swap3A_26] : memref<5120x128xf32, #tpu.memory_space<vmem>>, vector<120x128xf32>
    tpu.vector_store %arg4[%swap3A_25, %swap3A_26], %broadcast_in_dim3A_24 {strides = array<i32>} : memref<5120x128xf32, #tpu.memory_space<vmem>>, vector<120x128xf32>,
    return
  }
}

module attributes {stable_mosaic.version = 14 : i64} {
  func.func @_stage_b_body(%arg0: memref<5120x128xf32, #tpu.memory_space<vmem>>, %arg1: memref<5120x128xf32, #tpu.memory_space<vmem>>, %arg2: memref<5120x128xf32, #tpu.memory_space<vmem>>, %arg3: memref<5120x128xf32, #tpu.memory_space<vmem>>, %arg4: memref<1x128xf32, #tpu.memory_space<vmem>>, %arg5: memref<64x64xf32, #tpu.memory_space<vmem>>, %arg6: memref<5120x128xf32, #tpu.memory_space<vmem>>) attributes {dimension_semantics = [], scalar_prefetch = 0 : i64, scratch_operands = 0 : i64, tpu.core_type = #tpu.core_type<tc>} {
    %get3A = arith.constant 0 : index
    %get3A_0 = arith.constant 0 : index
    %get3A_1 = vector.load %arg3[%get3A, %get3A_0] : memref<5120x128xf32, #tpu.memory_space<vmem>>, vector<5120x128xf32>
    %get3A_2 = arith.constant 0 : index
    %get3A_3 = arith.constant 0 : index
    %get3A_4 = vector.load %arg0[%get3A_2, %get3A_3] : memref<5120x128xf32, #tpu.memory_space<vmem>>, vector<5120x128xf32>
    %get3A_5 = arith.constant 0 : index
    %get3A_6 = arith.constant 0 : index
    %get3A_7 = vector.load %arg1[%get3A_5, %get3A_6] : memref<5120x128xf32, #tpu.memory_space<vmem>>, vector<5120x128xf32>
    %add3A = arith.addf %get3A_4, %get3A_7 : vector<5120x128xf32>
    %get3A_8 = arith.constant 0 : index
    %get3A_9 = arith.constant 0 : index
    %get3A_10 = vector.load %arg2[%get3A_8, %get3A_9] : memref<5120x128xf32, #tpu.memory_space<vmem>>, vector<5120x128xf32>
    %add3A_11 = arith.addf %add3A, %get3A_10 : vector<5120x128xf32>
    %mul3A = arith.mulf %get3A_1, %add3A_11 : vector<5120x128xf32>
    %get3A_12 = arith.constant 0 : index
    %get3A_13 = arith.constant 0 : index
    %get3A_14 = vector.load %arg4[%get3A_12, %get3A_13] : memref<1x128xf32, #tpu.memory_space<vmem>>, vector<1x128xf32>
    %add3A_15 = vector.broadcast %get3A_14 : vector<1x128xf32> to vector<5120x128xf32>
    %add3A_16 = arith.addf %mul3A, %add3A_15 : vector<5120x128xf32>
    %max3A = arith.constant 0.000000e+00 : f32
    %max3A_17 = vector.broadcast %max3A : f32 to vector<5120x128xf32>
    %max3A_18 = arith.maximumf %add3A_16, %max3A_17 : vector<5120x128xf32>
    %get3A_19 = arith.constant 0 : index
    %get3A_20 = arith.constant 0 : index
    %get3A_21 = vector.load %arg5[%get3A_19, %get3A_20] : memref<64x64xf32, #tpu.memory_space<vmem>>, vector<64x64xf32>
    %slice3A = vector.extract_strided_slice %max3A_18 {offsets = [0, 0], sizes = [5120, 64], strides = [1, 1]} : vector<5120x128xf32> to vector<5120x64xf32>
    %dot_general3A = arith.constant dense<0.000000e+00> : vector<5120x64xf32>
    %dot_general3A_22 = tpu.matmul %slice3A, %get3A_21, %dot_general3A {dimension_numbers = #tpu.dot_dimension_numbers<[1], [0], [0], [1], [0, 0, 1, 1], [], []>, transpose_lhs_hint = false} : vector<5120x64xf32>, vector<64x64xf32>, vector<5120x64xf32> -> vector<5120x64xf32>
    %slice3A_23 = vector.extract_strided_slice %max3A_18 {offsets = [0, 64], sizes = [5120, 64], strides = [1, 1]} : vector<5120x128xf32> to vector<5120x64xf32>
    %dot_general3A_24 = arith.constant dense<0.000000e+00> : vector<5120x64xf32>
    %dot_general3A_25 = tpu.matmul %slice3A_23, %get3A_21, %dot_general3A_24 {dimension_numbers = #tpu.dot_dimension_numbers<[1], [0], [0], [1], [0, 0, 1, 1], [], []>, transpose_lhs_hint = false} : vector<5120x64xf32>, vector<64x64xf32>, vector<5120x64xf32> -> vector<5120x64xf32>
    %concatenate3A = tpu.concatenate %dot_general3A_22, %dot_general3A_25 in 1 : vector<5120x64xf32>, vector<5120x64xf32> -> vector<5120x128xf32>
    %mul3A_26 = arith.mulf %get3A_1, %concatenate3A : vector<5120x128xf32>
    %swap3A = arith.constant 0 : index
    %swap3A_27 = arith.constant 0 : index
    %swap3A_28 = vector.load %arg6[%swap3A, %swap3A_27] : memref<5120x128xf32, #tpu.memory_space<vmem>>, vector<5120x128xf32>
    tpu.vector_store %arg6[%swap3A, %swap3A_27], %mul3A_26 {strides = array<i32>} : memref<5120x128xf32, #tpu.memory_space<vmem>>, vector<5120x128xf32>,
    return
  }
}

module attributes {stable_mosaic.version = 14 : i64} {
  func.func @_stage_c_body(%arg0: memref<5120x128xf32, #tpu.memory_space<vmem>>, %arg1: memref<5120x128xf32, #tpu.memory_space<vmem>>, %arg2: memref<5120x128xf32, #tpu.memory_space<vmem>>, %arg3: memref<5120x128xf32, #tpu.memory_space<vmem>>, %arg4: memref<1x128xf32, #tpu.memory_space<vmem>>, %arg5: memref<5000x128xf32, #tpu.memory_space<vmem>>) attributes {dimension_semantics = [], scalar_prefetch = 0 : i64, scratch_operands = 0 : i64, tpu.core_type = #tpu.core_type<tc>} {
    %get3A = arith.constant 0 : index
    %get3A_0 = arith.constant 0 : index
    %get3A_1 = vector.load %arg3[%get3A, %get3A_0] : memref<5120x128xf32, #tpu.memory_space<vmem>>, vector<5000x128xf32>
    %get3A_2 = arith.constant 0 : index
    %get3A_3 = arith.constant 0 : index
    %get3A_4 = vector.load %arg0[%get3A_2, %get3A_3] : memref<5120x128xf32, #tpu.memory_space<vmem>>, vector<5000x128xf32>
    %get3A_5 = arith.constant 0 : index
    %get3A_6 = arith.constant 0 : index
    %get3A_7 = vector.load %arg1[%get3A_5, %get3A_6] : memref<5120x128xf32, #tpu.memory_space<vmem>>, vector<5000x128xf32>
    %add3A = arith.addf %get3A_4, %get3A_7 : vector<5000x128xf32>
    %get3A_8 = arith.constant 0 : index
    %get3A_9 = arith.constant 0 : index
    %get3A_10 = vector.load %arg2[%get3A_8, %get3A_9] : memref<5120x128xf32, #tpu.memory_space<vmem>>, vector<5000x128xf32>
    %add3A_11 = arith.addf %add3A, %get3A_10 : vector<5000x128xf32>
    %mul3A = arith.mulf %get3A_1, %add3A_11 : vector<5000x128xf32>
    %get3A_12 = arith.constant 0 : index
    %get3A_13 = arith.constant 0 : index
    %get3A_14 = vector.load %arg4[%get3A_12, %get3A_13] : memref<1x128xf32, #tpu.memory_space<vmem>>, vector<1x128xf32>
    %add3A_15 = vector.broadcast %get3A_14 : vector<1x128xf32> to vector<5000x128xf32>
    %add3A_16 = arith.addf %mul3A, %add3A_15 : vector<5000x128xf32>
    %slice3A = vector.extract_strided_slice %add3A_16 {offsets = [0, 0], sizes = [5000, 64], strides = [1, 1]} : vector<5000x128xf32> to vector<5000x64xf32>
    %reduce_max3A = arith.constant dense<0xFF800000> : vector<5000xf32>
    %reduce_max3A_17 = vector.multi_reduction <maximumf>, %slice3A, %reduce_max3A [1] : vector<5000x64xf32> to vector<5000xf32>
    %broadcast_in_dim3A = vector.shape_cast %reduce_max3A_17 : vector<5000xf32> to vector<5000x1xf32>
    %sub3A = vector.broadcast %broadcast_in_dim3A : vector<5000x1xf32> to vector<5000x64xf32>
    %sub3A_18 = arith.subf %slice3A, %sub3A : vector<5000x64xf32>
    %exp3A = math.exp %sub3A_18 : vector<5000x64xf32>
    %sub3A_19 = vector.broadcast %broadcast_in_dim3A : vector<5000x1xf32> to vector<5000x64xf32>
    %sub3A_20 = arith.subf %slice3A, %sub3A_19 : vector<5000x64xf32>
    %reduce_sum3A = arith.constant dense<0.000000e+00> : vector<5000xf32>
    %reduce_sum3A_21 = vector.multi_reduction <add>, %exp3A, %reduce_sum3A [1] : vector<5000x64xf32> to vector<5000xf32>
    %broadcast_in_dim3A_22 = vector.shape_cast %reduce_sum3A_21 : vector<5000xf32> to vector<5000x1xf32>
    %log3A = math.log %broadcast_in_dim3A_22 : vector<5000x1xf32>
    %sub3A_23 = vector.broadcast %log3A : vector<5000x1xf32> to vector<5000x64xf32>
    %sub3A_24 = arith.subf %sub3A_20, %sub3A_23 : vector<5000x64xf32>
    %swap3A = arith.constant 0 : index
    %swap3A_25 = arith.constant 0 : index
    %swap3A_26 = vector.load %arg5[%swap3A, %swap3A_25] : memref<5000x128xf32, #tpu.memory_space<vmem>>, vector<5000x64xf32>
    tpu.vector_store %arg5[%swap3A, %swap3A_25], %sub3A_24 {strides = array<i32>} : memref<5000x128xf32, #tpu.memory_space<vmem>>, vector<5000x64xf32>,
    %slice3A_27 = vector.extract_strided_slice %add3A_16 {offsets = [0, 64], sizes = [5000, 64], strides = [1, 1]} : vector<5000x128xf32> to vector<5000x64xf32>
    %reduce_max3A_28 = arith.constant dense<0xFF800000> : vector<5000xf32>
    %reduce_max3A_29 = vector.multi_reduction <maximumf>, %slice3A_27, %reduce_max3A_28 [1] : vector<5000x64xf32> to vector<5000xf32>
    %broadcast_in_dim3A_30 = vector.shape_cast %reduce_max3A_29 : vector<5000xf32> to vector<5000x1xf32>
    %sub3A_31 = vector.broadcast %broadcast_in_dim3A_30 : vector<5000x1xf32> to vector<5000x64xf32>
    %sub3A_32 = arith.subf %slice3A_27, %sub3A_31 : vector<5000x64xf32>
    %exp3A_33 = math.exp %sub3A_32 : vector<5000x64xf32>
    %sub3A_34 = vector.broadcast %broadcast_in_dim3A_30 : vector<5000x1xf32> to vector<5000x64xf32>
    %sub3A_35 = arith.subf %slice3A_27, %sub3A_34 : vector<5000x64xf32>
    %reduce_sum3A_36 = arith.constant dense<0.000000e+00> : vector<5000xf32>
    %reduce_sum3A_37 = vector.multi_reduction <add>, %exp3A_33, %reduce_sum3A_36 [1] : vector<5000x64xf32> to vector<5000xf32>
    %broadcast_in_dim3A_38 = vector.shape_cast %reduce_sum3A_37 : vector<5000xf32> to vector<5000x1xf32>
    %log3A_39 = math.log %broadcast_in_dim3A_38 : vector<5000x1xf32>
    %sub3A_40 = vector.broadcast %log3A_39 : vector<5000x1xf32> to vector<5000x64xf32>
    %sub3A_41 = arith.subf %sub3A_35, %sub3A_40 : vector<5000x64xf32>
    %swap3A_42 = arith.constant 0 : index
    %swap3A_43 = arith.constant 64 : index
    %swap3A_44 = vector.load %arg5[%swap3A_42, %swap3A_43] : memref<5000x128xf32, #tpu.memory_space<vmem>>, vector<5000x64xf32>
    tpu.vector_store %arg5[%swap3A_42, %swap3A_43], %sub3A_41 {strides = array<i32>} : memref<5000x128xf32, #tpu.memory_space<vmem>>, vector<5000x64xf32>,
    return
  }
}

</mosaic_0001>

<sc_bundles>
// kernel: kernel.11.cloned.1.call-start
scs
__scs_entry_jumppad:
0x0: {  	(pc) =	sbr.rel $0x88, $3  }
0x1: {  	(tag) =	ssettag $0x0;
	lr =	simm.s32 $0x1  }
0x2: {  	[smem:$0x3F9B] =	sst lr;
	_ =	strace $0xD0000000  }
0x3: {  	_ = 	snop  }
0x4: {  	_ = 	snop  }
0x5: {  	_ = 	snop  }
0x6: {  	_ = 	snop  }
0x7: {  	_ = 	snop  }
__scs_overlays_trampoline_lowered:
0x8: {  	[smem:$0x3FAA] =	sst s0  }
0x9: {  	[smem:$0x3FAB] =	sst s1  }
0xa: {  	[smem:$0x3FAC] =	sst s2  }
0xb: {  	[smem:$0x3FAD] =	sst s3  }
0xc: {  	[smem:$0x3FAE] =	sst s4  }
0xd: {  	[smem:$0x3FAF] =	sst s5  }
0xe: {  	[smem:$0x3FB0] =	sst s6  }
0xf: {  	[smem:$0x3FB1] =	sst s7  }
0x10: {  	[smem:$0x3FB2] =	sst s8  }
0x11: {  	[smem:$0x3FB3] =	sst s9;
	s0 =	simm.s32 @!p0 $0x0  }
0x12: {  	s1 =	sld [smem:$0x3F99];
	s0 =	simm.s32 @p0 $0x1  }
0x13: {  	[smem:$0x3FB4] =	sst s0;
	s0 =	simm.s32 @!p1 $0x0  }
0x14: {  	s2 =	sld [smem:$0x3F98];
	s0 =	simm.s32 @p1 $0x1  }
0x15: {  	[smem:$0x3FB5] =	sst s0;
	s0 =	simm.s32 @!p2 $0x0  }
0x16: {  	s3 =	sld [smem:$0x3FDB];
	s0 =	simm.s32 @p2 $0x1  }
0x17: {  	s4 =	simm.s32 $0x1BF5;
	[smem:$0x3FB7] =	sst s0  }
0x18: {  	s0 =	sld [smem:$0x3F9A];
	_ =	swait.ge [sflag:s4], $0x0  }
0x19: {  	s7 =	sld [smem:$0x3F9B]  }
0x1a: {  	s8 =	sadd.s32 $0xFFFFE003, lr  }
0x1b: {  	s9 =	sadd.s32 $0xFFFFFEF7, lr;
	s5 =	simm.s32 $0xFFFFFFFF;
	p2 =	slt.u32 s8, $0xFFFFF086  }
0x1c: {  	p1 =	slt.u32 s9, $0xF7A;
	s5 =	simm.s32 @!p2 $0x0  }
0x1d: {  	s5 =	simm.s32 @p1 $0x1;
	p0 =	seq.s32 s7, s2  }
0x1e: {  	s7 =	smul.u32 @!p0 $0xF7A, s2;
	p2 =	seq.s32 @!p0 s5, $0x0  }
0x1f: {  	s9 =	smul.u32 $0xF7A, s1;
	s8 =	simm.s32 @!p0 $0x1BF5;
	p2 =	por !p2, p0  }
0x20: {  	[sflag:s8] =	ssyncset.s32 @!p0 $0xFFFFF086;
	s6 =	sadd.s32 @!p0 s3, s7;
	s7 =	simm.s32 @!p0 $0x108  }
0x21: {  	s3 =	sadd.s32 s3, s9;
	s6 =	sadd.s32 @!p0 $0x88, s6;
	s7 =	simm.s32 @p2 $0x1082  }
0x22: {  	[simem:s7], [sflag:s8] =	dma.local @!p0 [hbm:s6], $0xF7A  }
0x23: {  	s9 =	sor.u32 $0xD0000000, s2;
	s6 =	simm.s32 $0x108;
	_ =	swait.ge @!p0 [sflag:s8], $0x0  }
0x24: {  	s3 =	sadd.s32 $0x88, s3;
	s6 =	simm.s32 @!p1 $0x1082;
	[sflag:s4] =	ssyncset.s32 $0xFFFFF086  }
0x25: {  	[simem:s6], [sflag:s4] =	dma.local [hbm:s3], $0xF7A  }
0x26: {  	[smem:$0x3F9B] =	sst s1;
	(tag) =	ssettag s2;
	_ =	strace s9  }
0x27: {  	s1 =	sld [smem:$0x3FAB]  }
0x28: {  	s2 =	sld [smem:$0x3FAC]  }
0x29: {  	s4 =	sld [smem:$0x3FAE]  }
0x2a: {  	p0 =	seq.s32 s5, $0x0;
	s5 =	sld [smem:$0x3FAF]  }
0x2b: {  	s6 =	sld [smem:$0x3FB0]  }
0x2c: {  	s7 =	sld [smem:$0x3FB1]  }
0x2d: {  	s3 =	simm.s32 $0x108;
	s8 =	sld [smem:$0x3FB2]  }
0x2e: {  	s3 =	simm.s32 @!p0 $0x1082;
	s9 =	sld [smem:$0x3FB3]  }
0x2f: {  	lr =	sadd.s32 s0, s3;
	s0 =	sld [smem:$0x3FAA]  }
0x30: {  	s3 =	sld [smem:$0x3FAD]  }
0x31: {  	[smem:$0x3FB6] =	sst s10  }
0x32: {  	s10 =	sld [smem:$0x3FB4];
	_ =	sdelay $0x3  }
0x33: {  	p0 =	seq.s32 s10, $0x1;
	s10 =	sld [smem:$0x3FB6];
	_ =	sdelay $0x3  }
0x34: {  	[smem:$0x3FB6] =	sst s10  }
0x35: {  	s10 =	sld [smem:$0x3FB5];
	_ =	sdelay $0x3  }
0x36: {  	p1 =	seq.s32 s10, $0x1;
	s10 =	sld [smem:$0x3FB6];
	_ =	sdelay $0x3  }
0x37: {  	[smem:$0x3FB6] =	sst s10  }
0x38: {  	s10 =	sld [smem:$0x3FB7]  }
0x39: {  	_ = 	snop;
	(pc) =	sbr.ind lr, $3  }
0x3a: {  	_ = 	snop  }
0x3b: {  	_ = 	snop  }
0x3c: {  	p2 =	seq.s32 s10, $0x1;
	s10 =	sld [smem:$0x3FB6]  }
0x3d: {  	_ =	shalt  }
0x3e: {  	_ =	shalt  }
0x3f: {  	_ =	shalt  }
0x40: {  	_ =	shalt  }
0x41: {  	_ =	shalt  }
0x42: {  	_ =	shalt  }
0x43: {  	_ =	shalt  }
0x44: {  	_ =	shalt  }
0x45: {  	_ =	shalt  }
0x46: {  	_ =	shalt  }
0x47: {  	_ =	shalt  }
0x48: {  	_ =	shalt  }
0x49: {  	_ =	shalt  }
0x4a: {  	_ =	shalt  }
0x4b: {  	_ =	shalt  }
0x4c: {  	_ =	shalt  }
0x4d: {  	_ =	shalt  }
0x4e: {  	_ =	shalt  }
0x4f: {  	_ =	shalt  }
0x50: {  	_ =	shalt  }
0x51: {  	_ =	shalt  }
0x52: {  	_ =	shalt  }
0x53: {  	_ =	shalt  }
0x54: {  	_ =	shalt  }
0x55: {  	_ =	shalt  }
0x56: {  	_ =	shalt  }
0x57: {  	_ =	shalt  }
0x58: {  	_ =	shalt  }
0x59: {  	_ =	shalt  }
0x5a: {  	_ =	shalt  }
0x5b: {  	_ =	shalt  }
0x5c: {  	_ =	shalt  }
0x5d: {  	_ =	shalt  }
0x5e: {  	_ =	shalt  }
0x5f: {  	_ =	shalt  }
0x60: {  	_ =	shalt  }
0x61: {  	_ =	shalt  }
0x62: {  	_ =	shalt  }
0x63: {  	_ =	shalt  }
0x64: {  	_ =	shalt  }
0x65: {  	_ =	shalt  }
0x66: {  	_ =	shalt  }
0x67: {  	_ =	shalt  }
0x68: {  	_ =	shalt  }
0x69: {  	_ =	shalt  }
0x6a: {  	_ =	shalt  }
0x6b: {  	_ =	shalt  }
0x6c: {  	_ =	shalt  }
0x6d: {  	_ =	shalt  }
0x6e: {  	_ =	shalt  }
0x6f: {  	_ =	shalt  }
0x70: {  	_ =	shalt  }
0x71: {  	_ =	shalt  }
0x72: {  	_ =	shalt  }
0x73: {  	_ =	shalt  }
0x74: {  	_ =	shalt  }
0x75: {  	_ =	shalt  }
0x76: {  	_ =	shalt  }
0x77: {  	_ =	shalt  }
0x78: {  	_ =	shalt  }
0x79: {  	_ =	shalt  }
0x7a: {  	_ =	shalt  }
0x7b: {  	_ =	shalt  }
0x7c: {  	_ =	shalt  }
0x7d: {  	_ =	shalt  }
0x7e: {  	_ =	shalt  }
0x7f: {  	_ =	shalt  }
0x80: {  	_ =	shalt  }
0x81: {  	_ =	shalt  }
0x82: {  	_ =	shalt  }
0x83: {  	_ =	shalt  }
0x84: {  	_ =	shalt  }
0x85: {  	_ =	shalt  }
0x86: {  	_ =	shalt  }
0x87: {  	_ =	shalt  }
.Lfunc_end0:
.L_simem_size_0:
called_computation.1_lowered:
.L_overlay_start_0:
0x88: {  	s2 =	sld [smem:$0x3FD9]  }
0x89: {  	s3 =	sld [smem:$0x3FFE];
	_ =	sdelay $0x1  }
0x8a: {  	s1 =	srdreg.scid  }
0x8b: {  	s0 =	sand.u32 $0x1, s1  }
0x8c: {  	s16 =	sshll.u32 s0, $0xA;
	s2 =	sadd.s32 s3, s2  }
0x8d: {  	s2 =	sadd.s32 s2, s16  }
0x8e: {  	[smem:$0x3FC2] =	sst s2  }
0x8f: {  	_ = 	snop  }
0x90: {  	(tm) =	ssettm $0x1  }
0x91: {  	s17 =	sld [smem:$0x3FFB];
	_ =	sdelay $0x3  }
0x92: {  	_ =	strace s17  }
0x93: {  	s2 =	sld [smem:$0x3FFC];
	_ =	sdelay $0x3  }
0x94: {  	_ =	strace s2  }
0x95: {  	s2 =	sld [smem:$0x3FFD];
	_ =	sdelay $0x3  }
0x96: {  	_ =	strace s2  }
0x97: {  	_ =	strace $0x8FFFFFFF  }
0x98: {  	s18 =	sld [smem:$0x3FDB];
	_ =	sdelay $0x1  }
0x99: {  	s19 =	simm.s32 $_scs_section_size  }
0x9a: {  	s4 =	simm.s32 $_size__tile_overlayer_lowered;
	s5 =	simm.s32 $_tile_overlayer_lowered  }
0x9b: {  	s22 =	simm.s32 $0x1BFF;
	s21 =	sshll.u32 s5, $0x1;
	s2 =	sadd.s32 s19, s18  }
0x9c: {  	s6 =	simm.s32 $0x0;
	s20 =	sshll.u32 s4, $0x1;
	s4 =	sadd.s32 s21, s2  }
0x9d: {  	[timem:s6], [sflag:s22] =	dma.local [hbm:s4], s20  }
0x9e: {  	_ =	swait.ge [sflag:s22], s20  }
0x9f: {  	s3 =	ssub.s32 $0x0, s20;
	[sflag:s22] =	ssyncset.done $0x0  }
0xa0: {  	[sflag:s22] =	ssyncadd.s32 s3;
	_ =	sdelay $0x1  }
0xa1: {  	s23 =	simm.s32 $0x1B8B  }
0xa2: {  	_ =	swait.ge [sflag:s23], $0x1  }
0xa3: {  	[sflag:s23] =	ssyncset.done $0x0  }
0xa4: {  	s25 =	simm.s32 $0x1B8E;
	s24 =	sld [smem:$0x3FFE];
	[sflag:s23] =	ssyncadd.s32 $0xFFFFFFFF  }
0xa5: {  	s26 =	simm.s32 $execute0_lowered;
	[smem:$0x3FD2] =	sst s25  }
0xa6: {  	s4 =	sshll.u32 s26, $0x1;
	_ =	strace $0x80000049;
	[dreg:$0x1] =	wrdreg $0xFFFFFFFF  }
0xa7: {  	s28 =	simm.s32 $_size_execute0_lowered;
	s2 =	sadd.s32 s2, s4;
	[dreg:$0x0] =	wrdreg $0x0  }
0xa8: {  	s4 =	sshll.u32 s28, $0x1;
	[dreg:$0x2] =	wrdreg s2  }
0xa9: {  	[dreg:$0x3] =	wrdreg s4  }
0xaa: {  	[dreg:$0x4] =	wrdreg $0xC0  }
0xab: {  	_ =	task [dreg:s6], $0x5FFFF  }
0xac: {  	[dreg:$0x1] =	wrdreg $0xFFFFFFFF  }
0xad: {  	[dreg:$0x0] =	wrdreg $0x60  }
0xae: {  	[dreg:$0x2] =	wrdreg s24  }
0xaf: {  	[dreg:$0x3] =	wrdreg $0xD0000  }
0xb0: {  	[dreg:$0x4] =	wrdreg $0x9  }
0xb1: {  	_ =	task.clear_ibuf [dreg:s6], $0x5FFFF;
	_ =	strace $0x90000049  }
0xb2: {  	s29 =	simm.s32 $0x9;
	_ =	strace $0x8000004B  }
0xb3: {  	_ =	swait.ge [sflag:s29], $0x1  }
0xb4: {  	[sflag:s29] =	ssyncadd.s32 $0xFFFFFFFF  }
0xb5: {  	_ =	strace $0x9000004B  }
0xb6: {  	_ =	sfence  }
0xb7: {  	s30 =	sld [smem:$0x0];
	_ =	sdelay $0x2  }
0xb8: {  	s31 =	sshll.u32 s1, $0xD;
	s1 =	sshrl.u32 s1, $0x2  }
0xb9: {  	s3 =	sand.u32 $0x4000, s31;
	s1 =	sadd.s32 s1, s30  }
0xba: {  	s0 =	sor.u32 s3, s0;
	s1 =	sshll.u32 s1, $0x11  }
0xbb: {  	s0 =	sor.u32 s1, s0  }
0xbc: {  	s0 =	sadd.s32 $0x8F2B, s0  }
0xbd: {  	[sflag:s0] =	ssyncadd.remote.s32 $0x1  }
0xbe: {  	_ =	sfence.sel $0xFFFF  }
0xbf: {  	[dreg:$0x0] =	wrdreg $0xFFFFFFFF;
	(pc) =	sbr.abs _section_cstart, $3  }
0xc0: {  	[dreg:$0x1] =	wrdreg $0xFFFFFFFF  }
0xc1: {  	_ =	task.clear_ibuf [dreg:s6], $0x2FFFF;
	_ =	strace $0x9FFFFFFF  }
0xc2: {  	(tm) =	ssettm $0x7FFFFFFF  }
0xc3: {  	_ =	shalt  }
tec
execute0_lowered:
.L_overlay_start_1:
0x0: {  	(tag) =	ssettag $0x1  }
0x1: {  	s0 =	rddreg [dreg:$0x0];
	s1 =	srdreg.scid  }
0x2: {  	s8 =	stileid.u32;
	s2 =	rddreg [dreg:$0x1];
	s3 =	simm.s32 $0x0  }
0x3: {  	s15 =	simm.s32 $0x9;
	s16 =	simm.s32 $0x2800;
	s17 =	simm.s32 $0x80  }
0x4: {  	s18 =	simm.s32 $0x7000;
	s20 =	simm.s32 $0x9000;
	s21 =	simm.s32 $0x1  }
0x5: {  	s23 =	simm.s32 $0xB000;
	s24 =	simm.s32 $0x2;
	s29 =	simm.s32 $0x3  }
0x6: {  	s31 =	simm.s32 $0x6;
	s22 =	simm.s32 $0x7;
	s28 =	simm.s32 $0x8  }
0x7: {  	s1 =	sand.u32 $0x1, s1;
	s4 =	sshll.u32 s8, $0x1;
	s6 =	smul.u32 $0x28000, s8  }
0x8: {  	[smem:$0x7FF] =	sst s3;
	s12 =	smul.u32 $0xA000, s8;
	s4 =	sor.u32 s1, s4  }
0x9: {  	_ =	strace $0x8000004A;
	s7 =	ssub.s32 $0x2, s1;
	p0 =	seq.s32 s1, $0x1  }
0xa: {  	s1 =	simm.s32 $0x3FE00;
	s5 =	smul.u32 $0x2800, s4;
	s4 =	sadd.s32 $0x17E00, s0  }
0xb: {  	s26 =	sshrl.u32 s7, $0x1;
	s6 =	sshrl.u32 s6, $0x2;
	s1 =	simm.s32 @!p0 $0x2BE00  }
0xc: {  	s14 =	sshrl.u32 s12, $0x3;
	s13 =	ssub.s32 s7, s26;
	s9 =	sadd.s32 s6, s2  }
0xd: {  	s26 =	simm.s32 $0x5;
	s5 =	sshrl.u32 s5, $0x3;
	s6 =	sadd.s32 $0x2000, s9  }
.Ltmp0:
0xe: {  	s30 =	sadd.s32 $0x4000, s9;
	s8 =	sadd.s32 $0x6000, s9;
	(pc) =	sbr.rel .LBB2_1-.Ltmp0, $4  }
0xf: {  	s9 =	sadd.s32 $0x8000, s9;
	s11 =	sadd.s32 s5, s0;
	[dreg:$0x3] =	wrdreg s6  }
0x10: {  	s5 =	sadd.s32 s12, s2;
	[dreg:$0x4] =	wrdreg s30;
	s12 =	smax.u32 s13, $0x1  }
0x11: {  	s0 =	sadd.s32 s1, s0;
	s10 =	sadd.s32 $0x3E00, s11;
	s11 =	sadd.s32 $0xDE00, s11  }
0x12: {  	v0 =	vimm.f32 $0.0e+00;
	s13 =	sadd.s32 s0, s14;
	s14 =	simm.s32 $0x5000;
	s0 =	simm.s32 $0x4  }
.LBB2_6:
0x13: {  	_ =	swait.ge [sflag:s26], $0x2000  }
0x14: {  	[sflag:s26] =	ssyncset.done $0x0  }
0x15: {  	[sflag:s26] =	ssyncadd.s32 $0xFFFFE000  }
0x16: {  	_ =	swait.ge [sflag:s31], $0x2000  }
0x17: {  	[sflag:s31] =	ssyncset.done $0x0  }
0x18: {  	[sflag:s31] =	ssyncadd.s32 $0xFFFFE000  }
0x19: {  	_ =	swait.ge [sflag:s22], $0x2000  }
0x1a: {  	[sflag:s22] =	ssyncset.done $0x0  }
0x1b: {  	[sflag:s22] =	ssyncadd.s32 $0xFFFFE000  }
0x1c: {  	s1 =	stileid.u32;
	_ =	swait.ge [sflag:s28], $0x2000  }
0x1d: {  	s6 =	sshrl.u32 s5, $0x3;
	s3 =	sadd.s32 $0x1, s3;
	[sflag:s28] =	ssyncset.done $0x0  }
0x1e: {  	s1 =	sshll.u32 s1, $0x6;
	p0 =	sne.s32 s3, s12;
	[sflag:s28] =	ssyncadd.s32 $0xFFFFE000  }
.Ltmp1:
0x1f: {  	s1 =	sor.u32 $0x1C09, s1;
	[bflag:$0x0] =	sbarrier.arrive $0xFFFF;
	(pc) =	sbr.rel @!p0 .LBB2_7-.Ltmp1, $4  }
0x20: {  	[hbm:s13], [sflag:s1] =	dma.local [spmem:s6], $0x1400  }
0x21: {  	_ =	swait.ge [sflag:s15], $0x1400  }
0x22: {  	[sflag:s15] =	ssyncset.done $0x0  }
0x23: {  	[sflag:s15] =	ssyncadd.s32 $0xFFFFEC00  }
.LBB2_1:
0x24: {  	s30 =	simm.s32 $0x100;
	s1 =	simm.s32 $0x0  }
.LBB2_2:
0x25: {  	p0 =	sne.s32 s30, $0x7F00;
	[tilespmem:s1+$0x5030] =	vst v0;
	s19 =	smov.u32 s30;
	s30 =	sadd.s32 $0x100, s30  }
.Ltmp2:
0x26: {  	[tilespmem:s1+$0x5020] =	vst v0;
	(pc) =	sbr.rel @p0 .LBB2_2-.Ltmp2, $3  }
0x27: {  	[tilespmem:s1+$0x5000] =	vst v0  }
0x28: {  	[tilespmem:s1+$0x5010] =	vst v0;
	_ =	sdelay $0x1  }
0x29: {  	s1 =	sshra.s32 s19, $0x2  }
0x2a: {  	[tilespmem:s1+$0x5030] =	vst v0  }
0x2b: {  	[tilespmem:s1+$0x5020] =	vst v0  }
0x2c: {  	[tilespmem:s1+$0x5000] =	vst v0  }
0x2d: {  	[tilespmem:s1+$0x5010] =	vst v0  }
0x2e: {  	[spmem:s5] =	stream.linear.scatter [tilespmem:s14], [sflag:$0x9], $0x2000, $0x38;
	[tilespmem:$0x17000] =	vst v63  }
0x2f: {  	_ =	swait.ge [sflag:s15], $0x2000  }
0x30: {  	[sflag:s15] =	ssyncset.done $0x0  }
0x31: {  	s19 =	rddreg [dreg:$0x3];
	[sflag:s15] =	ssyncadd.s32 $0xFFFFE000  }
0x32: {  	[spmem:s19] =	stream.linear.scatter [tilespmem:s14], [sflag:$0x9], $0x2000, $0x38;
	[tilespmem:$0x17000] =	vst v63  }
0x33: {  	_ =	swait.ge [sflag:s15], $0x2000  }
0x34: {  	[sflag:s15] =	ssyncset.done $0x0  }
0x35: {  	s25 =	rddreg [dreg:$0x4];
	[sflag:s15] =	ssyncadd.s32 $0xFFFFE000  }
0x36: {  	[spmem:s25] =	stream.linear.scatter [tilespmem:s14], [sflag:$0x9], $0x2000, $0x38;
	[tilespmem:$0x17000] =	vst v63  }
0x37: {  	_ =	swait.ge [sflag:s15], $0x2000  }
0x38: {  	[sflag:s15] =	ssyncset.done $0x0  }
0x39: {  	[sflag:s15] =	ssyncadd.s32 $0xFFFFE000  }
0x3a: {  	[spmem:s8] =	stream.linear.scatter [tilespmem:s14], [sflag:$0x9], $0x2000, $0x38;
	[tilespmem:$0x17000] =	vst v63  }
0x3b: {  	_ =	swait.ge [sflag:s15], $0x2000  }
0x3c: {  	[sflag:s15] =	ssyncset.done $0x0  }
0x3d: {  	[sflag:s15] =	ssyncadd.s32 $0xFFFFE000  }
0x3e: {  	[spmem:s9] =	stream.linear.scatter [tilespmem:s14], [sflag:$0x9], $0x2000, $0x38;
	[tilespmem:$0x17000] =	vst v63  }
0x3f: {  	_ =	swait.ge [sflag:s15], $0x2000  }
0x40: {  	[sflag:s15] =	ssyncset.done $0x0  }
0x41: {  	s30 =	simm.s32 $0x0;
	[sflag:s15] =	ssyncadd.s32 $0xFFFFE000  }
0x42: {  	[tilespmem:s30], [sflag:$0x9] =	stream.linear.gather [hbm4b:s10+s30], $0x2800, $0x38;
	[tilespmem:$0x17000] =	vst v63  }
0x43: {  	_ =	swait.ge [sflag:s15], $0x2800  }
0x44: {  	[sflag:s15] =	ssyncset.done $0x0  }
0x45: {  	[sflag:s15] =	ssyncadd.s32 $0xFFFFD800  }
0x46: {  	[tilespmem:s16], [sflag:$0x9] =	stream.linear.gather [hbm4b:s11+s30], $0x2800, $0x38;
	[tilespmem:$0x17000] =	vst v63  }
0x47: {  	_ =	swait.ge [sflag:s15], $0x2800  }
0x48: {  	[sflag:s15] =	ssyncset.done $0x0  }
0x49: {  	[sflag:s15] =	ssyncadd.s32 $0xFFFFD800  }
0x4a: {  	[bflag:$0x0] =	sbarrier.arrive $0xFFFF  }
0x4b: {  	[tilespmem:s14], [sflag:$0x1] =	stream.indirect.gather [hbm4b:s4+s17], $0x40, s30, s17, $0xb8;
	[tilespmem:$0x17000] =	vst v63  }
0x4c: {  	_ = 	snop  }
0x4d: {  	[tilespmem:s18], [sflag:$0x2] =	stream.indirect.gather [hbm4b:s4+s17], $0x40, s17, s17, $0xb8;
	[tilespmem:$0x17000] =	vst v63  }
0x4e: {  	s6 =	simm.s32 $0x100  }
0x4f: {  	[tilespmem:s20], [sflag:$0x3] =	stream.indirect.gather [hbm4b:s4+s17], $0x40, s6, s17, $0xb8;
	[tilespmem:$0x17000] =	vst v63  }
0x50: {  	_ =	swait.ge [sflag:s21], $0x2000  }
0x51: {  	[sflag:s21] =	ssyncset.done $0x0  }
0x52: {  	[sflag:s21] =	ssyncadd.s32 $0xFFFFE000  }
0x53: {  	[spmem:s2] =	stream.indirect.scatter.add.f32 [tilespmem:s14], [sflag:$0x5], $0x40, s16, s17, $0xb8;
	[tilespmem:$0x17000] =	vst v63  }
0x54: {  	s7 =	simm.s32 $0x180  }
0x55: {  	[tilespmem:s23], [sflag:$0x4] =	stream.indirect.gather [hbm4b:s4+s17], $0x40, s7, s17, $0xb8;
	[tilespmem:$0x17000] =	vst v63  }
0x56: {  	_ =	swait.ge [sflag:s24], $0x2000  }
0x57: {  	[sflag:s24] =	ssyncset.done $0x0  }
0x58: {  	s19 =	simm.s32 $0x2880;
	[sflag:s24] =	ssyncadd.s32 $0xFFFFE000  }
0x59: {  	[spmem:s2] =	stream.indirect.scatter.add.f32 [tilespmem:s18], [sflag:$0x6], $0x40, s19, s17, $0xb8;
	[tilespmem:$0x17000] =	vst v63  }
0x5a: {  	_ =	swait.ge [sflag:s26], $0x2000  }
0x5b: {  	[sflag:s26] =	ssyncset.done $0x0  }
0x5c: {  	s25 =	simm.s32 $0x200;
	[sflag:s26] =	ssyncadd.s32 $0xFFFFE000  }
0x5d: {  	[tilespmem:s14], [sflag:$0x1] =	stream.indirect.gather [hbm4b:s4+s17], $0x40, s25, s17, $0xb8;
	[tilespmem:$0x17000] =	vst v63  }
0x5e: {  	_ =	swait.ge [sflag:s29], $0x2000  }
0x5f: {  	[sflag:s29] =	ssyncset.done $0x0  }
0x60: {  	s6 =	simm.s32 $0x2900;
	[sflag:s29] =	ssyncadd.s32 $0xFFFFE000  }
0x61: {  	[spmem:s2] =	stream.indirect.scatter.add.f32 [tilespmem:s20], [sflag:$0x7], $0x40, s6, s17, $0xb8;
	[tilespmem:$0x17000] =	vst v63  }
0x62: {  	_ =	swait.ge [sflag:s31], $0x2000  }
0x63: {  	[sflag:s31] =	ssyncset.done $0x0  }
0x64: {  	s7 =	simm.s32 $0x280;
	[sflag:s31] =	ssyncadd.s32 $0xFFFFE000  }
0x65: {  	[tilespmem:s18], [sflag:$0x2] =	stream.indirect.gather [hbm4b:s4+s17], $0x40, s7, s17, $0xb8;
	[tilespmem:$0x17000] =	vst v63  }
0x66: {  	_ =	swait.ge [sflag:s0], $0x2000  }
0x67: {  	[sflag:s0] =	ssyncset.done $0x0  }
0x68: {  	s19 =	simm.s32 $0x2980;
	[sflag:s0] =	ssyncadd.s32 $0xFFFFE000  }
0x69: {  	[spmem:s2] =	stream.indirect.scatter.add.f32 [tilespmem:s23], [sflag:$0x8], $0x40, s19, s17, $0xb8;
	[tilespmem:$0x17000] =	vst v63  }
0x6a: {  	_ =	swait.ge [sflag:s22], $0x2000  }
0x6b: {  	[sflag:s22] =	ssyncset.done $0x0  }
0x6c: {  	s25 =	simm.s32 $0x300;
	[sflag:s22] =	ssyncadd.s32 $0xFFFFE000  }
0x6d: {  	[tilespmem:s20], [sflag:$0x3] =	stream.indirect.gather [hbm4b:s4+s17], $0x40, s25, s17, $0xb8;
	[tilespmem:$0x17000] =	vst v63  }
.LBB2_4:
0x6e: {  	_ =	swait.ge [sflag:s21], $0x2000  }
0x6f: {  	s1 =	sshra.s32 s30, $0x2;
	[sflag:s21] =	ssyncset.done $0x0  }
0x70: {  	s19 =	sadd.s32 $0x2A00, s1;
	[sflag:s21] =	ssyncadd.s32 $0xFFFFE000  }
0x71: {  	[spmem:s2] =	stream.indirect.scatter.add.f32 [tilespmem:s14], [sflag:$0x5], $0x40, s19, s17, $0xb8;
	[tilespmem:$0x17000] =	vst v63  }
0x72: {  	_ =	swait.ge [sflag:s28], $0x2000  }
0x73: {  	[sflag:s28] =	ssyncset.done $0x0  }
0x74: {  	s6 =	sadd.s32 $0x380, s1;
	[sflag:s28] =	ssyncadd.s32 $0xFFFFE000  }
0x75: {  	[tilespmem:s23], [sflag:$0x4] =	stream.indirect.gather [hbm4b:s4+s17], $0x40, s6, s17, $0xb8;
	[tilespmem:$0x17000] =	vst v63  }
0x76: {  	_ =	swait.ge [sflag:s24], $0x2000  }
0x77: {  	p0 =	seq.s32 s30, $0x9000;
	[sflag:s24] =	ssyncset.done $0x0  }
0x78: {  	s7 =	sadd.s32 $0x2A80, s1;
	s19 =	simm.s32 @p0 $0x3;
	[sflag:s24] =	ssyncadd.s32 $0xFFFFE000  }
0x79: {  	[spmem:s2] =	stream.indirect.scatter.add.f32 [tilespmem:s18], [sflag:$0x6], $0x40, s7, s17, $0xb8;
	[tilespmem:$0x17000] =	vst v63  }
0x7a: {  	_ =	swait.ge @p0 [sflag:s19], $0x2000  }
0x7b: {  	[sflag:s19] =	ssyncset.done @p0 $0x0  }
0x7c: {  	[sflag:s19] =	ssyncadd.s32 @p0 $0xFFFFE000;
	s19 =	sshra.s32 @p0 s30, $0x2  }
0x7d: {  	s25 =	simm.s32 @p0 $0x80;
	s6 =	simm.s32 @p0 $0x9000;
	s19 =	sadd.s32 @p0 $0x2B00, s19  }
0x7e: {  	[spmem:s2] =	stream.indirect.scatter.add.f32 @p0 [tilespmem:s6], [sflag:$0x7], $0x40, s19, s25, $0xb8;
	[tilespmem:$0x17000] =	vst v63  }
0x7f: {  	s6 =	simm.s32 @!p0 $0x5  }
0x80: {  	_ =	swait.ge @!p0 [sflag:s6], $0x2000  }
0x81: {  	[sflag:s6] =	ssyncset.done @!p0 $0x0  }
0x82: {  	[sflag:s6] =	ssyncadd.s32 @!p0 $0xFFFFE000;
	s6 =	sshra.s32 @!p0 s30, $0x2  }
0x83: {  	s7 =	simm.s32 @!p0 $0x5000;
	s25 =	simm.s32 @!p0 $0x80;
	s19 =	sadd.s32 @!p0 $0x400, s6  }
0x84: {  	[tilespmem:s7], [sflag:$0x1] =	stream.indirect.gather @!p0 [hbm4b:s4+s25], $0x40, s19, s25, $0xb8;
	[tilespmem:$0x17000] =	vst v63  }
0x85: {  	s7 =	simm.s32 @!p0 $0x3  }
0x86: {  	_ =	swait.ge @!p0 [sflag:s7], $0x2000  }
0x87: {  	[sflag:s7] =	ssyncset.done @!p0 $0x0  }
0x88: {  	s19 =	simm.s32 @!p0 $0x9000;
	[sflag:s7] =	ssyncadd.s32 @!p0 $0xFFFFE000;
	s7 =	sadd.s32 @!p0 $0x2B00, s6  }
0x89: {  	[spmem:s2] =	stream.indirect.scatter.add.f32 @!p0 [tilespmem:s19], [sflag:$0x7], $0x40, s7, s25, $0xb8;
	[tilespmem:$0x17000] =	vst v63  }
0x8a: {  	s7 =	simm.s32 @!p0 $0x6  }
0x8b: {  	_ =	swait.ge @!p0 [sflag:s7], $0x2000  }
0x8c: {  	[sflag:s7] =	ssyncset.done @!p0 $0x0  }
0x8d: {  	s6 =	sadd.s32 @!p0 $0x480, s6;
	[sflag:s7] =	ssyncadd.s32 @!p0 $0xFFFFE000;
	s7 =	simm.s32 @!p0 $0x7000  }
0x8e: {  	[tilespmem:s7], [sflag:$0x2] =	stream.indirect.gather @!p0 [hbm4b:s4+s25], $0x40, s6, s25, $0xb8;
	[tilespmem:$0x17000] =	vst v63  }
.Ltmp3:
0x8f: {  	_ = 	snop;
	(pc) =	sbr.rel @p0 .LBB2_6-.Ltmp3, $4  }
0x90: {  	_ =	swait.ge [sflag:s0], $0x2000  }
0x91: {  	[sflag:s0] =	ssyncset.done $0x0  }
0x92: {  	s25 =	sadd.s32 $0x2B80, s1;
	[sflag:s0] =	ssyncadd.s32 $0xFFFFE000  }
0x93: {  	[spmem:s2] =	stream.indirect.scatter.add.f32 [tilespmem:s23], [sflag:$0x8], $0x40, s25, s17, $0xb8;
	[tilespmem:$0x17000] =	vst v63  }
.Ltmp4:
0x94: {  	(pc) =	sbr.rel .LBB2_4-.Ltmp4, $4  }
0x95: {  	_ =	swait.ge [sflag:s22], $0x2000  }
0x96: {  	[sflag:s22] =	ssyncset.done $0x0  }
0x97: {  	s1 =	sadd.s32 $0x500, s1;
	s30 =	sadd.s32 $0x800, s30;
	[sflag:s22] =	ssyncadd.s32 $0xFFFFE000  }
0x98: {  	[tilespmem:s20], [sflag:$0x3] =	stream.indirect.gather [hbm4b:s4+s17], $0x40, s1, s17, $0xb8;
	[tilespmem:$0x17000] =	vst v63  }
.LBB2_7:
0x99: {  	_ =	sfence.sel $0x180000  }
0x9a: {  	[bflag:$0x0] =	sbarrier.arrive $0xFFFF  }
0x9b: {  	_ =	strace $0x9000004A  }
0x9c: {  	s0 =	stileid.u32;
	[bflag:$0x2] =	sbarrier.arrive $0xFFFF  }
0x9d: {  	p0 =	sne.s32 s0, $0x0;
	s0 =	rddreg [dreg:$0x2]  }
0x9e: {  	s0 =	sadd.s32 @!p0 $0x100000, s0  }
0x9f: {  	[sflag:s0] =	ssyncadd.tile.s32 @!p0 $0x1;
	_ =	shalt  }
.Lfunc_end2:
_tile_overlayer_lowered:
.L_overlay_start_2:
0xa0: {  	(tag) =	ssettag $0x2  }
0xa1: {  	s0 =	rddreg [dreg:$0x0];
	s2 =	stileid.u32  }
0xa2: {  	s1 =	rddreg [dreg:$0x1];
	p0 =	sne.s32 s2, $0x0  }
0xa3: {  	s3 =	rddreg [dreg:$0x2];
	[bflag:$0x3] =	sbarrier.arrive $0xFFFF;
	s2 =	simm.s32 @!p0 $0x1C09  }
0xa4: {  	[timem:s3], [sflag:s2] =	dma.local @!p0 [hbm:s0], s1  }
0xa5: {  	s0 =	simm.s32 @!p0 $0x9  }
0xa6: {  	_ =	swait.ge @!p0 [sflag:s0], s1  }
0xa7: {  	s1 =	ssub.s32 @!p0 $0x0, s1;
	[sflag:s0] =	ssyncset.done @!p0 $0x0  }
0xa8: {  	[sflag:s0] =	ssyncadd.s32 @!p0 s1  }
0xa9: {  	[bflag:$0x3] =	sbarrier.arrive $0xFFFF  }
0xaa: {  	_ =	shalt  }

// kernel: kernel.14.cloned.1.call-start
scs
__scs_entry_jumppad:
0x0: {  	(pc) =	sbr.rel $0x88, $3  }
0x1: {  	(tag) =	ssettag $0x0;
	lr =	simm.s32 $0x1  }
0x2: {  	[smem:$0x3F9B] =	sst lr;
	_ =	strace $0xD0000000  }
0x3: {  	_ = 	snop  }
0x4: {  	_ = 	snop  }
0x5: {  	_ = 	snop  }
0x6: {  	_ = 	snop  }
0x7: {  	_ = 	snop  }
__scs_overlays_trampoline_lowered:
0x8: {  	[smem:$0x3FAA] =	sst s0  }
0x9: {  	[smem:$0x3FAB] =	sst s1  }
0xa: {  	[smem:$0x3FAC] =	sst s2  }
0xb: {  	[smem:$0x3FAD] =	sst s3  }
0xc: {  	[smem:$0x3FAE] =	sst s4  }
0xd: {  	[smem:$0x3FAF] =	sst s5  }
0xe: {  	[smem:$0x3FB0] =	sst s6  }
0xf: {  	[smem:$0x3FB1] =	sst s7  }
0x10: {  	[smem:$0x3FB2] =	sst s8  }
0x11: {  	[smem:$0x3FB3] =	sst s9;
	s0 =	simm.s32 @!p0 $0x0  }
0x12: {  	s1 =	sld [smem:$0x3F99];
	s0 =	simm.s32 @p0 $0x1  }
0x13: {  	[smem:$0x3FB4] =	sst s0;
	s0 =	simm.s32 @!p1 $0x0  }
0x14: {  	s2 =	sld [smem:$0x3F98];
	s0 =	simm.s32 @p1 $0x1  }
0x15: {  	[smem:$0x3FB5] =	sst s0;
	s0 =	simm.s32 @!p2 $0x0  }
0x16: {  	s3 =	sld [smem:$0x3FDB];
	s0 =	simm.s32 @p2 $0x1  }
0x17: {  	s4 =	simm.s32 $0x1BF5;
	[smem:$0x3FB7] =	sst s0  }
0x18: {  	s0 =	sld [smem:$0x3F9A];
	_ =	swait.ge [sflag:s4], $0x0  }
0x19: {  	s7 =	sld [smem:$0x3F9B]  }
0x1a: {  	s8 =	sadd.s32 $0xFFFFE003, lr  }
0x1b: {  	s9 =	sadd.s32 $0xFFFFFEF7, lr;
	s5 =	simm.s32 $0xFFFFFFFF;
	p2 =	slt.u32 s8, $0xFFFFF086  }
0x1c: {  	p1 =	slt.u32 s9, $0xF7A;
	s5 =	simm.s32 @!p2 $0x0  }
0x1d: {  	s5 =	simm.s32 @p1 $0x1;
	p0 =	seq.s32 s7, s2  }
0x1e: {  	s7 =	smul.u32 @!p0 $0xF7A, s2;
	p2 =	seq.s32 @!p0 s5, $0x0  }
0x1f: {  	s9 =	smul.u32 $0xF7A, s1;
	s8 =	simm.s32 @!p0 $0x1BF5;
	p2 =	por !p2, p0  }
0x20: {  	[sflag:s8] =	ssyncset.s32 @!p0 $0xFFFFF086;
	s6 =	sadd.s32 @!p0 s3, s7;
	s7 =	simm.s32 @!p0 $0x108  }
0x21: {  	s3 =	sadd.s32 s3, s9;
	s6 =	sadd.s32 @!p0 $0x88, s6;
	s7 =	simm.s32 @p2 $0x1082  }
0x22: {  	[simem:s7], [sflag:s8] =	dma.local @!p0 [hbm:s6], $0xF7A  }
0x23: {  	s9 =	sor.u32 $0xD0000000, s2;
	s6 =	simm.s32 $0x108;
	_ =	swait.ge @!p0 [sflag:s8], $0x0  }
0x24: {  	s3 =	sadd.s32 $0x88, s3;
	s6 =	simm.s32 @!p1 $0x1082;
	[sflag:s4] =	ssyncset.s32 $0xFFFFF086  }
0x25: {  	[simem:s6], [sflag:s4] =	dma.local [hbm:s3], $0xF7A  }
0x26: {  	[smem:$0x3F9B] =	sst s1;
	(tag) =	ssettag s2;
	_ =	strace s9  }
0x27: {  	s1 =	sld [smem:$0x3FAB]  }
0x28: {  	s2 =	sld [smem:$0x3FAC]  }
0x29: {  	s4 =	sld [smem:$0x3FAE]  }
0x2a: {  	p0 =	seq.s32 s5, $0x0;
	s5 =	sld [smem:$0x3FAF]  }
0x2b: {  	s6 =	sld [smem:$0x3FB0]  }
0x2c: {  	s7 =	sld [smem:$0x3FB1]  }
0x2d: {  	s3 =	simm.s32 $0x108;
	s8 =	sld [smem:$0x3FB2]  }
0x2e: {  	s3 =	simm.s32 @!p0 $0x1082;
	s9 =	sld [smem:$0x3FB3]  }
0x2f: {  	lr =	sadd.s32 s0, s3;
	s0 =	sld [smem:$0x3FAA]  }
0x30: {  	s3 =	sld [smem:$0x3FAD]  }
0x31: {  	[smem:$0x3FB6] =	sst s10  }
0x32: {  	s10 =	sld [smem:$0x3FB4];
	_ =	sdelay $0x3  }
0x33: {  	p0 =	seq.s32 s10, $0x1;
	s10 =	sld [smem:$0x3FB6];
	_ =	sdelay $0x3  }
0x34: {  	[smem:$0x3FB6] =	sst s10  }
0x35: {  	s10 =	sld [smem:$0x3FB5];
	_ =	sdelay $0x3  }
0x36: {  	p1 =	seq.s32 s10, $0x1;
	s10 =	sld [smem:$0x3FB6];
	_ =	sdelay $0x3  }
0x37: {  	[smem:$0x3FB6] =	sst s10  }
0x38: {  	s10 =	sld [smem:$0x3FB7]  }
0x39: {  	_ = 	snop;
	(pc) =	sbr.ind lr, $3  }
0x3a: {  	_ = 	snop  }
0x3b: {  	_ = 	snop  }
0x3c: {  	p2 =	seq.s32 s10, $0x1;
	s10 =	sld [smem:$0x3FB6]  }
0x3d: {  	_ =	shalt  }
0x3e: {  	_ =	shalt  }
0x3f: {  	_ =	shalt  }
0x40: {  	_ =	shalt  }
0x41: {  	_ =	shalt  }
0x42: {  	_ =	shalt  }
0x43: {  	_ =	shalt  }
0x44: {  	_ =	shalt  }
0x45: {  	_ =	shalt  }
0x46: {  	_ =	shalt  }
0x47: {  	_ =	shalt  }
0x48: {  	_ =	shalt  }
0x49: {  	_ =	shalt  }
0x4a: {  	_ =	shalt  }
0x4b: {  	_ =	shalt  }
0x4c: {  	_ =	shalt  }
0x4d: {  	_ =	shalt  }
0x4e: {  	_ =	shalt  }
0x4f: {  	_ =	shalt  }
0x50: {  	_ =	shalt  }
0x51: {  	_ =	shalt  }
0x52: {  	_ =	shalt  }
0x53: {  	_ =	shalt  }
0x54: {  	_ =	shalt  }
0x55: {  	_ =	shalt  }
0x56: {  	_ =	shalt  }
0x57: {  	_ =	shalt  }
0x58: {  	_ =	shalt  }
0x59: {  	_ =	shalt  }
0x5a: {  	_ =	shalt  }
0x5b: {  	_ =	shalt  }
0x5c: {  	_ =	shalt  }
0x5d: {  	_ =	shalt  }
0x5e: {  	_ =	shalt  }
0x5f: {  	_ =	shalt  }
0x60: {  	_ =	shalt  }
0x61: {  	_ =	shalt  }
0x62: {  	_ =	shalt  }
0x63: {  	_ =	shalt  }
0x64: {  	_ =	shalt  }
0x65: {  	_ =	shalt  }
0x66: {  	_ =	shalt  }
0x67: {  	_ =	shalt  }
0x68: {  	_ =	shalt  }
0x69: {  	_ =	shalt  }
0x6a: {  	_ =	shalt  }
0x6b: {  	_ =	shalt  }
0x6c: {  	_ =	shalt  }
0x6d: {  	_ =	shalt  }
0x6e: {  	_ =	shalt  }
0x6f: {  	_ =	shalt  }
0x70: {  	_ =	shalt  }
0x71: {  	_ =	shalt  }
0x72: {  	_ =	shalt  }
0x73: {  	_ =	shalt  }
0x74: {  	_ =	shalt  }
0x75: {  	_ =	shalt  }
0x76: {  	_ =	shalt  }
0x77: {  	_ =	shalt  }
0x78: {  	_ =	shalt  }
0x79: {  	_ =	shalt  }
0x7a: {  	_ =	shalt  }
0x7b: {  	_ =	shalt  }
0x7c: {  	_ =	shalt  }
0x7d: {  	_ =	shalt  }
0x7e: {  	_ =	shalt  }
0x7f: {  	_ =	shalt  }
0x80: {  	_ =	shalt  }
0x81: {  	_ =	shalt  }
0x82: {  	_ =	shalt  }
0x83: {  	_ =	shalt  }
0x84: {  	_ =	shalt  }
0x85: {  	_ =	shalt  }
0x86: {  	_ =	shalt  }
0x87: {  	_ =	shalt  }
.Lfunc_end0:
.L_simem_size_0:
called_computation.2_lowered:
.L_overlay_start_0:
0x88: {  	s2 =	sld [smem:$0x3FD9]  }
0x89: {  	s3 =	sld [smem:$0x3FFE];
	_ =	sdelay $0x1  }
0x8a: {  	s1 =	srdreg.scid  }
0x8b: {  	s0 =	sand.u32 $0x1, s1  }
0x8c: {  	s16 =	sshll.u32 s0, $0xA;
	s2 =	sadd.s32 s3, s2  }
0x8d: {  	s2 =	sadd.s32 s2, s16  }
0x8e: {  	[smem:$0x3FC2] =	sst s2  }
0x8f: {  	_ = 	snop  }
0x90: {  	(tm) =	ssettm $0x1  }
0x91: {  	s17 =	sld [smem:$0x3FFB];
	_ =	sdelay $0x3  }
0x92: {  	_ =	strace s17  }
0x93: {  	s2 =	sld [smem:$0x3FFC];
	_ =	sdelay $0x3  }
0x94: {  	_ =	strace s2  }
0x95: {  	s2 =	sld [smem:$0x3FFD];
	_ =	sdelay $0x3  }
0x96: {  	_ =	strace s2  }
0x97: {  	_ =	strace $0x8FFFFFFF  }
0x98: {  	s18 =	sld [smem:$0x3FDB];
	_ =	sdelay $0x1  }
0x99: {  	s19 =	simm.s32 $_scs_section_size  }
0x9a: {  	s4 =	simm.s32 $_size__tile_overlayer_lowered;
	s5 =	simm.s32 $_tile_overlayer_lowered  }
0x9b: {  	s22 =	simm.s32 $0x1BFF;
	s21 =	sshll.u32 s5, $0x1;
	s2 =	sadd.s32 s19, s18  }
0x9c: {  	s6 =	simm.s32 $0x0;
	s20 =	sshll.u32 s4, $0x1;
	s4 =	sadd.s32 s21, s2  }
0x9d: {  	[timem:s6], [sflag:s22] =	dma.local [hbm:s4], s20  }
0x9e: {  	_ =	swait.ge [sflag:s22], s20  }
0x9f: {  	s3 =	ssub.s32 $0x0, s20;
	[sflag:s22] =	ssyncset.done $0x0  }
0xa0: {  	[sflag:s22] =	ssyncadd.s32 s3;
	_ =	sdelay $0x1  }
0xa1: {  	s23 =	simm.s32 $0x1B8B  }
0xa2: {  	_ =	swait.ge [sflag:s23], $0x1  }
0xa3: {  	[sflag:s23] =	ssyncset.done $0x0  }
0xa4: {  	s25 =	simm.s32 $0x1B8E;
	s24 =	sld [smem:$0x3FFE];
	[sflag:s23] =	ssyncadd.s32 $0xFFFFFFFF  }
0xa5: {  	s26 =	simm.s32 $execute0_lowered;
	[smem:$0x3FD2] =	sst s25  }
0xa6: {  	s4 =	sshll.u32 s26, $0x1;
	_ =	strace $0x8000004C;
	[dreg:$0x1] =	wrdreg $0xFFFFFFFF  }
0xa7: {  	s28 =	simm.s32 $_size_execute0_lowered;
	s2 =	sadd.s32 s2, s4;
	[dreg:$0x0] =	wrdreg $0x0  }
0xa8: {  	s4 =	sshll.u32 s28, $0x1;
	[dreg:$0x2] =	wrdreg s2  }
0xa9: {  	[dreg:$0x3] =	wrdreg s4  }
0xaa: {  	[dreg:$0x4] =	wrdreg $0xC0  }
0xab: {  	_ =	task [dreg:s6], $0x5FFFF  }
0xac: {  	[dreg:$0x1] =	wrdreg $0xFFFFFFFF  }
0xad: {  	[dreg:$0x0] =	wrdreg $0x60  }
0xae: {  	[dreg:$0x2] =	wrdreg s24  }
0xaf: {  	[dreg:$0x3] =	wrdreg $0xD0000  }
0xb0: {  	[dreg:$0x4] =	wrdreg $0x9  }
0xb1: {  	_ =	task.clear_ibuf [dreg:s6], $0x5FFFF;
	_ =	strace $0x9000004C  }
0xb2: {  	s29 =	simm.s32 $0x9;
	_ =	strace $0x8000004E  }
0xb3: {  	_ =	swait.ge [sflag:s29], $0x1  }
0xb4: {  	[sflag:s29] =	ssyncadd.s32 $0xFFFFFFFF  }
0xb5: {  	_ =	strace $0x9000004E  }
0xb6: {  	_ =	sfence  }
0xb7: {  	s30 =	sld [smem:$0x0];
	_ =	sdelay $0x2  }
0xb8: {  	s31 =	sshll.u32 s1, $0xD;
	s1 =	sshrl.u32 s1, $0x2  }
0xb9: {  	s3 =	sand.u32 $0x4000, s31;
	s1 =	sadd.s32 s1, s30  }
0xba: {  	s0 =	sor.u32 s3, s0;
	s1 =	sshll.u32 s1, $0x11  }
0xbb: {  	s0 =	sor.u32 s1, s0  }
0xbc: {  	s0 =	sadd.s32 $0x8F2B, s0  }
0xbd: {  	[sflag:s0] =	ssyncadd.remote.s32 $0x1  }
0xbe: {  	_ =	sfence.sel $0xFFFF  }
0xbf: {  	[dreg:$0x0] =	wrdreg $0xFFFFFFFF;
	(pc) =	sbr.abs _section_cstart, $3  }
0xc0: {  	[dreg:$0x1] =	wrdreg $0xFFFFFFFF  }
0xc1: {  	_ =	task.clear_ibuf [dreg:s6], $0x2FFFF;
	_ =	strace $0x9FFFFFFF  }
0xc2: {  	(tm) =	ssettm $0x7FFFFFFF  }
0xc3: {  	_ =	shalt  }
tec
execute0_lowered:
.L_overlay_start_1:
0x0: {  	(tag) =	ssettag $0x1  }
0x1: {  	s0 =	rddreg [dreg:$0x0];
	s1 =	srdreg.scid  }
0x2: {  	s8 =	stileid.u32;
	s2 =	rddreg [dreg:$0x1];
	s3 =	simm.s32 $0x0  }
0x3: {  	s15 =	simm.s32 $0x9;
	s16 =	simm.s32 $0x2800;
	s17 =	simm.s32 $0x80  }
0x4: {  	s18 =	simm.s32 $0x7000;
	s20 =	simm.s32 $0x9000;
	s21 =	simm.s32 $0x1  }
0x5: {  	s23 =	simm.s32 $0xB000;
	s24 =	simm.s32 $0x2;
	s29 =	simm.s32 $0x3  }
0x6: {  	s31 =	simm.s32 $0x6;
	s22 =	simm.s32 $0x7;
	s28 =	simm.s32 $0x8  }
0x7: {  	s1 =	sand.u32 $0x1, s1;
	s4 =	sshll.u32 s8, $0x1;
	s6 =	smul.u32 $0x28000, s8  }
0x8: {  	[smem:$0x7FF] =	sst s3;
	s12 =	smul.u32 $0xA000, s8;
	s4 =	sor.u32 s1, s4  }
0x9: {  	_ =	strace $0x8000004D;
	s7 =	ssub.s32 $0x2, s1;
	p0 =	seq.s32 s1, $0x1  }
0xa: {  	s1 =	simm.s32 $0x3FE00;
	s5 =	smul.u32 $0x2800, s4;
	s4 =	sadd.s32 $0x17E00, s0  }
0xb: {  	s26 =	sshrl.u32 s7, $0x1;
	s6 =	sshrl.u32 s6, $0x2;
	s1 =	simm.s32 @!p0 $0x2BE00  }
0xc: {  	s14 =	sshrl.u32 s12, $0x3;
	s13 =	ssub.s32 s7, s26;
	s9 =	sadd.s32 s6, s2  }
0xd: {  	s26 =	simm.s32 $0x5;
	s5 =	sshrl.u32 s5, $0x3;
	s6 =	sadd.s32 $0x2000, s9  }
.Ltmp0:
0xe: {  	s30 =	sadd.s32 $0x4000, s9;
	s8 =	sadd.s32 $0x6000, s9;
	(pc) =	sbr.rel .LBB2_1-.Ltmp0, $4  }
0xf: {  	s9 =	sadd.s32 $0x8000, s9;
	s11 =	sadd.s32 s5, s0;
	[dreg:$0x3] =	wrdreg s6  }
0x10: {  	s5 =	sadd.s32 s12, s2;
	[dreg:$0x4] =	wrdreg s30;
	s12 =	smax.u32 s13, $0x1  }
0x11: {  	s0 =	sadd.s32 s1, s0;
	s10 =	sadd.s32 $0x3E00, s11;
	s11 =	sadd.s32 $0xDE00, s11  }
0x12: {  	v0 =	vimm.f32 $0.0e+00;
	s13 =	sadd.s32 s0, s14;
	s14 =	simm.s32 $0x5000;
	s0 =	simm.s32 $0x4  }
.LBB2_6:
0x13: {  	_ =	swait.ge [sflag:s26], $0x2000  }
0x14: {  	[sflag:s26] =	ssyncset.done $0x0  }
0x15: {  	[sflag:s26] =	ssyncadd.s32 $0xFFFFE000  }
0x16: {  	_ =	swait.ge [sflag:s31], $0x2000  }
0x17: {  	[sflag:s31] =	ssyncset.done $0x0  }
0x18: {  	[sflag:s31] =	ssyncadd.s32 $0xFFFFE000  }
0x19: {  	_ =	swait.ge [sflag:s22], $0x2000  }
0x1a: {  	[sflag:s22] =	ssyncset.done $0x0  }
0x1b: {  	[sflag:s22] =	ssyncadd.s32 $0xFFFFE000  }
0x1c: {  	s1 =	stileid.u32;
	_ =	swait.ge [sflag:s28], $0x2000  }
0x1d: {  	s6 =	sshrl.u32 s5, $0x3;
	s3 =	sadd.s32 $0x1, s3;
	[sflag:s28] =	ssyncset.done $0x0  }
0x1e: {  	s1 =	sshll.u32 s1, $0x6;
	p0 =	sne.s32 s3, s12;
	[sflag:s28] =	ssyncadd.s32 $0xFFFFE000  }
.Ltmp1:
0x1f: {  	s1 =	sor.u32 $0x1C09, s1;
	[bflag:$0x0] =	sbarrier.arrive $0xFFFF;
	(pc) =	sbr.rel @!p0 .LBB2_7-.Ltmp1, $4  }
0x20: {  	[hbm:s13], [sflag:s1] =	dma.local [spmem:s6], $0x1400  }
0x21: {  	_ =	swait.ge [sflag:s15], $0x1400  }
0x22: {  	[sflag:s15] =	ssyncset.done $0x0  }
0x23: {  	[sflag:s15] =	ssyncadd.s32 $0xFFFFEC00  }
.LBB2_1:
0x24: {  	s30 =	simm.s32 $0x100;
	s1 =	simm.s32 $0x0  }
.LBB2_2:
0x25: {  	p0 =	sne.s32 s30, $0x7F00;
	[tilespmem:s1+$0x5030] =	vst v0;
	s19 =	smov.u32 s30;
	s30 =	sadd.s32 $0x100, s30  }
.Ltmp2:
0x26: {  	[tilespmem:s1+$0x5020] =	vst v0;
	(pc) =	sbr.rel @p0 .LBB2_2-.Ltmp2, $3  }
0x27: {  	[tilespmem:s1+$0x5000] =	vst v0  }
0x28: {  	[tilespmem:s1+$0x5010] =	vst v0;
	_ =	sdelay $0x1  }
0x29: {  	s1 =	sshra.s32 s19, $0x2  }
0x2a: {  	[tilespmem:s1+$0x5030] =	vst v0  }
0x2b: {  	[tilespmem:s1+$0x5020] =	vst v0  }
0x2c: {  	[tilespmem:s1+$0x5000] =	vst v0  }
0x2d: {  	[tilespmem:s1+$0x5010] =	vst v0  }
0x2e: {  	[spmem:s5] =	stream.linear.scatter [tilespmem:s14], [sflag:$0x9], $0x2000, $0x38;
	[tilespmem:$0x17000] =	vst v63  }
0x2f: {  	_ =	swait.ge [sflag:s15], $0x2000  }
0x30: {  	[sflag:s15] =	ssyncset.done $0x0  }
0x31: {  	s19 =	rddreg [dreg:$0x3];
	[sflag:s15] =	ssyncadd.s32 $0xFFFFE000  }
0x32: {  	[spmem:s19] =	stream.linear.scatter [tilespmem:s14], [sflag:$0x9], $0x2000, $0x38;
	[tilespmem:$0x17000] =	vst v63  }
0x33: {  	_ =	swait.ge [sflag:s15], $0x2000  }
0x34: {  	[sflag:s15] =	ssyncset.done $0x0  }
0x35: {  	s25 =	rddreg [dreg:$0x4];
	[sflag:s15] =	ssyncadd.s32 $0xFFFFE000  }
0x36: {  	[spmem:s25] =	stream.linear.scatter [tilespmem:s14], [sflag:$0x9], $0x2000, $0x38;
	[tilespmem:$0x17000] =	vst v63  }
0x37: {  	_ =	swait.ge [sflag:s15], $0x2000  }
0x38: {  	[sflag:s15] =	ssyncset.done $0x0  }
0x39: {  	[sflag:s15] =	ssyncadd.s32 $0xFFFFE000  }
0x3a: {  	[spmem:s8] =	stream.linear.scatter [tilespmem:s14], [sflag:$0x9], $0x2000, $0x38;
	[tilespmem:$0x17000] =	vst v63  }
0x3b: {  	_ =	swait.ge [sflag:s15], $0x2000  }
0x3c: {  	[sflag:s15] =	ssyncset.done $0x0  }
0x3d: {  	[sflag:s15] =	ssyncadd.s32 $0xFFFFE000  }
0x3e: {  	[spmem:s9] =	stream.linear.scatter [tilespmem:s14], [sflag:$0x9], $0x2000, $0x38;
	[tilespmem:$0x17000] =	vst v63  }
0x3f: {  	_ =	swait.ge [sflag:s15], $0x2000  }
0x40: {  	[sflag:s15] =	ssyncset.done $0x0  }
0x41: {  	s30 =	simm.s32 $0x0;
	[sflag:s15] =	ssyncadd.s32 $0xFFFFE000  }
0x42: {  	[tilespmem:s30], [sflag:$0x9] =	stream.linear.gather [hbm4b:s10+s30], $0x2800, $0x38;
	[tilespmem:$0x17000] =	vst v63  }
0x43: {  	_ =	swait.ge [sflag:s15], $0x2800  }
0x44: {  	[sflag:s15] =	ssyncset.done $0x0  }
0x45: {  	[sflag:s15] =	ssyncadd.s32 $0xFFFFD800  }
0x46: {  	[tilespmem:s16], [sflag:$0x9] =	stream.linear.gather [hbm4b:s11+s30], $0x2800, $0x38;
	[tilespmem:$0x17000] =	vst v63  }
0x47: {  	_ =	swait.ge [sflag:s15], $0x2800  }
0x48: {  	[sflag:s15] =	ssyncset.done $0x0  }
0x49: {  	[sflag:s15] =	ssyncadd.s32 $0xFFFFD800  }
0x4a: {  	[bflag:$0x0] =	sbarrier.arrive $0xFFFF  }
0x4b: {  	[tilespmem:s14], [sflag:$0x1] =	stream.indirect.gather [hbm4b:s4+s17], $0x40, s30, s17, $0xb8;
	[tilespmem:$0x17000] =	vst v63  }
0x4c: {  	_ = 	snop  }
0x4d: {  	[tilespmem:s18], [sflag:$0x2] =	stream.indirect.gather [hbm4b:s4+s17], $0x40, s17, s17, $0xb8;
	[tilespmem:$0x17000] =	vst v63  }
0x4e: {  	s6 =	simm.s32 $0x100  }
0x4f: {  	[tilespmem:s20], [sflag:$0x3] =	stream.indirect.gather [hbm4b:s4+s17], $0x40, s6, s17, $0xb8;
	[tilespmem:$0x17000] =	vst v63  }
0x50: {  	_ =	swait.ge [sflag:s21], $0x2000  }
0x51: {  	[sflag:s21] =	ssyncset.done $0x0  }
0x52: {  	[sflag:s21] =	ssyncadd.s32 $0xFFFFE000  }
0x53: {  	[spmem:s2] =	stream.indirect.scatter.add.f32 [tilespmem:s14], [sflag:$0x5], $0x40, s16, s17, $0xb8;
	[tilespmem:$0x17000] =	vst v63  }
0x54: {  	s7 =	simm.s32 $0x180  }
0x55: {  	[tilespmem:s23], [sflag:$0x4] =	stream.indirect.gather [hbm4b:s4+s17], $0x40, s7, s17, $0xb8;
	[tilespmem:$0x17000] =	vst v63  }
0x56: {  	_ =	swait.ge [sflag:s24], $0x2000  }
0x57: {  	[sflag:s24] =	ssyncset.done $0x0  }
0x58: {  	s19 =	simm.s32 $0x2880;
	[sflag:s24] =	ssyncadd.s32 $0xFFFFE000  }
0x59: {  	[spmem:s2] =	stream.indirect.scatter.add.f32 [tilespmem:s18], [sflag:$0x6], $0x40, s19, s17, $0xb8;
	[tilespmem:$0x17000] =	vst v63  }
0x5a: {  	_ =	swait.ge [sflag:s26], $0x2000  }
0x5b: {  	[sflag:s26] =	ssyncset.done $0x0  }
0x5c: {  	s25 =	simm.s32 $0x200;
	[sflag:s26] =	ssyncadd.s32 $0xFFFFE000  }
0x5d: {  	[tilespmem:s14], [sflag:$0x1] =	stream.indirect.gather [hbm4b:s4+s17], $0x40, s25, s17, $0xb8;
	[tilespmem:$0x17000] =	vst v63  }
0x5e: {  	_ =	swait.ge [sflag:s29], $0x2000  }
0x5f: {  	[sflag:s29] =	ssyncset.done $0x0  }
0x60: {  	s6 =	simm.s32 $0x2900;
	[sflag:s29] =	ssyncadd.s32 $0xFFFFE000  }
0x61: {  	[spmem:s2] =	stream.indirect.scatter.add.f32 [tilespmem:s20], [sflag:$0x7], $0x40, s6, s17, $0xb8;
	[tilespmem:$0x17000] =	vst v63  }
0x62: {  	_ =	swait.ge [sflag:s31], $0x2000  }
0x63: {  	[sflag:s31] =	ssyncset.done $0x0  }
0x64: {  	s7 =	simm.s32 $0x280;
	[sflag:s31] =	ssyncadd.s32 $0xFFFFE000  }
0x65: {  	[tilespmem:s18], [sflag:$0x2] =	stream.indirect.gather [hbm4b:s4+s17], $0x40, s7, s17, $0xb8;
	[tilespmem:$0x17000] =	vst v63  }
0x66: {  	_ =	swait.ge [sflag:s0], $0x2000  }
0x67: {  	[sflag:s0] =	ssyncset.done $0x0  }
0x68: {  	s19 =	simm.s32 $0x2980;
	[sflag:s0] =	ssyncadd.s32 $0xFFFFE000  }
0x69: {  	[spmem:s2] =	stream.indirect.scatter.add.f32 [tilespmem:s23], [sflag:$0x8], $0x40, s19, s17, $0xb8;
	[tilespmem:$0x17000] =	vst v63  }
0x6a: {  	_ =	swait.ge [sflag:s22], $0x2000  }
0x6b: {  	[sflag:s22] =	ssyncset.done $0x0  }
0x6c: {  	s25 =	simm.s32 $0x300;
	[sflag:s22] =	ssyncadd.s32 $0xFFFFE000  }
0x6d: {  	[tilespmem:s20], [sflag:$0x3] =	stream.indirect.gather [hbm4b:s4+s17], $0x40, s25, s17, $0xb8;
	[tilespmem:$0x17000] =	vst v63  }
.LBB2_4:
0x6e: {  	_ =	swait.ge [sflag:s21], $0x2000  }
0x6f: {  	s1 =	sshra.s32 s30, $0x2;
	[sflag:s21] =	ssyncset.done $0x0  }
0x70: {  	s19 =	sadd.s32 $0x2A00, s1;
	[sflag:s21] =	ssyncadd.s32 $0xFFFFE000  }
0x71: {  	[spmem:s2] =	stream.indirect.scatter.add.f32 [tilespmem:s14], [sflag:$0x5], $0x40, s19, s17, $0xb8;
	[tilespmem:$0x17000] =	vst v63  }
0x72: {  	_ =	swait.ge [sflag:s28], $0x2000  }
0x73: {  	[sflag:s28] =	ssyncset.done $0x0  }
0x74: {  	s6 =	sadd.s32 $0x380, s1;
	[sflag:s28] =	ssyncadd.s32 $0xFFFFE000  }
0x75: {  	[tilespmem:s23], [sflag:$0x4] =	stream.indirect.gather [hbm4b:s4+s17], $0x40, s6, s17, $0xb8;
	[tilespmem:$0x17000] =	vst v63  }
0x76: {  	_ =	swait.ge [sflag:s24], $0x2000  }
0x77: {  	p0 =	seq.s32 s30, $0x9000;
	[sflag:s24] =	ssyncset.done $0x0  }
0x78: {  	s7 =	sadd.s32 $0x2A80, s1;
	s19 =	simm.s32 @p0 $0x3;
	[sflag:s24] =	ssyncadd.s32 $0xFFFFE000  }
0x79: {  	[spmem:s2] =	stream.indirect.scatter.add.f32 [tilespmem:s18], [sflag:$0x6], $0x40, s7, s17, $0xb8;
	[tilespmem:$0x17000] =	vst v63  }
0x7a: {  	_ =	swait.ge @p0 [sflag:s19], $0x2000  }
0x7b: {  	[sflag:s19] =	ssyncset.done @p0 $0x0  }
0x7c: {  	[sflag:s19] =	ssyncadd.s32 @p0 $0xFFFFE000;
	s19 =	sshra.s32 @p0 s30, $0x2  }
0x7d: {  	s25 =	simm.s32 @p0 $0x80;
	s6 =	simm.s32 @p0 $0x9000;
	s19 =	sadd.s32 @p0 $0x2B00, s19  }
0x7e: {  	[spmem:s2] =	stream.indirect.scatter.add.f32 @p0 [tilespmem:s6], [sflag:$0x7], $0x40, s19, s25, $0xb8;
	[tilespmem:$0x17000] =	vst v63  }
0x7f: {  	s6 =	simm.s32 @!p0 $0x5  }
0x80: {  	_ =	swait.ge @!p0 [sflag:s6], $0x2000  }
0x81: {  	[sflag:s6] =	ssyncset.done @!p0 $0x0  }
0x82: {  	[sflag:s6] =	ssyncadd.s32 @!p0 $0xFFFFE000;
	s6 =	sshra.s32 @!p0 s30, $0x2  }
0x83: {  	s7 =	simm.s32 @!p0 $0x5000;
	s25 =	simm.s32 @!p0 $0x80;
	s19 =	sadd.s32 @!p0 $0x400, s6  }
0x84: {  	[tilespmem:s7], [sflag:$0x1] =	stream.indirect.gather @!p0 [hbm4b:s4+s25], $0x40, s19, s25, $0xb8;
	[tilespmem:$0x17000] =	vst v63  }
0x85: {  	s7 =	simm.s32 @!p0 $0x3  }
0x86: {  	_ =	swait.ge @!p0 [sflag:s7], $0x2000  }
0x87: {  	[sflag:s7] =	ssyncset.done @!p0 $0x0  }
0x88: {  	s19 =	simm.s32 @!p0 $0x9000;
	[sflag:s7] =	ssyncadd.s32 @!p0 $0xFFFFE000;
	s7 =	sadd.s32 @!p0 $0x2B00, s6  }
0x89: {  	[spmem:s2] =	stream.indirect.scatter.add.f32 @!p0 [tilespmem:s19], [sflag:$0x7], $0x40, s7, s25, $0xb8;
	[tilespmem:$0x17000] =	vst v63  }
0x8a: {  	s7 =	simm.s32 @!p0 $0x6  }
0x8b: {  	_ =	swait.ge @!p0 [sflag:s7], $0x2000  }
0x8c: {  	[sflag:s7] =	ssyncset.done @!p0 $0x0  }
0x8d: {  	s6 =	sadd.s32 @!p0 $0x480, s6;
	[sflag:s7] =	ssyncadd.s32 @!p0 $0xFFFFE000;
	s7 =	simm.s32 @!p0 $0x7000  }
0x8e: {  	[tilespmem:s7], [sflag:$0x2] =	stream.indirect.gather @!p0 [hbm4b:s4+s25], $0x40, s6, s25, $0xb8;
	[tilespmem:$0x17000] =	vst v63  }
.Ltmp3:
0x8f: {  	_ = 	snop;
	(pc) =	sbr.rel @p0 .LBB2_6-.Ltmp3, $4  }
0x90: {  	_ =	swait.ge [sflag:s0], $0x2000  }
0x91: {  	[sflag:s0] =	ssyncset.done $0x0  }
0x92: {  	s25 =	sadd.s32 $0x2B80, s1;
	[sflag:s0] =	ssyncadd.s32 $0xFFFFE000  }
0x93: {  	[spmem:s2] =	stream.indirect.scatter.add.f32 [tilespmem:s23], [sflag:$0x8], $0x40, s25, s17, $0xb8;
	[tilespmem:$0x17000] =	vst v63  }
.Ltmp4:
0x94: {  	(pc) =	sbr.rel .LBB2_4-.Ltmp4, $4  }
0x95: {  	_ =	swait.ge [sflag:s22], $0x2000  }
0x96: {  	[sflag:s22] =	ssyncset.done $0x0  }
0x97: {  	s1 =	sadd.s32 $0x500, s1;
	s30 =	sadd.s32 $0x800, s30;
	[sflag:s22] =	ssyncadd.s32 $0xFFFFE000  }
0x98: {  	[tilespmem:s20], [sflag:$0x3] =	stream.indirect.gather [hbm4b:s4+s17], $0x40, s1, s17, $0xb8;
	[tilespmem:$0x17000] =	vst v63  }
.LBB2_7:
0x99: {  	_ =	sfence.sel $0x180000  }
0x9a: {  	[bflag:$0x0] =	sbarrier.arrive $0xFFFF  }
0x9b: {  	_ =	strace $0x9000004D  }
0x9c: {  	s0 =	stileid.u32;
	[bflag:$0x2] =	sbarrier.arrive $0xFFFF  }
0x9d: {  	p0 =	sne.s32 s0, $0x0;
	s0 =	rddreg [dreg:$0x2]  }
0x9e: {  	s0 =	sadd.s32 @!p0 $0x100000, s0  }
0x9f: {  	[sflag:s0] =	ssyncadd.tile.s32 @!p0 $0x1;
	_ =	shalt  }
.Lfunc_end2:
_tile_overlayer_lowered:
.L_overlay_start_2:
0xa0: {  	(tag) =	ssettag $0x2  }
0xa1: {  	s0 =	rddreg [dreg:$0x0];
	s2 =	stileid.u32  }
0xa2: {  	s1 =	rddreg [dreg:$0x1];
	p0 =	sne.s32 s2, $0x0  }
0xa3: {  	s3 =	rddreg [dreg:$0x2];
	[bflag:$0x3] =	sbarrier.arrive $0xFFFF;
	s2 =	simm.s32 @!p0 $0x1C09  }
0xa4: {  	[timem:s3], [sflag:s2] =	dma.local @!p0 [hbm:s0], s1  }
0xa5: {  	s0 =	simm.s32 @!p0 $0x9  }
0xa6: {  	_ =	swait.ge @!p0 [sflag:s0], s1  }
0xa7: {  	s1 =	ssub.s32 @!p0 $0x0, s1;
	[sflag:s0] =	ssyncset.done @!p0 $0x0  }
0xa8: {  	[sflag:s0] =	ssyncadd.s32 @!p0 s1  }
0xa9: {  	[bflag:$0x3] =	sbarrier.arrive $0xFFFF  }
0xaa: {  	_ =	shalt  }

// kernel: kernel.8.cloned.1.call-start
scs
__scs_entry_jumppad:
0x0: {  	(pc) =	sbr.rel $0x88, $3  }
0x1: {  	(tag) =	ssettag $0x0;
	lr =	simm.s32 $0x1  }
0x2: {  	[smem:$0x3F9B] =	sst lr;
	_ =	strace $0xD0000000  }
0x3: {  	_ = 	snop  }
0x4: {  	_ = 	snop  }
0x5: {  	_ = 	snop  }
0x6: {  	_ = 	snop  }
0x7: {  	_ = 	snop  }
__scs_overlays_trampoline_lowered:
0x8: {  	[smem:$0x3FAA] =	sst s0  }
0x9: {  	[smem:$0x3FAB] =	sst s1  }
0xa: {  	[smem:$0x3FAC] =	sst s2  }
0xb: {  	[smem:$0x3FAD] =	sst s3  }
0xc: {  	[smem:$0x3FAE] =	sst s4  }
0xd: {  	[smem:$0x3FAF] =	sst s5  }
0xe: {  	[smem:$0x3FB0] =	sst s6  }
0xf: {  	[smem:$0x3FB1] =	sst s7  }
0x10: {  	[smem:$0x3FB2] =	sst s8  }
0x11: {  	[smem:$0x3FB3] =	sst s9;
	s0 =	simm.s32 @!p0 $0x0  }
0x12: {  	s1 =	sld [smem:$0x3F99];
	s0 =	simm.s32 @p0 $0x1  }
0x13: {  	[smem:$0x3FB4] =	sst s0;
	s0 =	simm.s32 @!p1 $0x0  }
0x14: {  	s2 =	sld [smem:$0x3F98];
	s0 =	simm.s32 @p1 $0x1  }
0x15: {  	[smem:$0x3FB5] =	sst s0;
	s0 =	simm.s32 @!p2 $0x0  }
0x16: {  	s3 =	sld [smem:$0x3FDB];
	s0 =	simm.s32 @p2 $0x1  }
0x17: {  	s4 =	simm.s32 $0x1BF5;
	[smem:$0x3FB7] =	sst s0  }
0x18: {  	s0 =	sld [smem:$0x3F9A];
	_ =	swait.ge [sflag:s4], $0x0  }
0x19: {  	s7 =	sld [smem:$0x3F9B]  }
0x1a: {  	s8 =	sadd.s32 $0xFFFFE003, lr  }
0x1b: {  	s9 =	sadd.s32 $0xFFFFFEF7, lr;
	s5 =	simm.s32 $0xFFFFFFFF;
	p2 =	slt.u32 s8, $0xFFFFF086  }
0x1c: {  	p1 =	slt.u32 s9, $0xF7A;
	s5 =	simm.s32 @!p2 $0x0  }
0x1d: {  	s5 =	simm.s32 @p1 $0x1;
	p0 =	seq.s32 s7, s2  }
0x1e: {  	s7 =	smul.u32 @!p0 $0xF7A, s2;
	p2 =	seq.s32 @!p0 s5, $0x0  }
0x1f: {  	s9 =	smul.u32 $0xF7A, s1;
	s8 =	simm.s32 @!p0 $0x1BF5;
	p2 =	por !p2, p0  }
0x20: {  	[sflag:s8] =	ssyncset.s32 @!p0 $0xFFFFF086;
	s6 =	sadd.s32 @!p0 s3, s7;
	s7 =	simm.s32 @!p0 $0x108  }
0x21: {  	s3 =	sadd.s32 s3, s9;
	s6 =	sadd.s32 @!p0 $0x88, s6;
	s7 =	simm.s32 @p2 $0x1082  }
0x22: {  	[simem:s7], [sflag:s8] =	dma.local @!p0 [hbm:s6], $0xF7A  }
0x23: {  	s9 =	sor.u32 $0xD0000000, s2;
	s6 =	simm.s32 $0x108;
	_ =	swait.ge @!p0 [sflag:s8], $0x0  }
0x24: {  	s3 =	sadd.s32 $0x88, s3;
	s6 =	simm.s32 @!p1 $0x1082;
	[sflag:s4] =	ssyncset.s32 $0xFFFFF086  }
0x25: {  	[simem:s6], [sflag:s4] =	dma.local [hbm:s3], $0xF7A  }
0x26: {  	[smem:$0x3F9B] =	sst s1;
	(tag) =	ssettag s2;
	_ =	strace s9  }
0x27: {  	s1 =	sld [smem:$0x3FAB]  }
0x28: {  	s2 =	sld [smem:$0x3FAC]  }
0x29: {  	s4 =	sld [smem:$0x3FAE]  }
0x2a: {  	p0 =	seq.s32 s5, $0x0;
	s5 =	sld [smem:$0x3FAF]  }
0x2b: {  	s6 =	sld [smem:$0x3FB0]  }
0x2c: {  	s7 =	sld [smem:$0x3FB1]  }
0x2d: {  	s3 =	simm.s32 $0x108;
	s8 =	sld [smem:$0x3FB2]  }
0x2e: {  	s3 =	simm.s32 @!p0 $0x1082;
	s9 =	sld [smem:$0x3FB3]  }
0x2f: {  	lr =	sadd.s32 s0, s3;
	s0 =	sld [smem:$0x3FAA]  }
0x30: {  	s3 =	sld [smem:$0x3FAD]  }
0x31: {  	[smem:$0x3FB6] =	sst s10  }
0x32: {  	s10 =	sld [smem:$0x3FB4];
	_ =	sdelay $0x3  }
0x33: {  	p0 =	seq.s32 s10, $0x1;
	s10 =	sld [smem:$0x3FB6];
	_ =	sdelay $0x3  }
0x34: {  	[smem:$0x3FB6] =	sst s10  }
0x35: {  	s10 =	sld [smem:$0x3FB5];
	_ =	sdelay $0x3  }
0x36: {  	p1 =	seq.s32 s10, $0x1;
	s10 =	sld [smem:$0x3FB6];
	_ =	sdelay $0x3  }
0x37: {  	[smem:$0x3FB6] =	sst s10  }
0x38: {  	s10 =	sld [smem:$0x3FB7]  }
0x39: {  	_ = 	snop;
	(pc) =	sbr.ind lr, $3  }
0x3a: {  	_ = 	snop  }
0x3b: {  	_ = 	snop  }
0x3c: {  	p2 =	seq.s32 s10, $0x1;
	s10 =	sld [smem:$0x3FB6]  }
0x3d: {  	_ =	shalt  }
0x3e: {  	_ =	shalt  }
0x3f: {  	_ =	shalt  }
0x40: {  	_ =	shalt  }
0x41: {  	_ =	shalt  }
0x42: {  	_ =	shalt  }
0x43: {  	_ =	shalt  }
0x44: {  	_ =	shalt  }
0x45: {  	_ =	shalt  }
0x46: {  	_ =	shalt  }
0x47: {  	_ =	shalt  }
0x48: {  	_ =	shalt  }
0x49: {  	_ =	shalt  }
0x4a: {  	_ =	shalt  }
0x4b: {  	_ =	shalt  }
0x4c: {  	_ =	shalt  }
0x4d: {  	_ =	shalt  }
0x4e: {  	_ =	shalt  }
0x4f: {  	_ =	shalt  }
0x50: {  	_ =	shalt  }
0x51: {  	_ =	shalt  }
0x52: {  	_ =	shalt  }
0x53: {  	_ =	shalt  }
0x54: {  	_ =	shalt  }
0x55: {  	_ =	shalt  }
0x56: {  	_ =	shalt  }
0x57: {  	_ =	shalt  }
0x58: {  	_ =	shalt  }
0x59: {  	_ =	shalt  }
0x5a: {  	_ =	shalt  }
0x5b: {  	_ =	shalt  }
0x5c: {  	_ =	shalt  }
0x5d: {  	_ =	shalt  }
0x5e: {  	_ =	shalt  }
0x5f: {  	_ =	shalt  }
0x60: {  	_ =	shalt  }
0x61: {  	_ =	shalt  }
0x62: {  	_ =	shalt  }
0x63: {  	_ =	shalt  }
0x64: {  	_ =	shalt  }
0x65: {  	_ =	shalt  }
0x66: {  	_ =	shalt  }
0x67: {  	_ =	shalt  }
0x68: {  	_ =	shalt  }
0x69: {  	_ =	shalt  }
0x6a: {  	_ =	shalt  }
0x6b: {  	_ =	shalt  }
0x6c: {  	_ =	shalt  }
0x6d: {  	_ =	shalt  }
0x6e: {  	_ =	shalt  }
0x6f: {  	_ =	shalt  }
0x70: {  	_ =	shalt  }
0x71: {  	_ =	shalt  }
0x72: {  	_ =	shalt  }
0x73: {  	_ =	shalt  }
0x74: {  	_ =	shalt  }
0x75: {  	_ =	shalt  }
0x76: {  	_ =	shalt  }
0x77: {  	_ =	shalt  }
0x78: {  	_ =	shalt  }
0x79: {  	_ =	shalt  }
0x7a: {  	_ =	shalt  }
0x7b: {  	_ =	shalt  }
0x7c: {  	_ =	shalt  }
0x7d: {  	_ =	shalt  }
0x7e: {  	_ =	shalt  }
0x7f: {  	_ =	shalt  }
0x80: {  	_ =	shalt  }
0x81: {  	_ =	shalt  }
0x82: {  	_ =	shalt  }
0x83: {  	_ =	shalt  }
0x84: {  	_ =	shalt  }
0x85: {  	_ =	shalt  }
0x86: {  	_ =	shalt  }
0x87: {  	_ =	shalt  }
.Lfunc_end0:
.L_simem_size_0:
called_computation_lowered:
.L_overlay_start_0:
0x88: {  	s2 =	sld [smem:$0x3FD9]  }
0x89: {  	s3 =	sld [smem:$0x3FFE];
	_ =	sdelay $0x1  }
0x8a: {  	s1 =	srdreg.scid  }
0x8b: {  	s0 =	sand.u32 $0x1, s1  }
0x8c: {  	s16 =	sshll.u32 s0, $0xA;
	s2 =	sadd.s32 s3, s2  }
0x8d: {  	s2 =	sadd.s32 s2, s16  }
0x8e: {  	[smem:$0x3FC2] =	sst s2  }
0x8f: {  	_ = 	snop  }
0x90: {  	(tm) =	ssettm $0x1  }
0x91: {  	s17 =	sld [smem:$0x3FFB];
	_ =	sdelay $0x3  }
0x92: {  	_ =	strace s17  }
0x93: {  	s2 =	sld [smem:$0x3FFC];
	_ =	sdelay $0x3  }
0x94: {  	_ =	strace s2  }
0x95: {  	s2 =	sld [smem:$0x3FFD];
	_ =	sdelay $0x3  }
0x96: {  	_ =	strace s2  }
0x97: {  	_ =	strace $0x8FFFFFFF  }
0x98: {  	s18 =	sld [smem:$0x3FDB];
	_ =	sdelay $0x1  }
0x99: {  	s19 =	simm.s32 $_scs_section_size  }
0x9a: {  	s4 =	simm.s32 $_size__tile_overlayer_lowered;
	s5 =	simm.s32 $_tile_overlayer_lowered  }
0x9b: {  	s22 =	simm.s32 $0x1BFF;
	s21 =	sshll.u32 s5, $0x1;
	s2 =	sadd.s32 s19, s18  }
0x9c: {  	s6 =	simm.s32 $0x0;
	s20 =	sshll.u32 s4, $0x1;
	s4 =	sadd.s32 s21, s2  }
0x9d: {  	[timem:s6], [sflag:s22] =	dma.local [hbm:s4], s20  }
0x9e: {  	_ =	swait.ge [sflag:s22], s20  }
0x9f: {  	s3 =	ssub.s32 $0x0, s20;
	[sflag:s22] =	ssyncset.done $0x0  }
0xa0: {  	[sflag:s22] =	ssyncadd.s32 s3;
	_ =	sdelay $0x1  }
0xa1: {  	s23 =	simm.s32 $0x1B8B  }
0xa2: {  	_ =	swait.ge [sflag:s23], $0x1  }
0xa3: {  	[sflag:s23] =	ssyncset.done $0x0  }
0xa4: {  	s25 =	simm.s32 $0x1B8E;
	s24 =	sld [smem:$0x3FFE];
	[sflag:s23] =	ssyncadd.s32 $0xFFFFFFFF  }
0xa5: {  	s26 =	simm.s32 $execute0_lowered;
	[smem:$0x3FD2] =	sst s25  }
0xa6: {  	s4 =	sshll.u32 s26, $0x1;
	_ =	strace $0x80000046;
	[dreg:$0x1] =	wrdreg $0xFFFFFFFF  }
0xa7: {  	s28 =	simm.s32 $_size_execute0_lowered;
	s2 =	sadd.s32 s2, s4;
	[dreg:$0x0] =	wrdreg $0x0  }
0xa8: {  	s4 =	sshll.u32 s28, $0x1;
	[dreg:$0x2] =	wrdreg s2  }
0xa9: {  	[dreg:$0x3] =	wrdreg s4  }
0xaa: {  	[dreg:$0x4] =	wrdreg $0xC0  }
0xab: {  	_ =	task [dreg:s6], $0x5FFFF  }
0xac: {  	[dreg:$0x1] =	wrdreg $0xFFFFFFFF  }
0xad: {  	[dreg:$0x0] =	wrdreg $0x60  }
0xae: {  	[dreg:$0x2] =	wrdreg s24  }
0xaf: {  	[dreg:$0x3] =	wrdreg $0x48000  }
0xb0: {  	[dreg:$0x4] =	wrdreg $0x9  }
0xb1: {  	_ =	task.clear_ibuf [dreg:s6], $0x5FFFF;
	_ =	strace $0x90000046  }
0xb2: {  	s29 =	simm.s32 $0x9;
	_ =	strace $0x80000048  }
0xb3: {  	_ =	swait.ge [sflag:s29], $0x1  }
0xb4: {  	[sflag:s29] =	ssyncadd.s32 $0xFFFFFFFF  }
0xb5: {  	_ =	strace $0x90000048  }
0xb6: {  	_ =	sfence  }
0xb7: {  	s30 =	sld [smem:$0x0];
	_ =	sdelay $0x2  }
0xb8: {  	s31 =	sshll.u32 s1, $0xD;
	s1 =	sshrl.u32 s1, $0x2  }
0xb9: {  	s3 =	sand.u32 $0x4000, s31;
	s1 =	sadd.s32 s1, s30  }
0xba: {  	s0 =	sor.u32 s3, s0;
	s1 =	sshll.u32 s1, $0x11  }
0xbb: {  	s0 =	sor.u32 s1, s0  }
0xbc: {  	s0 =	sadd.s32 $0x8F2B, s0  }
0xbd: {  	[sflag:s0] =	ssyncadd.remote.s32 $0x1  }
0xbe: {  	_ =	sfence.sel $0xFFFF  }
0xbf: {  	[dreg:$0x0] =	wrdreg $0xFFFFFFFF;
	(pc) =	sbr.abs _section_cstart, $3  }
0xc0: {  	[dreg:$0x1] =	wrdreg $0xFFFFFFFF  }
0xc1: {  	_ =	task.clear_ibuf [dreg:s6], $0x2FFFF;
	_ =	strace $0x9FFFFFFF  }
0xc2: {  	(tm) =	ssettm $0x7FFFFFFF  }
0xc3: {  	_ =	shalt  }
tec
execute0_lowered:
.L_overlay_start_1:
0x0: {  	(tag) =	ssettag $0x1  }
0x1: {  	s10 =	rddreg [dreg:$0x0]  }
0x2: {  	s1 =	rddreg [dreg:$0x1]  }
0x3: {  	s0 =	rddreg [dreg:$0x2];
	s3 =	simm.s32 $0x0;
	s4 =	srdreg.scid  }
0x4: {  	s2 =	stileid.u32;
	s14 =	simm.s32 $0x2BE00;
	s15 =	simm.s32 $0x1  }
0x5: {  	[smem:$0x7FF] =	sst s3;
	s8 =	sand.u32 $0x1, s4;
	s5 =	smul.u32 $0x28000, s2  }
0x6: {  	s11 =	smul.u32 $0xA000, s2;
	s7 =	sshll.u32 s2, $0x1;
	_ =	strace $0x80000047  }
0x7: {  	s4 =	ssub.s32 $0x2, s8;
	s29 =	sor.u32 s8, s7;
	p0 =	seq.s32 s8, $0x1  }
0x8: {  	s6 =	sshrl.u32 s4, $0x1;
	s5 =	sshrl.u32 s5, $0x2;
	s13 =	smul.u32 $0x2800, s29  }
0x9: {  	s14 =	simm.s32 @!p0 $0x17E00;
	s12 =	ssub.s32 s4, s6;
	s4 =	sadd.s32 s11, s1  }
0xa: {  	s9 =	sadd.s32 s5, s1;
	s11 =	sshrl.u32 s11, $0x3;
	s31 =	sadd.s32 s14, s10  }
0xb: {  	s14 =	simm.s32 $0x80;
	s5 =	sadd.s32 $0x2000, s9;
	s6 =	sadd.s32 $0x4000, s9  }
0xc: {  	s7 =	sadd.s32 $0x6000, s9;
	s13 =	sshrl.u32 s13, $0x3;
	s8 =	sadd.s32 $0x8000, s9  }
0xd: {  	s11 =	sadd.s32 s31, s11;
	s30 =	sadd.s32 s10, s13;
	s10 =	smax.u32 s12, $0x1  }
0xe: {  	v0 =	vimm.f32 $0.0e+00;
	v1 =	vimm.f32 $1.000000000e+00;
	s12 =	simm.s32 $0x2800;
	s13 =	simm.s32 $0x2;
	s9 =	sadd.s32 $0xDE00, s30  }
.LBB2_1:
0xf: {  	s17 =	simm.s32 $0x100;
	s16 =	simm.s32 $0x0  }
.LBB2_2:
0x10: {  	p0 =	sne.s32 s17, $0x7F00;
	[tilespmem:s16+$0x2830] =	vst v0;
	s18 =	smov.u32 s17;
	s17 =	sadd.s32 $0x100, s17  }
.Ltmp0:
0x11: {  	[tilespmem:s16+$0x2820] =	vst v0;
	(pc) =	sbr.rel @p0 .LBB2_2-.Ltmp0, $3  }
0x12: {  	[tilespmem:s16+$0x2800] =	vst v0  }
0x13: {  	[tilespmem:s16+$0x2810] =	vst v0;
	_ =	sdelay $0x1  }
0x14: {  	s16 =	sshra.s32 s18, $0x2  }
0x15: {  	[tilespmem:s16+$0x2830] =	vst v0  }
0x16: {  	[tilespmem:s16+$0x2820] =	vst v0  }
0x17: {  	[tilespmem:s16+$0x2800] =	vst v0  }
0x18: {  	[tilespmem:s16+$0x2810] =	vst v0  }
0x19: {  	[spmem:s4] =	stream.linear.scatter [tilespmem:s12], [sflag:$0x2], $0x2000, $0x38;
	[tilespmem:$0xE800] =	vst v63  }
0x1a: {  	_ =	swait.ge [sflag:s13], $0x2000  }
0x1b: {  	[sflag:s13] =	ssyncset.done $0x0  }
0x1c: {  	[sflag:s13] =	ssyncadd.s32 $0xFFFFE000  }
0x1d: {  	[spmem:s5] =	stream.linear.scatter [tilespmem:s12], [sflag:$0x2], $0x2000, $0x38;
	[tilespmem:$0xE800] =	vst v63  }
0x1e: {  	_ =	swait.ge [sflag:s13], $0x2000  }
0x1f: {  	[sflag:s13] =	ssyncset.done $0x0  }
0x20: {  	[sflag:s13] =	ssyncadd.s32 $0xFFFFE000  }
0x21: {  	[spmem:s6] =	stream.linear.scatter [tilespmem:s12], [sflag:$0x2], $0x2000, $0x38;
	[tilespmem:$0xE800] =	vst v63  }
0x22: {  	_ =	swait.ge [sflag:s13], $0x2000  }
0x23: {  	[sflag:s13] =	ssyncset.done $0x0  }
0x24: {  	[sflag:s13] =	ssyncadd.s32 $0xFFFFE000  }
0x25: {  	[spmem:s7] =	stream.linear.scatter [tilespmem:s12], [sflag:$0x2], $0x2000, $0x38;
	[tilespmem:$0xE800] =	vst v63  }
0x26: {  	_ =	swait.ge [sflag:s13], $0x2000  }
0x27: {  	[sflag:s13] =	ssyncset.done $0x0  }
0x28: {  	[sflag:s13] =	ssyncadd.s32 $0xFFFFE000  }
0x29: {  	[spmem:s8] =	stream.linear.scatter [tilespmem:s12], [sflag:$0x2], $0x2000, $0x38;
	[tilespmem:$0xE800] =	vst v63  }
0x2a: {  	_ =	swait.ge [sflag:s13], $0x2000  }
0x2b: {  	[sflag:s13] =	ssyncset.done $0x0  }
0x2c: {  	s17 =	simm.s32 $0x100;
	s16 =	simm.s32 $0x0;
	[sflag:s13] =	ssyncadd.s32 $0xFFFFE000  }
.LBB2_4:
0x2d: {  	p0 =	sne.s32 s17, $0x7F00;
	[tilespmem:s16+$0x2830] =	vst v1;
	s18 =	smov.u32 s17;
	s17 =	sadd.s32 $0x100, s17  }
.Ltmp1:
0x2e: {  	[tilespmem:s16+$0x2820] =	vst v1;
	(pc) =	sbr.rel @p0 .LBB2_4-.Ltmp1, $3  }
0x2f: {  	[tilespmem:s16+$0x2800] =	vst v1  }
0x30: {  	[tilespmem:s16+$0x2810] =	vst v1;
	_ =	sdelay $0x1  }
0x31: {  	s16 =	sshra.s32 s18, $0x2  }
0x32: {  	[tilespmem:s16+$0x2830] =	vst v1  }
0x33: {  	[tilespmem:s16+$0x2820] =	vst v1  }
0x34: {  	[tilespmem:s16+$0x2800] =	vst v1  }
0x35: {  	[tilespmem:s16+$0x2810] =	vst v1;
	s16 =	simm.s32 $0x0  }
0x36: {  	[tilespmem:s16], [sflag:$0x2] =	stream.linear.gather [hbm4b:s9+s16], $0x2800, $0x38;
	[tilespmem:$0xE800] =	vst v63  }
0x37: {  	_ =	swait.ge [sflag:s13], $0x2800  }
0x38: {  	[sflag:s13] =	ssyncset.done $0x0  }
0x39: {  	[sflag:s13] =	ssyncadd.s32 $0xFFFFD800  }
0x3a: {  	[bflag:$0x0] =	sbarrier.arrive $0xFFFF  }
.LBB2_6:
0x3b: {  	p0 =	sne.s32 s16, $0x9E00  }
.Ltmp2:
0x3c: {  	_ = 	snop;
	(pc) =	sbr.rel @p0 .LBB2_6-.Ltmp2, $3  }
0x3d: {  	_ =	sdelay $0x1  }
0x3e: {  	s17 =	sshra.s32 s16, $0x2;
	s16 =	sadd.s32 $0x200, s16  }
0x3f: {  	[spmem:s1] =	stream.indirect.scatter.add.f32 [tilespmem:s12], [sflag:$0x1], $0x40, s17, s14, $0xb8;
	[tilespmem:$0xE800] =	vst v63  }
0x40: {  	_ =	swait.ge [sflag:s15], $0x2000  }
0x41: {  	s16 =	simm.s32 $0x4F;
	[sflag:s15] =	ssyncset.done $0x0  }
.LBB2_8:
0x42: {  	p0 =	sne.s32 s16, $0x1;
	s16 =	sadd.s32 $0xFFFFFFFF, s16;
	[sflag:s15] =	ssyncadd.s32 $0xFFFFE000  }
.Ltmp3:
0x43: {  	(pc) =	sbr.rel @p0 .LBB2_8-.Ltmp3, $3  }
0x44: {  	_ =	sdelay $0x1  }
0x45: {  	_ =	swait.ge [sflag:s15], $0x2000  }
0x46: {  	[sflag:s15] =	ssyncset.done $0x0  }
0x47: {  	[sflag:s15] =	ssyncadd.s32 $0xFFFFE000;
	s3 =	sadd.s32 $0x1, s3  }
0x48: {  	s16 =	sshll.u32 s2, $0x6;
	s17 =	sshrl.u32 s4, $0x3;
	p0 =	sne.s32 s3, s10  }
.Ltmp4:
0x49: {  	[bflag:$0x0] =	sbarrier.arrive $0xFFFF;
	s16 =	sor.u32 $0x1C02, s16;
	(pc) =	sbr.rel @p0 .LBB2_1-.Ltmp4, $4  }
0x4a: {  	[hbm:s11], [sflag:s16] =	dma.local [spmem:s17], $0x1400  }
0x4b: {  	_ =	swait.ge [sflag:s13], $0x1400  }
0x4c: {  	[sflag:s13] =	ssyncset.done $0x0  }
0x4d: {  	[sflag:s13] =	ssyncadd.s32 $0xFFFFEC00  }
0x4e: {  	_ =	sfence.sel $0x180000  }
0x4f: {  	[bflag:$0x0] =	sbarrier.arrive $0xFFFF  }
0x50: {  	p0 =	sne.s32 s2, $0x0;
	_ =	strace $0x90000047  }
0x51: {  	s0 =	sadd.s32 @!p0 $0x100000, s0;
	[bflag:$0x2] =	sbarrier.arrive $0xFFFF  }
0x52: {  	[sflag:s0] =	ssyncadd.tile.s32 @!p0 $0x1;
	_ =	shalt  }
.Lfunc_end2:
_tile_overlayer_lowered:
.L_overlay_start_2:
0x53: {  	(tag) =	ssettag $0x2  }
0x54: {  	s0 =	rddreg [dreg:$0x0];
	s2 =	stileid.u32  }
0x55: {  	s1 =	rddreg [dreg:$0x1];
	p0 =	sne.s32 s2, $0x0  }
0x56: {  	s3 =	rddreg [dreg:$0x2];
	[bflag:$0x3] =	sbarrier.arrive $0xFFFF;
	s2 =	simm.s32 @!p0 $0x1C02  }
0x57: {  	[timem:s3], [sflag:s2] =	dma.local @!p0 [hbm:s0], s1  }
0x58: {  	s0 =	simm.s32 @!p0 $0x2  }
0x59: {  	_ =	swait.ge @!p0 [sflag:s0], s1  }
0x5a: {  	s1 =	ssub.s32 @!p0 $0x0, s1;
	[sflag:s0] =	ssyncset.done @!p0 $0x0  }
0x5b: {  	[sflag:s0] =	ssyncadd.s32 @!p0 s1  }
0x5c: {  	[bflag:$0x3] =	sbarrier.arrive $0xFFFF  }
0x5d: {  	_ =	shalt  }

</sc_bundles>
